<compile_context>
chip_gen: v7x
topology: tpu7x:2x2x1
jax: 0.10.2.dev20260603
libtpu: 0.0.44.dev20260713+nightly
codegen_flags: <defaults>
</compile_context>

<pallas_src>
import jax
import jax.numpy as jnp
from jax import lax
from jax.experimental import pallas as pl
from jax.experimental.pallas import tpu as pltpu
from jax.experimental.pallas import tpu_sc as plsc

N = 10000
C = 256
E = 160000
CH = 128
BN = 1000
NSUB = 16
ROWS_PER_SUB = 632
NPAD = NSUB * ROWS_PER_SUB

def _dotT(a, b):
    ah = a.astype(jnp.bfloat16)
    al = (a - ah.astype(jnp.float32)).astype(jnp.bfloat16)
    bh = b.astype(jnp.bfloat16)
    bl = (b - bh.astype(jnp.float32)).astype(jnp.bfloat16)

    def dg(u, v):
        return lax.dot_general(u, v, (((1,), (1,)), ((), ())),
                               preferred_element_type=jnp.float32)

    return dg(ah, bh) + dg(al, bh) + dg(ah, bl)


def _nf_body(x_ref, wn_ref, bn_ref, nf_ref):
    nf_ref[...] = _dotT(x_ref[...], wn_ref[...]) + bn_ref[...]


def _nf_call(x, Wn, bn2):
    return pl.pallas_call(
        _nf_body,
        grid=(2, N // BN),
        in_specs=[
            pl.BlockSpec((BN, C), lambda h, i: (i, 0)),
            pl.BlockSpec((CH, C), lambda h, i: (h, 0)),
            pl.BlockSpec((1, CH), lambda h, i: (0, h)),
        ],
        out_specs=pl.BlockSpec((BN, CH), lambda h, i: (h * (N // BN) + i, 0)),
        out_shape=jax.ShapeDtypeStruct((2 * N, CH), jnp.float32),
    )(x, Wn, bn2)


def _t_body(x_ref, ws_ref, bs_ref, wg1a_ref, t_ref):
    s = _dotT(x_ref[...], ws_ref[...]) + bs_ref[...]
    t_ref[...] = _dotT(s, wg1a_ref[...])


def _t_call(x, Ws, bs2, Wg1a):
    return pl.pallas_call(
        _t_body,
        grid=(N // BN,),
        in_specs=[
            pl.BlockSpec((BN, C), lambda i: (i, 0)),
            pl.BlockSpec((C, C), lambda i: (0, 0)),
            pl.BlockSpec((1, C), lambda i: (0, 0)),
            pl.BlockSpec((C, C), lambda i: (0, 0)),
        ],
        out_specs=pl.BlockSpec((BN, C), lambda i: (i, 0)),
        out_shape=jax.ShapeDtypeStruct((N, C), jnp.float32),
    )(x, Ws, bs2, Wg1a)


KSC = 80
EPAD = 163840
NCH_PAD = EPAD // KSC
QSUB = NCH_PAD // NSUB
SUPER = 8
NSUPER = QSUB // SUPER


def _scale_chunk(gbuf, sbuf, wbuf):
    @plsc.parallel_loop(0, KSC, unroll=2)
    def _edges(j):
        wb = wbuf[pl.ds(j * 16, 16)]
        for h in range(CH // 16):
            sl = pl.ds(h * 16, 16)
            sbuf[j, sl] = gbuf[j, sl] * wb


def _sc_aggr_body(nf_hbm, row_hbm, col_hbm, w_hbm, z_hbm, out_hbm,
                  aggr_sh, cv0, cv1, rv0, rv1, wb0, wb1,
                  gb0, gb1, sb0, sb1,
                  gs0, gs1, ss0, ss1, is0, is1, ws0, ws1):
    cidx = lax.axis_index("c")
    sidx = lax.axis_index("s")
    colv, rowv, wbufs = (cv0, cv1), (rv0, rv1), (wb0, wb1)
    gbufs, gsems = (gb0, gb1), (gs0, gs1)
    sbufs, ssems = (sb0, sb1), (ss0, ss1)
    isems = (is0, is1)
    wsems = (ws0, ws1)
    col_off = cidx * N
    base = sidx * QSUB

    pltpu.sync_copy(z_hbm, aggr_sh.at[pl.ds(sidx * ROWS_PER_SUB, ROWS_PER_SUB)])
    plsc.subcore_barrier()

    def _issue_idx(s, p):
        sl = pl.ds(base + s * SUPER, SUPER)
        pltpu.async_copy(col_hbm.at[sl], colv[p], isems[p])
        pltpu.async_copy(row_hbm.at[sl], rowv[p], isems[p])

    def _wait_idx(s, p):
        sl = pl.ds(base + s * SUPER, SUPER)
        pltpu.make_async_copy(col_hbm.at[sl], colv[p], isems[p]).wait()
        pltpu.make_async_copy(row_hbm.at[sl], rowv[p], isems[p]).wait()

    def _adjust_cols(p):
        @pl.loop(0, SUPER)
        def _adj(j):
            for g in range(KSC // 16):
                sl = pl.ds(g * 16, 16)
                colv[p][j, sl] = colv[p][j, sl] + col_off

    def _issue_gather(crow_ref, qg, b):
        pltpu.async_copy(nf_hbm.at[crow_ref], gbufs[b], gsems[b])
        pltpu.async_copy(w_hbm.at[base + qg], wbufs[b], wsems[b])

    def _wait_gather(crow_ref, qg, b):
        pltpu.make_async_copy(nf_hbm.at[crow_ref], gbufs[b], gsems[b]).wait()
        pltpu.make_async_copy(w_hbm.at[base + qg], wbufs[b], wsems[b]).wait()

    def _issue_scatter(rrow_ref, b):
        pltpu.async_copy(sbufs[b], aggr_sh.at[rrow_ref], ssems[b], add=True)

    def _wait_scatter(rrow_ref, b):
        pltpu.make_async_copy(sbufs[b], aggr_sh.at[rrow_ref], ssems[b]).wait()

    _issue_idx(0, 0)
    _wait_idx(0, 0)
    _adjust_cols(0)
    _issue_gather(cv0.at[0], 0, 0)
    _issue_gather(cv0.at[1], 1, 1)

    @pl.loop(0, NSUPER // 2)
    def _supers(i):
        for sp in range(2):
            s = i * 2 + sp

            @pl.loop(0, SUPER // 2)
            def _pairs(jp):
                for b in range(2):
                    k = jp * 2 + b
                    q = s * SUPER + k

                    @pl.when(jnp.logical_and(s + 1 < NSUPER, k == 2))
                    def _():
                        _issue_idx(s + 1, 1 - sp)

                    @pl.when(jnp.logical_and(s + 1 < NSUPER, k == SUPER - 3))
                    def _():
                        _wait_idx(s + 1, 1 - sp)
                        _adjust_cols(1 - sp)

                    _wait_gather(colv[sp].at[k], q, b)

                    @pl.when(k >= 2)
                    def _():
                        _wait_scatter(rowv[sp].at[k - 2], b)

                    @pl.when(jnp.logical_and(q >= 2, k < 2))
                    def _():
                        _wait_scatter(rowv[1 - sp].at[SUPER + k - 2], b)

                    _scale_chunk(gbufs[b], sbufs[b], wbufs[b])
                    _issue_scatter(rowv[sp].at[k], b)

                    @pl.when(jnp.logical_and(q + 2 < QSUB, k < SUPER - 2))
                    def _():
                        _issue_gather(colv[sp].at[k + 2], q + 2, b)

                    @pl.when(jnp.logical_and(q + 2 < QSUB, k >= SUPER - 2))
                    def _():
                        _issue_gather(colv[1 - sp].at[k - (SUPER - 2)], q + 2, b)

    _wait_scatter(rowv[1].at[SUPER - 2], 0)
    _wait_scatter(rowv[1].at[SUPER - 1], 1)

    plsc.subcore_barrier()
    pltpu.sync_copy(aggr_sh.at[pl.ds(sidx * ROWS_PER_SUB, ROWS_PER_SUB)],
                    out_hbm.at[cidx, pl.ds(sidx * ROWS_PER_SUB, ROWS_PER_SUB)])


def _sc_aggr(nf_cat, row2d, col2d, wexp, zeros):
    mesh = plsc.VectorSubcoreMesh(core_axis_name="c", subcore_axis_name="s")
    kern = pl.kernel(
        _sc_aggr_body,
        out_type=jax.ShapeDtypeStruct((2, NPAD, CH), jnp.float32),
        mesh=mesh,
        scratch_types=[
            pltpu.VMEM_SHARED((NPAD, CH), jnp.float32),
            pltpu.VMEM((SUPER, KSC), jnp.int32),
            pltpu.VMEM((SUPER, KSC), jnp.int32),
            pltpu.VMEM((SUPER, KSC), jnp.int32),
            pltpu.VMEM((SUPER, KSC), jnp.int32),
            pltpu.VMEM((KSC * 16,), jnp.float32),
            pltpu.VMEM((KSC * 16,), jnp.float32),
            pltpu.VMEM((KSC, CH), jnp.float32),
            pltpu.VMEM((KSC, CH), jnp.float32),
            pltpu.VMEM((KSC, CH), jnp.float32),
            pltpu.VMEM((KSC, CH), jnp.float32),
            pltpu.SemaphoreType.DMA,
            pltpu.SemaphoreType.DMA,
            pltpu.SemaphoreType.DMA,
            pltpu.SemaphoreType.DMA,
            pltpu.SemaphoreType.DMA,
            pltpu.SemaphoreType.DMA,
            pltpu.SemaphoreType.DMA,
            pltpu.SemaphoreType.DMA,
        ],
    )
    return kern(nf_cat, row2d, col2d, wexp, zeros)


def _b_body(x_ref, t_ref, a0_ref, a1_ref, wg1b0_ref, wg1b1_ref, bg1_ref,
            wg2_ref, bg2_ref, out_ref):
    gp = (t_ref[...] + _dotT(a0_ref[0], wg1b0_ref[...])
          + _dotT(a1_ref[0], wg1b1_ref[...]) + bg1_ref[...])
    g = 0.5 * gp * (1.0 + lax.erf(gp * 0.7071067811865476))
    out_ref[...] = x_ref[...] + _dotT(g, wg2_ref[...]) + bg2_ref[...]


def _b_call(x, t, a_cat, Wg1b0, Wg1b1, bg12, Wg2, bg22):
    return pl.pallas_call(
        _b_body,
        grid=(N // BN,),
        in_specs=[
            pl.BlockSpec((BN, C), lambda i: (i, 0)),
            pl.BlockSpec((BN, C), lambda i: (i, 0)),
            pl.BlockSpec((1, BN, CH), lambda i: (0, i, 0)),
            pl.BlockSpec((1, BN, CH), lambda i: (1, i, 0)),
            pl.BlockSpec((C, CH), lambda i: (0, 0)),
            pl.BlockSpec((C, CH), lambda i: (0, 0)),
            pl.BlockSpec((1, C), lambda i: (0, 0)),
            pl.BlockSpec((C, C), lambda i: (0, 0)),
            pl.BlockSpec((1, C), lambda i: (0, 0)),
        ],
        out_specs=pl.BlockSpec((BN, C), lambda i: (i, 0)),
        out_shape=jax.ShapeDtypeStruct((N, C), jnp.float32),
    )(x, t, a_cat, a_cat, Wg1b0, Wg1b1, bg12, Wg2, bg22)


def kernel(x, edge_index, edge_values, Ws, bs, Wn, bn, Wg1, bg1, Wg2, bg2):
    x_flat = x[0]
    row = edge_index[0].astype(jnp.int32)
    col = edge_index[1].astype(jnp.int32)
    w = edge_values.astype(jnp.float32)
    zeros = jnp.zeros((ROWS_PER_SUB, CH), jnp.float32)

    npad_e = EPAD - E
    pad_idx = (jnp.arange(npad_e, dtype=jnp.int32) * 37) % N
    row2d = jnp.concatenate([row, pad_idx]).reshape(NCH_PAD, KSC)
    col2d = jnp.concatenate([col, pad_idx]).reshape(NCH_PAD, KSC)
    w_p = jnp.concatenate([w, jnp.zeros((npad_e,), jnp.float32)])
    wexp = jnp.broadcast_to(w_p[:, None], (EPAD, 16)).reshape(NCH_PAD, KSC * 16)

    nf_cat = _nf_call(x_flat, Wn, bn.reshape(1, C))
    t = _t_call(x_flat, Ws, bs.reshape(1, C), Wg1[:, :C])
    a_cat = _sc_aggr(nf_cat, row2d, col2d, wexp, zeros)
    out = _b_call(x_flat, t, a_cat, Wg1[:, C:C + CH], Wg1[:, C + CH:],
                  bg1.reshape(1, C), Wg2, bg2.reshape(1, C))
    return out[None]

# --- scband reference (transcript-rebuilt; emitter-appended) ---
"""Pipeline reference for scband-sparse-physics-gcn-249108103786 (READ-ONLY COPY).

The authoritative reference and input builder live on the scoring server;
editing this copy changes nothing except your own understanding.
"""

import jax, jax.numpy as jnp
import numpy as np

D_MODEL = 256
N_NODES = 10000
N_EDGES = 160000

def setup_inputs(seed: int = 0) -> dict:
    key = jax.random.key(seed)
    ks = jax.random.split(key, 12)
    x = jax.random.normal(ks[0], (1, N_NODES, D_MODEL), dtype=jnp.float32)
    edge_index = jax.random.randint(ks[1], (2, N_EDGES), 0, N_NODES, dtype=jnp.int64)
    edge_values = jax.random.uniform(ks[2], (N_EDGES,), dtype=jnp.float32)
    s = 1.0 / np.sqrt(D_MODEL)
    s2 = 1.0 / np.sqrt(2 * D_MODEL)
    Ws = jax.random.uniform(ks[3], (D_MODEL, D_MODEL), minval=-s, maxval=s, dtype=jnp.float32)
    bs = jax.random.uniform(ks[4], (D_MODEL,), minval=-s, maxval=s, dtype=jnp.float32)
    Wn = jax.random.uniform(ks[5], (D_MODEL, D_MODEL), minval=-s, maxval=s, dtype=jnp.float32)
    bn = jax.random.uniform(ks[6], (D_MODEL,), minval=-s, maxval=s, dtype=jnp.float32)
    Wg1 = jax.random.uniform(ks[7], (D_MODEL, 2 * D_MODEL), minval=-s2, maxval=s2, dtype=jnp.float32)
    bg1 = jax.random.uniform(ks[8], (D_MODEL,), minval=-s2, maxval=s2, dtype=jnp.float32)
    Wg2 = jax.random.uniform(ks[9], (D_MODEL, D_MODEL), minval=-s, maxval=s, dtype=jnp.float32)
    bg2 = jax.random.uniform(ks[10], (D_MODEL,), minval=-s, maxval=s, dtype=jnp.float32)
    return {"x": x, "edge_index": edge_index, "edge_values": edge_values,
            "Ws": Ws, "bs": bs, "Wn": Wn, "bn": bn,
            "Wg1": Wg1, "bg1": bg1, "Wg2": Wg2, "bg2": bg2}

def reference(x, edge_index, edge_values, Ws, bs, Wn, bn, Wg1, bg1, Wg2, bg2):
    B, N, C = x.shape
    x_flat = x[0] if B == 1 else x.reshape(B * N, C)
    row, col = edge_index[0], edge_index[1]
    w = edge_values.astype(x.dtype)
    neighbor_features = x_flat @ Wn.T + bn
    messages = neighbor_features[col] * w[:, None]
    aggr = jnp.zeros_like(x_flat).at[row].add(messages)
    self_features = x_flat @ Ws.T + bs
    h = jnp.concatenate([self_features, aggr], axis=-1)
    g = h @ Wg1.T + bg1
    g = jax.nn.gelu(g, approximate=False)
    g = g @ Wg2.T + bg2
    out = x_flat + g
    return out[None] if B == 1 else out.reshape(B, N, C)

if __name__ == "__main__":
    import jax
    _d = setup_inputs()
    print(jax.jit(kernel)(*tuple(_d.values())))

</pallas_src>

<mosaic_0001>
#map = affine_map<(d0, d1) -> (0, 0)>
#map1 = affine_map<(d0, d1) -> (0, 0, 0)>
module attributes {stable_mosaic.version = 14 : i64} {
  func.func @_sc_aggr_body(%arg0: i32, %arg1: i32, %arg2: memref<20000x128xf32, #tpu.memory_space<hbm>>, %arg3: memref<2048x80xi32, #tpu.memory_space<hbm>>, %arg4: memref<2048x80xi32, #tpu.memory_space<hbm>>, %arg5: memref<2048x1280xf32, #tpu.memory_space<hbm>>, %arg6: memref<632x128xf32, #tpu.memory_space<hbm>>, %arg7: memref<2x10112x128xf32, #tpu.memory_space<hbm>>, %arg8: memref<10112x128xf32, #tpu.memory_space<vmem_shared>>, %arg9: memref<8x80xi32, #tpu.memory_space<vmem>>, %arg10: memref<8x80xi32, #tpu.memory_space<vmem>>, %arg11: memref<8x80xi32, #tpu.memory_space<vmem>>, %arg12: memref<8x80xi32, #tpu.memory_space<vmem>>, %arg13: memref<1280xf32, #tpu.memory_space<vmem>>, %arg14: memref<1280xf32, #tpu.memory_space<vmem>>, %arg15: memref<80x128xf32, #tpu.memory_space<vmem>>, %arg16: memref<80x128xf32, #tpu.memory_space<vmem>>, %arg17: memref<80x128xf32, #tpu.memory_space<vmem>>, %arg18: memref<80x128xf32, #tpu.memory_space<vmem>>, %arg19: memref<!tpu.dma_semaphore, #tpu.memory_space<semaphore_mem>>, %arg20: memref<!tpu.dma_semaphore, #tpu.memory_space<semaphore_mem>>, %arg21: memref<!tpu.dma_semaphore, #tpu.memory_space<semaphore_mem>>, %arg22: memref<!tpu.dma_semaphore, #tpu.memory_space<semaphore_mem>>, %arg23: memref<!tpu.dma_semaphore, #tpu.memory_space<semaphore_mem>>, %arg24: memref<!tpu.dma_semaphore, #tpu.memory_space<semaphore_mem>>, %arg25: memref<!tpu.dma_semaphore, #tpu.memory_space<semaphore_mem>>, %arg26: memref<!tpu.dma_semaphore, #tpu.memory_space<semaphore_mem>>) attributes {dimension_semantics = [#tpu.dimension_semantics<core_parallel>, #tpu.dimension_semantics<subcore_parallel>], iteration_bounds = array<i64: 2, 16>, scalar_prefetch = 0 : i64, scratch_operands = 19 : i64, tpu.core_type = #tpu.core_type<sc_vector_subcore>, window_params = [{transform_indices = #map}, {transform_indices = #map}, {transform_indices = #map}, {transform_indices = #map}, {transform_indices = #map}, {transform_indices = #map1}]} {
    %mul3A = arith.constant 10000 : i32
    %mul3A_0 = arith.muli %arg0, %mul3A : i32
    %mul3A_1 = arith.constant 128 : i32
    %mul3A_2 = arith.muli %arg1, %mul3A_1 : i32
    %mul3A_3 = arith.constant 632 : i32
    %mul3A_4 = arith.muli %arg1, %mul3A_3 : i32
    "tpu.region"() ({
      %run_scoped3A = tpu.sem_alloc : memref<!tpu.dma_semaphore, #tpu.memory_space<semaphore_mem>>
      %dma_start3A_80 = arith.constant 0 : i32
      %dma_start3A_81 = tpu.memref_slice %arg8[%mul3A_4, %dma_start3A_80] : memref<10112x128xf32, #tpu.memory_space<vmem_shared>> -> memref<632x128xf32, #tpu.memory_space<vmem_shared>>
      tpu.enqueue_dma source(%arg6 : memref<632x128xf32, #tpu.memory_space<hbm>>) target(%dma_start3A_81 : memref<632x128xf32, #tpu.memory_space<vmem_shared>>) target_semaphore(%run_scoped3A : memref<!tpu.dma_semaphore, #tpu.memory_space<semaphore_mem>>)
      %dma_wait3A_82 = arith.constant 0 : i32
      %dma_wait3A_83 = tpu.memref_slice %arg8[%mul3A_4, %dma_wait3A_82] : memref<10112x128xf32, #tpu.memory_space<vmem_shared>> -> memref<632x128xf32, #tpu.memory_space<vmem_shared>>
      tpu.wait_dma2 semaphore(%run_scoped3A : memref<!tpu.dma_semaphore, #tpu.memory_space<semaphore_mem>>) src(%arg6 : memref<632x128xf32, #tpu.memory_space<hbm>>) dst(%dma_wait3A_83 : memref<632x128xf32, #tpu.memory_space<vmem_shared>>)
      tpu.yield
    }) : () -> ()
    %barrier3A = arith.constant 0 : index
    tpu.barrier barrier_id(%barrier3A)
    %add3A = arith.constant 0 : i32
    %add3A_5 = arith.addi %mul3A_2, %add3A : i32
    %dma_start3A = arith.constant 0 : i32
    %dma_start3A_6 = tpu.memref_slice %arg4[%add3A_5, %dma_start3A] : memref<2048x80xi32, #tpu.memory_space<hbm>> -> memref<8x80xi32, #tpu.memory_space<hbm>>
    %dma_start3A_7 = arith.constant 0 : i32
    %dma_start3A_8 = tpu.memref_slice %arg4[%add3A_5, %dma_start3A_7] : memref<2048x80xi32, #tpu.memory_space<hbm>> -> memref<8x80xi32, #tpu.memory_space<hbm>>
    tpu.enqueue_dma source(%dma_start3A_8 : memref<8x80xi32, #tpu.memory_space<hbm>>) target(%arg9 : memref<8x80xi32, #tpu.memory_space<vmem>>) target_semaphore(%arg23 : memref<!tpu.dma_semaphore, #tpu.memory_space<semaphore_mem>>)
    %dma_start3A_9 = arith.constant 0 : i32
    %dma_start3A_10 = tpu.memref_slice %arg3[%add3A_5, %dma_start3A_9] : memref<2048x80xi32, #tpu.memory_space<hbm>> -> memref<8x80xi32, #tpu.memory_space<hbm>>
    %dma_start3A_11 = arith.constant 0 : i32
    %dma_start3A_12 = tpu.memref_slice %arg3[%add3A_5, %dma_start3A_11] : memref<2048x80xi32, #tpu.memory_space<hbm>> -> memref<8x80xi32, #tpu.memory_space<hbm>>
    tpu.enqueue_dma source(%dma_start3A_12 : memref<8x80xi32, #tpu.memory_space<hbm>>) target(%arg11 : memref<8x80xi32, #tpu.memory_space<vmem>>) target_semaphore(%arg23 : memref<!tpu.dma_semaphore, #tpu.memory_space<semaphore_mem>>)
    %add3A_13 = arith.constant 0 : i32
    %add3A_14 = arith.addi %mul3A_2, %add3A_13 : i32
    %dma_wait3A = arith.constant 0 : i32
    %dma_wait3A_15 = tpu.memref_slice %arg4[%add3A_14, %dma_wait3A] : memref<2048x80xi32, #tpu.memory_space<hbm>> -> memref<8x80xi32, #tpu.memory_space<hbm>>
    %dma_wait3A_16 = arith.constant 0 : i32
    %dma_wait3A_17 = tpu.memref_slice %arg4[%add3A_14, %dma_wait3A_16] : memref<2048x80xi32, #tpu.memory_space<hbm>> -> memref<8x80xi32, #tpu.memory_space<hbm>>
    tpu.wait_dma2 semaphore(%arg23 : memref<!tpu.dma_semaphore, #tpu.memory_space<semaphore_mem>>) src(%dma_wait3A_17 : memref<8x80xi32, #tpu.memory_space<hbm>>) dst(%arg9 : memref<8x80xi32, #tpu.memory_space<vmem>>)
    %dma_wait3A_18 = arith.constant 0 : i32
    %dma_wait3A_19 = tpu.memref_slice %arg3[%add3A_14, %dma_wait3A_18] : memref<2048x80xi32, #tpu.memory_space<hbm>> -> memref<8x80xi32, #tpu.memory_space<hbm>>
    %dma_wait3A_20 = arith.constant 0 : i32
    %dma_wait3A_21 = tpu.memref_slice %arg3[%add3A_14, %dma_wait3A_20] : memref<2048x80xi32, #tpu.memory_space<hbm>> -> memref<8x80xi32, #tpu.memory_space<hbm>>
    tpu.wait_dma2 semaphore(%arg23 : memref<!tpu.dma_semaphore, #tpu.memory_space<semaphore_mem>>) src(%dma_wait3A_21 : memref<8x80xi32, #tpu.memory_space<hbm>>) dst(%arg11 : memref<8x80xi32, #tpu.memory_space<vmem>>)
    %scan3A = arith.constant 0 : i32
    %scan3A_22 = arith.constant 8 : i32
    %scan3A_23 = arith.addi %scan3A, %scan3A_22 : i32
    %scan3A_24 = arith.constant 1 : i32
    scf.for %scan3A_80 = %scan3A to %scan3A_23 step %scan3A_24  : i32 {
      %mul3A_81 = arith.constant 1 : i32
      %mul3A_82 = arith.muli %scan3A_80, %mul3A_81 : i32
      %add3A_83 = arith.constant 0 : i32
      %add3A_84 = arith.addi %add3A_83, %mul3A_82 : i32
      %get3A = arith.index_cast %add3A_84 : i32 to index
      %get3A_85 = arith.constant 0 : index
      %get3A_86 = tpu.vector_load %arg9[%get3A, %get3A_85] {strides = array<i32>} : memref<8x80xi32, #tpu.memory_space<vmem>>, vector<1x16xi32>,
      %get3A_87 = vector.shape_cast %get3A_86 : vector<1x16xi32> to vector<16xi32>
      %add3A_88 = vector.broadcast %mul3A_0 : i32 to vector<16xi32>
      %add3A_89 = arith.addi %get3A_87, %add3A_88 : vector<16xi32>
      %swap3A = arith.index_cast %add3A_84 : i32 to index
      %swap3A_90 = arith.constant 0 : index
      %swap3A_91 = tpu.vector_load %arg9[%swap3A, %swap3A_90] {strides = array<i32>} : memref<8x80xi32, #tpu.memory_space<vmem>>, vector<1x16xi32>,
      %swap3A_92 = vector.shape_cast %swap3A_91 : vector<1x16xi32> to vector<16xi32>
      %swap3A_93 = vector.shape_cast %add3A_89 : vector<16xi32> to vector<1x16xi32>
      tpu.vector_store %arg9[%swap3A, %swap3A_90], %swap3A_93 {strides = array<i32>} : memref<8x80xi32, #tpu.memory_space<vmem>>, vector<1x16xi32>,
      %get3A_94 = arith.index_cast %add3A_84 : i32 to index
      %get3A_95 = arith.constant 16 : index
      %get3A_96 = tpu.vector_load %arg9[%get3A_94, %get3A_95] {strides = array<i32>} : memref<8x80xi32, #tpu.memory_space<vmem>>, vector<1x16xi32>,
      %get3A_97 = vector.shape_cast %get3A_96 : vector<1x16xi32> to vector<16xi32>
      %add3A_98 = vector.broadcast %mul3A_0 : i32 to vector<16xi32>
      %add3A_99 = arith.addi %get3A_97, %add3A_98 : vector<16xi32>
      %swap3A_100 = arith.index_cast %add3A_84 : i32 to index
      %swap3A_101 = arith.constant 16 : index
      %swap3A_102 = tpu.vector_load %arg9[%swap3A_100, %swap3A_101] {strides = array<i32>} : memref<8x80xi32, #tpu.memory_space<vmem>>, vector<1x16xi32>,
      %swap3A_103 = vector.shape_cast %swap3A_102 : vector<1x16xi32> to vector<16xi32>
      %swap3A_104 = vector.shape_cast %add3A_99 : vector<16xi32> to vector<1x16xi32>
      tpu.vector_store %arg9[%swap3A_100, %swap3A_101], %swap3A_104 {strides = array<i32>} : memref<8x80xi32, #tpu.memory_space<vmem>>, vector<1x16xi32>,
      %get3A_105 = arith.index_cast %add3A_84 : i32 to index
      %get3A_106 = arith.constant 32 : index
      %get3A_107 = tpu.vector_load %arg9[%get3A_105, %get3A_106] {strides = array<i32>} : memref<8x80xi32, #tpu.memory_space<vmem>>, vector<1x16xi32>,
      %get3A_108 = vector.shape_cast %get3A_107 : vector<1x16xi32> to vector<16xi32>
      %add3A_109 = vector.broadcast %mul3A_0 : i32 to vector<16xi32>
      %add3A_110 = arith.addi %get3A_108, %add3A_109 : vector<16xi32>
      %swap3A_111 = arith.index_cast %add3A_84 : i32 to index
      %swap3A_112 = arith.constant 32 : index
      %swap3A_113 = tpu.vector_load %arg9[%swap3A_111, %swap3A_112] {strides = array<i32>} : memref<8x80xi32, #tpu.memory_space<vmem>>, vector<1x16xi32>,
      %swap3A_114 = vector.shape_cast %swap3A_113 : vector<1x16xi32> to vector<16xi32>
      %swap3A_115 = vector.shape_cast %add3A_110 : vector<16xi32> to vector<1x16xi32>
      tpu.vector_store %arg9[%swap3A_111, %swap3A_112], %swap3A_115 {strides = array<i32>} : memref<8x80xi32, #tpu.memory_space<vmem>>, vector<1x16xi32>,
      %get3A_116 = arith.index_cast %add3A_84 : i32 to index
      %get3A_117 = arith.constant 48 : index
      %get3A_118 = tpu.vector_load %arg9[%get3A_116, %get3A_117] {strides = array<i32>} : memref<8x80xi32, #tpu.memory_space<vmem>>, vector<1x16xi32>,
      %get3A_119 = vector.shape_cast %get3A_118 : vector<1x16xi32> to vector<16xi32>
      %add3A_120 = vector.broadcast %mul3A_0 : i32 to vector<16xi32>
      %add3A_121 = arith.addi %get3A_119, %add3A_120 : vector<16xi32>
      %swap3A_122 = arith.index_cast %add3A_84 : i32 to index
      %swap3A_123 = arith.constant 48 : index
      %swap3A_124 = tpu.vector_load %arg9[%swap3A_122, %swap3A_123] {strides = array<i32>} : memref<8x80xi32, #tpu.memory_space<vmem>>, vector<1x16xi32>,
      %swap3A_125 = vector.shape_cast %swap3A_124 : vector<1x16xi32> to vector<16xi32>
      %swap3A_126 = vector.shape_cast %add3A_121 : vector<16xi32> to vector<1x16xi32>
      tpu.vector_store %arg9[%swap3A_122, %swap3A_123], %swap3A_126 {strides = array<i32>} : memref<8x80xi32, #tpu.memory_space<vmem>>, vector<1x16xi32>,
      %get3A_127 = arith.index_cast %add3A_84 : i32 to index
      %get3A_128 = arith.constant 64 : index
      %get3A_129 = tpu.vector_load %arg9[%get3A_127, %get3A_128] {strides = array<i32>} : memref<8x80xi32, #tpu.memory_space<vmem>>, vector<1x16xi32>,
      %get3A_130 = vector.shape_cast %get3A_129 : vector<1x16xi32> to vector<16xi32>
      %add3A_131 = vector.broadcast %mul3A_0 : i32 to vector<16xi32>
      %add3A_132 = arith.addi %get3A_130, %add3A_131 : vector<16xi32>
      %swap3A_133 = arith.index_cast %add3A_84 : i32 to index
      %swap3A_134 = arith.constant 64 : index
      %swap3A_135 = tpu.vector_load %arg9[%swap3A_133, %swap3A_134] {strides = array<i32>} : memref<8x80xi32, #tpu.memory_space<vmem>>, vector<1x16xi32>,
      %swap3A_136 = vector.shape_cast %swap3A_135 : vector<1x16xi32> to vector<16xi32>
      %swap3A_137 = vector.shape_cast %add3A_132 : vector<16xi32> to vector<1x16xi32>
      tpu.vector_store %arg9[%swap3A_133, %swap3A_134], %swap3A_137 {strides = array<i32>} : memref<8x80xi32, #tpu.memory_space<vmem>>, vector<1x16xi32>,
    }
    %scan3A_25 = arith.constant 8 : i32
    %dma_start3A_26 = arith.constant 0 : i32
    %dma_start3A_27 = arith.constant 0 : i32
    %dma_start3A_28 = tpu.memref_slice %arg9[%dma_start3A_26, %dma_start3A_27] : memref<8x80xi32, #tpu.memory_space<vmem>> -> memref<1x80xi32, #tpu.memory_space<vmem>>
    %dma_start3A_29 = tpu.memref_squeeze %dma_start3A_28 : memref<1x80xi32, #tpu.memory_space<vmem>> -> memref<80xi32, #tpu.memory_space<vmem>>
    %dma_start3A_30 = arith.constant 0 : i32
    %dma_start3A_31 = arith.constant 0 : i32
    %dma_start3A_32 = tpu.memref_slice %arg2[%dma_start3A_30, %dma_start3A_31] : memref<20000x128xf32, #tpu.memory_space<hbm>> -> memref<20000x128xf32, #tpu.memory_space<hbm>>
    tpu.enqueue_indirect_dma source(%dma_start3A_32 : memref<20000x128xf32, #tpu.memory_space<hbm>>) target(%arg15 : memref<80x128xf32, #tpu.memory_space<vmem>>) offsets(%dma_start3A_29 : memref<80xi32, #tpu.memory_space<vmem>>) semaphore(%arg19 : memref<!tpu.dma_semaphore, #tpu.memory_space<semaphore_mem>>)
    %add3A_33 = arith.constant 0 : i32
    %add3A_34 = arith.addi %mul3A_2, %add3A_33 : i32
    %dma_start3A_35 = arith.constant 0 : i32
    %dma_start3A_36 = tpu.memref_slice %arg5[%add3A_34, %dma_start3A_35] : memref<2048x1280xf32, #tpu.memory_space<hbm>> -> memref<1x1280xf32, #tpu.memory_space<hbm>>
    %dma_start3A_37 = tpu.memref_squeeze %dma_start3A_36 : memref<1x1280xf32, #tpu.memory_space<hbm>> -> memref<1280xf32, #tpu.memory_space<hbm>>
    %dma_start3A_38 = arith.constant 0 : i32
    %dma_start3A_39 = tpu.memref_slice %arg5[%add3A_34, %dma_start3A_38] : memref<2048x1280xf32, #tpu.memory_space<hbm>> -> memref<1x1280xf32, #tpu.memory_space<hbm>>
    %dma_start3A_40 = tpu.memref_squeeze %dma_start3A_39 : memref<1x1280xf32, #tpu.memory_space<hbm>> -> memref<1280xf32, #tpu.memory_space<hbm>>
    tpu.enqueue_dma source(%dma_start3A_40 : memref<1280xf32, #tpu.memory_space<hbm>>) target(%arg13 : memref<1280xf32, #tpu.memory_space<vmem>>) target_semaphore(%arg25 : memref<!tpu.dma_semaphore, #tpu.memory_space<semaphore_mem>>)
    %dma_start3A_41 = arith.constant 1 : i32
    %dma_start3A_42 = arith.constant 0 : i32
    %dma_start3A_43 = tpu.memref_slice %arg9[%dma_start3A_41, %dma_start3A_42] : memref<8x80xi32, #tpu.memory_space<vmem>> -> memref<1x80xi32, #tpu.memory_space<vmem>>
    %dma_start3A_44 = tpu.memref_squeeze %dma_start3A_43 : memref<1x80xi32, #tpu.memory_space<vmem>> -> memref<80xi32, #tpu.memory_space<vmem>>
    %dma_start3A_45 = arith.constant 0 : i32
    %dma_start3A_46 = arith.constant 0 : i32
    %dma_start3A_47 = tpu.memref_slice %arg2[%dma_start3A_45, %dma_start3A_46] : memref<20000x128xf32, #tpu.memory_space<hbm>> -> memref<20000x128xf32, #tpu.memory_space<hbm>>
    tpu.enqueue_indirect_dma source(%dma_start3A_47 : memref<20000x128xf32, #tpu.memory_space<hbm>>) target(%arg16 : memref<80x128xf32, #tpu.memory_space<vmem>>) offsets(%dma_start3A_44 : memref<80xi32, #tpu.memory_space<vmem>>) semaphore(%arg20 : memref<!tpu.dma_semaphore, #tpu.memory_space<semaphore_mem>>)
    %add3A_48 = arith.constant 1 : i32
    %add3A_49 = arith.addi %mul3A_2, %add3A_48 : i32
    %dma_start3A_50 = arith.constant 0 : i32
    %dma_start3A_51 = tpu.memref_slice %arg5[%add3A_49, %dma_start3A_50] : memref<2048x1280xf32, #tpu.memory_space<hbm>> -> memref<1x1280xf32, #tpu.memory_space<hbm>>
    %dma_start3A_52 = tpu.memref_squeeze %dma_start3A_51 : memref<1x1280xf32, #tpu.memory_space<hbm>> -> memref<1280xf32, #tpu.memory_space<hbm>>
    %dma_start3A_53 = arith.constant 0 : i32
    %dma_start3A_54 = tpu.memref_slice %arg5[%add3A_49, %dma_start3A_53] : memref<2048x1280xf32, #tpu.memory_space<hbm>> -> memref<1x1280xf32, #tpu.memory_space<hbm>>
    %dma_start3A_55 = tpu.memref_squeeze %dma_start3A_54 : memref<1x1280xf32, #tpu.memory_space<hbm>> -> memref<1280xf32, #tpu.memory_space<hbm>>
    tpu.enqueue_dma source(%dma_start3A_55 : memref<1280xf32, #tpu.memory_space<hbm>>) target(%arg14 : memref<1280xf32, #tpu.memory_space<vmem>>) target_semaphore(%arg26 : memref<!tpu.dma_semaphore, #tpu.memory_space<semaphore_mem>>)
    %scan3A_56 = arith.constant 0 : i32
    %scan3A_57 = arith.constant 8 : i32
    %scan3A_58 = arith.addi %scan3A_56, %scan3A_57 : i32
    %scan3A_59 = arith.constant 1 : i32
    scf.for %scan3A_80 = %scan3A_56 to %scan3A_58 step %scan3A_59  : i32 {
      %mul3A_81 = arith.constant 1 : i32
      %mul3A_82 = arith.muli %scan3A_80, %mul3A_81 : i32
      %add3A_83 = arith.constant 0 : i32
      %add3A_84 = arith.addi %add3A_83, %mul3A_82 : i32
      %mul3A_85 = arith.constant 2 : i32
      %mul3A_86 = arith.muli %add3A_84, %mul3A_85 : i32
      %add3A_87 = arith.constant 0 : i32
      %add3A_88 = arith.addi %mul3A_86, %add3A_87 : i32
      %scan3A_89 = arith.constant 0 : i32
      %scan3A_90 = arith.constant 4 : i32
      %scan3A_91 = arith.addi %scan3A_89, %scan3A_90 : i32
      %scan3A_92 = arith.constant 1 : i32
      scf.for %scan3A_103 = %scan3A_89 to %scan3A_91 step %scan3A_92  : i32 {
        %mul3A_104 = arith.constant 1 : i32
        %mul3A_105 = arith.muli %scan3A_103, %mul3A_104 : i32
        %add3A_106 = arith.constant 0 : i32
        %add3A_107 = arith.addi %add3A_106, %mul3A_105 : i32
        %mul3A_108 = arith.constant 2 : i32
        %mul3A_109 = arith.muli %add3A_107, %mul3A_108 : i32
        %add3A_110 = arith.constant 0 : i32
        %add3A_111 = arith.addi %mul3A_109, %add3A_110 : i32
        %mul3A_112 = arith.constant 8 : i32
        %mul3A_113 = arith.muli %add3A_88, %mul3A_112 : i32
        %add3A_114 = arith.addi %mul3A_113, %add3A_111 : i32
        %add3A_115 = arith.constant 1 : i32
        %add3A_116 = arith.addi %add3A_88, %add3A_115 : i32
        %lt3A = arith.constant 16 : i32
        %lt3A_117 = arith.cmpi slt, %add3A_116, %lt3A : i32
        %eq3A = arith.constant 2 : i32
        %eq3A_118 = arith.cmpi eq, %add3A_111, %eq3A : i32
        %and3A = arith.andi %lt3A_117, %eq3A_118 : i1
        %convert_element_type3A = arith.extui %and3A : i1 to i32
        %cond3A = arith.constant 0 : i32
        %cond3A_119 = arith.cmpi ne, %convert_element_type3A, %cond3A : i32
        scf.if %cond3A_119 {
          %add3A_265 = arith.constant 1 : i32
          %add3A_266 = arith.addi %add3A_88, %add3A_265 : i32
          %mul3A_267 = arith.constant 8 : i32
          %mul3A_268 = arith.muli %add3A_266, %mul3A_267 : i32
          %add3A_269 = arith.addi %mul3A_2, %mul3A_268 : i32
          %dma_start3A_270 = arith.constant 0 : i32
          %dma_start3A_271 = tpu.memref_slice %arg4[%add3A_269, %dma_start3A_270] : memref<2048x80xi32, #tpu.memory_space<hbm>> -> memref<8x80xi32, #tpu.memory_space<hbm>>
          %dma_start3A_272 = arith.constant 0 : i32
          %dma_start3A_273 = tpu.memref_slice %arg4[%add3A_269, %dma_start3A_272] : memref<2048x80xi32, #tpu.memory_space<hbm>> -> memref<8x80xi32, #tpu.memory_space<hbm>>
          tpu.enqueue_dma source(%dma_start3A_273 : memref<8x80xi32, #tpu.memory_space<hbm>>) target(%arg10 : memref<8x80xi32, #tpu.memory_space<vmem>>) target_semaphore(%arg24 : memref<!tpu.dma_semaphore, #tpu.memory_space<semaphore_mem>>)
          %dma_start3A_274 = arith.constant 0 : i32
          %dma_start3A_275 = tpu.memref_slice %arg3[%add3A_269, %dma_start3A_274] : memref<2048x80xi32, #tpu.memory_space<hbm>> -> memref<8x80xi32, #tpu.memory_space<hbm>>
          %dma_start3A_276 = arith.constant 0 : i32
          %dma_start3A_277 = tpu.memref_slice %arg3[%add3A_269, %dma_start3A_276] : memref<2048x80xi32, #tpu.memory_space<hbm>> -> memref<8x80xi32, #tpu.memory_space<hbm>>
          tpu.enqueue_dma source(%dma_start3A_277 : memref<8x80xi32, #tpu.memory_space<hbm>>) target(%arg12 : memref<8x80xi32, #tpu.memory_space<vmem>>) target_semaphore(%arg24 : memref<!tpu.dma_semaphore, #tpu.memory_space<semaphore_mem>>)
        } else {
        }
        %add3A_120 = arith.constant 1 : i32
        %add3A_121 = arith.addi %add3A_88, %add3A_120 : i32
        %lt3A_122 = arith.constant 16 : i32
        %lt3A_123 = arith.cmpi slt, %add3A_121, %lt3A_122 : i32
        %eq3A_124 = arith.constant 5 : i32
        %eq3A_125 = arith.cmpi eq, %add3A_111, %eq3A_124 : i32
        %and3A_126 = arith.andi %lt3A_123, %eq3A_125 : i1
        %convert_element_type3A_127 = arith.extui %and3A_126 : i1 to i32
        %cond3A_128 = arith.constant 0 : i32
        %cond3A_129 = arith.cmpi ne, %convert_element_type3A_127, %cond3A_128 : i32
        scf.if %cond3A_129 {
          %add3A_265 = arith.constant 1 : i32
          %add3A_266 = arith.addi %add3A_88, %add3A_265 : i32
          %mul3A_267 = arith.constant 8 : i32
          %mul3A_268 = arith.muli %add3A_266, %mul3A_267 : i32
          %add3A_269 = arith.addi %mul3A_2, %mul3A_268 : i32
          %dma_wait3A_270 = arith.constant 0 : i32
          %dma_wait3A_271 = tpu.memref_slice %arg4[%add3A_269, %dma_wait3A_270] : memref<2048x80xi32, #tpu.memory_space<hbm>> -> memref<8x80xi32, #tpu.memory_space<hbm>>
          %dma_wait3A_272 = arith.constant 0 : i32
          %dma_wait3A_273 = tpu.memref_slice %arg4[%add3A_269, %dma_wait3A_272] : memref<2048x80xi32, #tpu.memory_space<hbm>> -> memref<8x80xi32, #tpu.memory_space<hbm>>
          tpu.wait_dma2 semaphore(%arg24 : memref<!tpu.dma_semaphore, #tpu.memory_space<semaphore_mem>>) src(%dma_wait3A_273 : memref<8x80xi32, #tpu.memory_space<hbm>>) dst(%arg10 : memref<8x80xi32, #tpu.memory_space<vmem>>)
          %dma_wait3A_274 = arith.constant 0 : i32
          %dma_wait3A_275 = tpu.memref_slice %arg3[%add3A_269, %dma_wait3A_274] : memref<2048x80xi32, #tpu.memory_space<hbm>> -> memref<8x80xi32, #tpu.memory_space<hbm>>
          %dma_wait3A_276 = arith.constant 0 : i32
          %dma_wait3A_277 = tpu.memref_slice %arg3[%add3A_269, %dma_wait3A_276] : memref<2048x80xi32, #tpu.memory_space<hbm>> -> memref<8x80xi32, #tpu.memory_space<hbm>>
          tpu.wait_dma2 semaphore(%arg24 : memref<!tpu.dma_semaphore, #tpu.memory_space<semaphore_mem>>) src(%dma_wait3A_277 : memref<8x80xi32, #tpu.memory_space<hbm>>) dst(%arg12 : memref<8x80xi32, #tpu.memory_space<vmem>>)
          %scan3A_278 = arith.constant 0 : i32
          %scan3A_279 = arith.constant 8 : i32
          %scan3A_280 = arith.addi %scan3A_278, %scan3A_279 : i32
          %scan3A_281 = arith.constant 1 : i32
          scf.for %scan3A_283 = %scan3A_278 to %scan3A_280 step %scan3A_281  : i32 {
            %mul3A_284 = arith.constant 1 : i32
            %mul3A_285 = arith.muli %scan3A_283, %mul3A_284 : i32
            %add3A_286 = arith.constant 0 : i32
            %add3A_287 = arith.addi %add3A_286, %mul3A_285 : i32
            %get3A = arith.index_cast %add3A_287 : i32 to index
            %get3A_288 = arith.constant 0 : index
            %get3A_289 = tpu.vector_load %arg10[%get3A, %get3A_288] {strides = array<i32>} : memref<8x80xi32, #tpu.memory_space<vmem>>, vector<1x16xi32>,
            %get3A_290 = vector.shape_cast %get3A_289 : vector<1x16xi32> to vector<16xi32>
            %add3A_291 = vector.broadcast %mul3A_0 : i32 to vector<16xi32>
            %add3A_292 = arith.addi %get3A_290, %add3A_291 : vector<16xi32>
            %swap3A = arith.index_cast %add3A_287 : i32 to index
            %swap3A_293 = arith.constant 0 : index
            %swap3A_294 = tpu.vector_load %arg10[%swap3A, %swap3A_293] {strides = array<i32>} : memref<8x80xi32, #tpu.memory_space<vmem>>, vector<1x16xi32>,
            %swap3A_295 = vector.shape_cast %swap3A_294 : vector<1x16xi32> to vector<16xi32>
            %swap3A_296 = vector.shape_cast %add3A_292 : vector<16xi32> to vector<1x16xi32>
            tpu.vector_store %arg10[%swap3A, %swap3A_293], %swap3A_296 {strides = array<i32>} : memref<8x80xi32, #tpu.memory_space<vmem>>, vector<1x16xi32>,
            %get3A_297 = arith.index_cast %add3A_287 : i32 to index
            %get3A_298 = arith.constant 16 : index
            %get3A_299 = tpu.vector_load %arg10[%get3A_297, %get3A_298] {strides = array<i32>} : memref<8x80xi32, #tpu.memory_space<vmem>>, vector<1x16xi32>,
            %get3A_300 = vector.shape_cast %get3A_299 : vector<1x16xi32> to vector<16xi32>
            %add3A_301 = vector.broadcast %mul3A_0 : i32 to vector<16xi32>
            %add3A_302 = arith.addi %get3A_300, %add3A_301 : vector<16xi32>
            %swap3A_303 = arith.index_cast %add3A_287 : i32 to index
            %swap3A_304 = arith.constant 16 : index
            %swap3A_305 = tpu.vector_load %arg10[%swap3A_303, %swap3A_304] {strides = array<i32>} : memref<8x80xi32, #tpu.memory_space<vmem>>, vector<1x16xi32>,
            %swap3A_306 = vector.shape_cast %swap3A_305 : vector<1x16xi32> to vector<16xi32>
            %swap3A_307 = vector.shape_cast %add3A_302 : vector<16xi32> to vector<1x16xi32>
            tpu.vector_store %arg10[%swap3A_303, %swap3A_304], %swap3A_307 {strides = array<i32>} : memref<8x80xi32, #tpu.memory_space<vmem>>, vector<1x16xi32>,
            %get3A_308 = arith.index_cast %add3A_287 : i32 to index
            %get3A_309 = arith.constant 32 : index
            %get3A_310 = tpu.vector_load %arg10[%get3A_308, %get3A_309] {strides = array<i32>} : memref<8x80xi32, #tpu.memory_space<vmem>>, vector<1x16xi32>,
            %get3A_311 = vector.shape_cast %get3A_310 : vector<1x16xi32> to vector<16xi32>
            %add3A_312 = vector.broadcast %mul3A_0 : i32 to vector<16xi32>
            %add3A_313 = arith.addi %get3A_311, %add3A_312 : vector<16xi32>
            %swap3A_314 = arith.index_cast %add3A_287 : i32 to index
            %swap3A_315 = arith.constant 32 : index
            %swap3A_316 = tpu.vector_load %arg10[%swap3A_314, %swap3A_315] {strides = array<i32>} : memref<8x80xi32, #tpu.memory_space<vmem>>, vector<1x16xi32>,
            %swap3A_317 = vector.shape_cast %swap3A_316 : vector<1x16xi32> to vector<16xi32>
            %swap3A_318 = vector.shape_cast %add3A_313 : vector<16xi32> to vector<1x16xi32>
            tpu.vector_store %arg10[%swap3A_314, %swap3A_315], %swap3A_318 {strides = array<i32>} : memref<8x80xi32, #tpu.memory_space<vmem>>, vector<1x16xi32>,
            %get3A_319 = arith.index_cast %add3A_287 : i32 to index
            %get3A_320 = arith.constant 48 : index
            %get3A_321 = tpu.vector_load %arg10[%get3A_319, %get3A_320] {strides = array<i32>} : memref<8x80xi32, #tpu.memory_space<vmem>>, vector<1x16xi32>,
            %get3A_322 = vector.shape_cast %get3A_321 : vector<1x16xi32> to vector<16xi32>
            %add3A_323 = vector.broadcast %mul3A_0 : i32 to vector<16xi32>
            %add3A_324 = arith.addi %get3A_322, %add3A_323 : vector<16xi32>
            %swap3A_325 = arith.index_cast %add3A_287 : i32 to index
            %swap3A_326 = arith.constant 48 : index
            %swap3A_327 = tpu.vector_load %arg10[%swap3A_325, %swap3A_326] {strides = array<i32>} : memref<8x80xi32, #tpu.memory_space<vmem>>, vector<1x16xi32>,
            %swap3A_328 = vector.shape_cast %swap3A_327 : vector<1x16xi32> to vector<16xi32>
            %swap3A_329 = vector.shape_cast %add3A_324 : vector<16xi32> to vector<1x16xi32>
            tpu.vector_store %arg10[%swap3A_325, %swap3A_326], %swap3A_329 {strides = array<i32>} : memref<8x80xi32, #tpu.memory_space<vmem>>, vector<1x16xi32>,
            %get3A_330 = arith.index_cast %add3A_287 : i32 to index
            %get3A_331 = arith.constant 64 : index
            %get3A_332 = tpu.vector_load %arg10[%get3A_330, %get3A_331] {strides = array<i32>} : memref<8x80xi32, #tpu.memory_space<vmem>>, vector<1x16xi32>,
            %get3A_333 = vector.shape_cast %get3A_332 : vector<1x16xi32> to vector<16xi32>
            %add3A_334 = vector.broadcast %mul3A_0 : i32 to vector<16xi32>
            %add3A_335 = arith.addi %get3A_333, %add3A_334 : vector<16xi32>
            %swap3A_336 = arith.index_cast %add3A_287 : i32 to index
            %swap3A_337 = arith.constant 64 : index
            %swap3A_338 = tpu.vector_load %arg10[%swap3A_336, %swap3A_337] {strides = array<i32>} : memref<8x80xi32, #tpu.memory_space<vmem>>, vector<1x16xi32>,
            %swap3A_339 = vector.shape_cast %swap3A_338 : vector<1x16xi32> to vector<16xi32>
            %swap3A_340 = vector.shape_cast %add3A_335 : vector<16xi32> to vector<1x16xi32>
            tpu.vector_store %arg10[%swap3A_336, %swap3A_337], %swap3A_340 {strides = array<i32>} : memref<8x80xi32, #tpu.memory_space<vmem>>, vector<1x16xi32>,
          }
          %scan3A_282 = arith.constant 8 : i32
        } else {
        }
        %dma_wait3A_130 = arith.constant 0 : i32
        %dma_wait3A_131 = tpu.memref_slice %arg9[%add3A_111, %dma_wait3A_130] : memref<8x80xi32, #tpu.memory_space<vmem>> -> memref<1x80xi32, #tpu.memory_space<vmem>>
        %dma_wait3A_132 = tpu.memref_squeeze %dma_wait3A_131 : memref<1x80xi32, #tpu.memory_space<vmem>> -> memref<80xi32, #tpu.memory_space<vmem>>
        %dma_wait3A_133 = arith.constant 0 : i32
        %dma_wait3A_134 = arith.constant 0 : i32
        %dma_wait3A_135 = tpu.memref_slice %arg2[%dma_wait3A_133, %dma_wait3A_134] : memref<20000x128xf32, #tpu.memory_space<hbm>> -> memref<20000x128xf32, #tpu.memory_space<hbm>>
        tpu.wait_indirect_dma semaphore(%arg19 : memref<!tpu.dma_semaphore, #tpu.memory_space<semaphore_mem>>) src(%dma_wait3A_135 : memref<20000x128xf32, #tpu.memory_space<hbm>>) dst(%arg15 : memref<80x128xf32, #tpu.memory_space<vmem>>)
        %add3A_136 = arith.addi %mul3A_2, %add3A_114 : i32
        %dma_wait3A_137 = arith.constant 0 : i32
        %dma_wait3A_138 = tpu.memref_slice %arg5[%add3A_136, %dma_wait3A_137] : memref<2048x1280xf32, #tpu.memory_space<hbm>> -> memref<1x1280xf32, #tpu.memory_space<hbm>>
        %dma_wait3A_139 = tpu.memref_squeeze %dma_wait3A_138 : memref<1x1280xf32, #tpu.memory_space<hbm>> -> memref<1280xf32, #tpu.memory_space<hbm>>
        %dma_wait3A_140 = arith.constant 0 : i32
        %dma_wait3A_141 = tpu.memref_slice %arg5[%add3A_136, %dma_wait3A_140] : memref<2048x1280xf32, #tpu.memory_space<hbm>> -> memref<1x1280xf32, #tpu.memory_space<hbm>>
        %dma_wait3A_142 = tpu.memref_squeeze %dma_wait3A_141 : memref<1x1280xf32, #tpu.memory_space<hbm>> -> memref<1280xf32, #tpu.memory_space<hbm>>
        tpu.wait_dma2 semaphore(%arg25 : memref<!tpu.dma_semaphore, #tpu.memory_space<semaphore_mem>>) src(%dma_wait3A_142 : memref<1280xf32, #tpu.memory_space<hbm>>) dst(%arg13 : memref<1280xf32, #tpu.memory_space<vmem>>)
        %ge3A = arith.constant 2 : i32
        %ge3A_143 = arith.cmpi sge, %add3A_111, %ge3A : i32
        %convert_element_type3A_144 = arith.extui %ge3A_143 : i1 to i32
        %cond3A_145 = arith.constant 0 : i32
        %cond3A_146 = arith.cmpi ne, %convert_element_type3A_144, %cond3A_145 : i32
        scf.if %cond3A_146 {
          %sub3A = arith.constant 2 : i32
          %sub3A_265 = arith.subi %add3A_111, %sub3A : i32
          %dma_wait3A_266 = arith.constant 0 : i32
          %dma_wait3A_267 = tpu.memref_slice %arg11[%sub3A_265, %dma_wait3A_266] : memref<8x80xi32, #tpu.memory_space<vmem>> -> memref<1x80xi32, #tpu.memory_space<vmem>>
          %dma_wait3A_268 = tpu.memref_squeeze %dma_wait3A_267 : memref<1x80xi32, #tpu.memory_space<vmem>> -> memref<80xi32, #tpu.memory_space<vmem>>
          %dma_wait3A_269 = arith.constant 0 : i32
          %dma_wait3A_270 = arith.constant 0 : i32
          %dma_wait3A_271 = tpu.memref_slice %arg8[%dma_wait3A_269, %dma_wait3A_270] : memref<10112x128xf32, #tpu.memory_space<vmem_shared>> -> memref<10112x128xf32, #tpu.memory_space<vmem_shared>>
          tpu.wait_indirect_dma semaphore(%arg21 : memref<!tpu.dma_semaphore, #tpu.memory_space<semaphore_mem>>) src(%arg17 : memref<80x128xf32, #tpu.memory_space<vmem>>) dst(%dma_wait3A_271 : memref<10112x128xf32, #tpu.memory_space<vmem_shared>>)
        } else {
        }
        %ge3A_147 = arith.constant 2 : i32
        %ge3A_148 = arith.cmpi sge, %add3A_114, %ge3A_147 : i32
        %lt3A_149 = arith.constant 2 : i32
        %lt3A_150 = arith.cmpi slt, %add3A_111, %lt3A_149 : i32
        %and3A_151 = arith.andi %ge3A_148, %lt3A_150 : i1
        %convert_element_type3A_152 = arith.extui %and3A_151 : i1 to i32
        %cond3A_153 = arith.constant 0 : i32
        %cond3A_154 = arith.cmpi ne, %convert_element_type3A_152, %cond3A_153 : i32
        scf.if %cond3A_154 {
          %add3A_265 = arith.constant 8 : i32
          %add3A_266 = arith.addi %add3A_265, %add3A_111 : i32
          %sub3A = arith.constant 2 : i32
          %sub3A_267 = arith.subi %add3A_266, %sub3A : i32
          %dma_wait3A_268 = arith.constant 0 : i32
          %dma_wait3A_269 = tpu.memref_slice %arg12[%sub3A_267, %dma_wait3A_268] : memref<8x80xi32, #tpu.memory_space<vmem>> -> memref<1x80xi32, #tpu.memory_space<vmem>>
          %dma_wait3A_270 = tpu.memref_squeeze %dma_wait3A_269 : memref<1x80xi32, #tpu.memory_space<vmem>> -> memref<80xi32, #tpu.memory_space<vmem>>
          %dma_wait3A_271 = arith.constant 0 : i32
          %dma_wait3A_272 = arith.constant 0 : i32
          %dma_wait3A_273 = tpu.memref_slice %arg8[%dma_wait3A_271, %dma_wait3A_272] : memref<10112x128xf32, #tpu.memory_space<vmem_shared>> -> memref<10112x128xf32, #tpu.memory_space<vmem_shared>>
          tpu.wait_indirect_dma semaphore(%arg21 : memref<!tpu.dma_semaphore, #tpu.memory_space<semaphore_mem>>) src(%arg17 : memref<80x128xf32, #tpu.memory_space<vmem>>) dst(%dma_wait3A_273 : memref<10112x128xf32, #tpu.memory_space<vmem_shared>>)
        } else {
        }
        %parallel_loop3A = arith.constant 0 : i32
        %parallel_loop3A_155 = arith.constant 80 : i32
        %parallel_loop3A_156 = arith.constant 1 : i32
        scf.for %parallel_loop3A_265 = %parallel_loop3A to %parallel_loop3A_155 step %parallel_loop3A_156  : i32 {
          %parallel_loop3A_266 = arith.constant 16 : i32
          %parallel_loop3A_267 = arith.muli %parallel_loop3A_265, %parallel_loop3A_266 : i32
          %parallel_loop3A_268 = arith.index_cast %parallel_loop3A_267 : i32 to index
          %parallel_loop3A_269 = tpu.vector_load %arg13[%parallel_loop3A_268] {strides = array<i32>} : memref<1280xf32, #tpu.memory_space<vmem>>, vector<16xf32>,
          %parallel_loop3A_270 = vector.shape_cast %parallel_loop3A_269 : vector<16xf32> to vector<16xf32>
          %parallel_loop3A_271 = arith.index_cast %parallel_loop3A_265 : i32 to index
          %parallel_loop3A_272 = arith.constant 0 : index
          %parallel_loop3A_273 = tpu.vector_load %arg15[%parallel_loop3A_271, %parallel_loop3A_272] {strides = array<i32>} : memref<80x128xf32, #tpu.memory_space<vmem>>, vector<1x16xf32>,
          %parallel_loop3A_274 = vector.shape_cast %parallel_loop3A_273 : vector<1x16xf32> to vector<16xf32>
          %parallel_loop3A_275 = arith.mulf %parallel_loop3A_274, %parallel_loop3A_270 : vector<16xf32>
          %parallel_loop3A_276 = arith.index_cast %parallel_loop3A_265 : i32 to index
          %parallel_loop3A_277 = arith.constant 0 : index
          %parallel_loop3A_278 = tpu.vector_load %arg17[%parallel_loop3A_276, %parallel_loop3A_277] {strides = array<i32>} : memref<80x128xf32, #tpu.memory_space<vmem>>, vector<1x16xf32>,
          %parallel_loop3A_279 = vector.shape_cast %parallel_loop3A_278 : vector<1x16xf32> to vector<16xf32>
          %parallel_loop3A_280 = vector.shape_cast %parallel_loop3A_275 : vector<16xf32> to vector<1x16xf32>
          tpu.vector_store %arg17[%parallel_loop3A_276, %parallel_loop3A_277], %parallel_loop3A_280 {strides = array<i32>} : memref<80x128xf32, #tpu.memory_space<vmem>>, vector<1x16xf32>,
          %parallel_loop3A_281 = arith.index_cast %parallel_loop3A_265 : i32 to index
          %parallel_loop3A_282 = arith.constant 16 : index
          %parallel_loop3A_283 = tpu.vector_load %arg15[%parallel_loop3A_281, %parallel_loop3A_282] {strides = array<i32>} : memref<80x128xf32, #tpu.memory_space<vmem>>, vector<1x16xf32>,
          %parallel_loop3A_284 = vector.shape_cast %parallel_loop3A_283 : vector<1x16xf32> to vector<16xf32>
          %parallel_loop3A_285 = arith.mulf %parallel_loop3A_284, %parallel_loop3A_270 : vector<16xf32>
          %parallel_loop3A_286 = arith.index_cast %parallel_loop3A_265 : i32 to index
          %parallel_loop3A_287 = arith.constant 16 : index
          %parallel_loop3A_288 = tpu.vector_load %arg17[%parallel_loop3A_286, %parallel_loop3A_287] {strides = array<i32>} : memref<80x128xf32, #tpu.memory_space<vmem>>, vector<1x16xf32>,
          %parallel_loop3A_289 = vector.shape_cast %parallel_loop3A_288 : vector<1x16xf32> to vector<16xf32>
          %parallel_loop3A_290 = vector.shape_cast %parallel_loop3A_285 : vector<16xf32> to vector<1x16xf32>
          tpu.vector_store %arg17[%parallel_loop3A_286, %parallel_loop3A_287], %parallel_loop3A_290 {strides = array<i32>} : memref<80x128xf32, #tpu.memory_space<vmem>>, vector<1x16xf32>,
          %parallel_loop3A_291 = arith.index_cast %parallel_loop3A_265 : i32 to index
          %parallel_loop3A_292 = arith.constant 32 : index
          %parallel_loop3A_293 = tpu.vector_load %arg15[%parallel_loop3A_291, %parallel_loop3A_292] {strides = array<i32>} : memref<80x128xf32, #tpu.memory_space<vmem>>, vector<1x16xf32>,
          %parallel_loop3A_294 = vector.shape_cast %parallel_loop3A_293 : vector<1x16xf32> to vector<16xf32>
          %parallel_loop3A_295 = arith.mulf %parallel_loop3A_294, %parallel_loop3A_270 : vector<16xf32>
          %parallel_loop3A_296 = arith.index_cast %parallel_loop3A_265 : i32 to index
          %parallel_loop3A_297 = arith.constant 32 : index
          %parallel_loop3A_298 = tpu.vector_load %arg17[%parallel_loop3A_296, %parallel_loop3A_297] {strides = array<i32>} : memref<80x128xf32, #tpu.memory_space<vmem>>, vector<1x16xf32>,
          %parallel_loop3A_299 = vector.shape_cast %parallel_loop3A_298 : vector<1x16xf32> to vector<16xf32>
          %parallel_loop3A_300 = vector.shape_cast %parallel_loop3A_295 : vector<16xf32> to vector<1x16xf32>
          tpu.vector_store %arg17[%parallel_loop3A_296, %parallel_loop3A_297], %parallel_loop3A_300 {strides = array<i32>} : memref<80x128xf32, #tpu.memory_space<vmem>>, vector<1x16xf32>,
          %parallel_loop3A_301 = arith.index_cast %parallel_loop3A_265 : i32 to index
          %parallel_loop3A_302 = arith.constant 48 : index
          %parallel_loop3A_303 = tpu.vector_load %arg15[%parallel_loop3A_301, %parallel_loop3A_302] {strides = array<i32>} : memref<80x128xf32, #tpu.memory_space<vmem>>, vector<1x16xf32>,
          %parallel_loop3A_304 = vector.shape_cast %parallel_loop3A_303 : vector<1x16xf32> to vector<16xf32>
          %parallel_loop3A_305 = arith.mulf %parallel_loop3A_304, %parallel_loop3A_270 : vector<16xf32>
          %parallel_loop3A_306 = arith.index_cast %parallel_loop3A_265 : i32 to index
          %parallel_loop3A_307 = arith.constant 48 : index
          %parallel_loop3A_308 = tpu.vector_load %arg17[%parallel_loop3A_306, %parallel_loop3A_307] {strides = array<i32>} : memref<80x128xf32, #tpu.memory_space<vmem>>, vector<1x16xf32>,
          %parallel_loop3A_309 = vector.shape_cast %parallel_loop3A_308 : vector<1x16xf32> to vector<16xf32>
          %parallel_loop3A_310 = vector.shape_cast %parallel_loop3A_305 : vector<16xf32> to vector<1x16xf32>
          tpu.vector_store %arg17[%parallel_loop3A_306, %parallel_loop3A_307], %parallel_loop3A_310 {strides = array<i32>} : memref<80x128xf32, #tpu.memory_space<vmem>>, vector<1x16xf32>,
          %parallel_loop3A_311 = arith.index_cast %parallel_loop3A_265 : i32 to index
          %parallel_loop3A_312 = arith.constant 64 : index
          %parallel_loop3A_313 = tpu.vector_load %arg15[%parallel_loop3A_311, %parallel_loop3A_312] {strides = array<i32>} : memref<80x128xf32, #tpu.memory_space<vmem>>, vector<1x16xf32>,
          %parallel_loop3A_314 = vector.shape_cast %parallel_loop3A_313 : vector<1x16xf32> to vector<16xf32>
          %parallel_loop3A_315 = arith.mulf %parallel_loop3A_314, %parallel_loop3A_270 : vector<16xf32>
          %parallel_loop3A_316 = arith.index_cast %parallel_loop3A_265 : i32 to index
          %parallel_loop3A_317 = arith.constant 64 : index
          %parallel_loop3A_318 = tpu.vector_load %arg17[%parallel_loop3A_316, %parallel_loop3A_317] {strides = array<i32>} : memref<80x128xf32, #tpu.memory_space<vmem>>, vector<1x16xf32>,
          %parallel_loop3A_319 = vector.shape_cast %parallel_loop3A_318 : vector<1x16xf32> to vector<16xf32>
          %parallel_loop3A_320 = vector.shape_cast %parallel_loop3A_315 : vector<16xf32> to vector<1x16xf32>
          tpu.vector_store %arg17[%parallel_loop3A_316, %parallel_loop3A_317], %parallel_loop3A_320 {strides = array<i32>} : memref<80x128xf32, #tpu.memory_space<vmem>>, vector<1x16xf32>,
          %parallel_loop3A_321 = arith.index_cast %parallel_loop3A_265 : i32 to index
          %parallel_loop3A_322 = arith.constant 80 : index
          %parallel_loop3A_323 = tpu.vector_load %arg15[%parallel_loop3A_321, %parallel_loop3A_322] {strides = array<i32>} : memref<80x128xf32, #tpu.memory_space<vmem>>, vector<1x16xf32>,
          %parallel_loop3A_324 = vector.shape_cast %parallel_loop3A_323 : vector<1x16xf32> to vector<16xf32>
          %parallel_loop3A_325 = arith.mulf %parallel_loop3A_324, %parallel_loop3A_270 : vector<16xf32>
          %parallel_loop3A_326 = arith.index_cast %parallel_loop3A_265 : i32 to index
          %parallel_loop3A_327 = arith.constant 80 : index
          %parallel_loop3A_328 = tpu.vector_load %arg17[%parallel_loop3A_326, %parallel_loop3A_327] {strides = array<i32>} : memref<80x128xf32, #tpu.memory_space<vmem>>, vector<1x16xf32>,
          %parallel_loop3A_329 = vector.shape_cast %parallel_loop3A_328 : vector<1x16xf32> to vector<16xf32>
          %parallel_loop3A_330 = vector.shape_cast %parallel_loop3A_325 : vector<16xf32> to vector<1x16xf32>
          tpu.vector_store %arg17[%parallel_loop3A_326, %parallel_loop3A_327], %parallel_loop3A_330 {strides = array<i32>} : memref<80x128xf32, #tpu.memory_space<vmem>>, vector<1x16xf32>,
          %parallel_loop3A_331 = arith.index_cast %parallel_loop3A_265 : i32 to index
          %parallel_loop3A_332 = arith.constant 96 : index
          %parallel_loop3A_333 = tpu.vector_load %arg15[%parallel_loop3A_331, %parallel_loop3A_332] {strides = array<i32>} : memref<80x128xf32, #tpu.memory_space<vmem>>, vector<1x16xf32>,
          %parallel_loop3A_334 = vector.shape_cast %parallel_loop3A_333 : vector<1x16xf32> to vector<16xf32>
          %parallel_loop3A_335 = arith.mulf %parallel_loop3A_334, %parallel_loop3A_270 : vector<16xf32>
          %parallel_loop3A_336 = arith.index_cast %parallel_loop3A_265 : i32 to index
          %parallel_loop3A_337 = arith.constant 96 : index
          %parallel_loop3A_338 = tpu.vector_load %arg17[%parallel_loop3A_336, %parallel_loop3A_337] {strides = array<i32>} : memref<80x128xf32, #tpu.memory_space<vmem>>, vector<1x16xf32>,
          %parallel_loop3A_339 = vector.shape_cast %parallel_loop3A_338 : vector<1x16xf32> to vector<16xf32>
          %parallel_loop3A_340 = vector.shape_cast %parallel_loop3A_335 : vector<16xf32> to vector<1x16xf32>
          tpu.vector_store %arg17[%parallel_loop3A_336, %parallel_loop3A_337], %parallel_loop3A_340 {strides = array<i32>} : memref<80x128xf32, #tpu.memory_space<vmem>>, vector<1x16xf32>,
          %parallel_loop3A_341 = arith.index_cast %parallel_loop3A_265 : i32 to index
          %parallel_loop3A_342 = arith.constant 112 : index
          %parallel_loop3A_343 = tpu.vector_load %arg15[%parallel_loop3A_341, %parallel_loop3A_342] {strides = array<i32>} : memref<80x128xf32, #tpu.memory_space<vmem>>, vector<1x16xf32>,
          %parallel_loop3A_344 = vector.shape_cast %parallel_loop3A_343 : vector<1x16xf32> to vector<16xf32>
          %parallel_loop3A_345 = arith.mulf %parallel_loop3A_344, %parallel_loop3A_270 : vector<16xf32>
          %parallel_loop3A_346 = arith.index_cast %parallel_loop3A_265 : i32 to index
          %parallel_loop3A_347 = arith.constant 112 : index
          %parallel_loop3A_348 = tpu.vector_load %arg17[%parallel_loop3A_346, %parallel_loop3A_347] {strides = array<i32>} : memref<80x128xf32, #tpu.memory_space<vmem>>, vector<1x16xf32>,
          %parallel_loop3A_349 = vector.shape_cast %parallel_loop3A_348 : vector<1x16xf32> to vector<16xf32>
          %parallel_loop3A_350 = vector.shape_cast %parallel_loop3A_345 : vector<16xf32> to vector<1x16xf32>
          tpu.vector_store %arg17[%parallel_loop3A_346, %parallel_loop3A_347], %parallel_loop3A_350 {strides = array<i32>} : memref<80x128xf32, #tpu.memory_space<vmem>>, vector<1x16xf32>,
        } {sc.loop_unroll_factor = 2 : i64, sc.parallel_access}
        %dma_start3A_157 = arith.constant 0 : i32
        %dma_start3A_158 = tpu.memref_slice %arg11[%add3A_111, %dma_start3A_157] : memref<8x80xi32, #tpu.memory_space<vmem>> -> memref<1x80xi32, #tpu.memory_space<vmem>>
        %dma_start3A_159 = tpu.memref_squeeze %dma_start3A_158 : memref<1x80xi32, #tpu.memory_space<vmem>> -> memref<80xi32, #tpu.memory_space<vmem>>
        %dma_start3A_160 = arith.constant 0 : i32
        %dma_start3A_161 = arith.constant 0 : i32
        %dma_start3A_162 = tpu.memref_slice %arg8[%dma_start3A_160, %dma_start3A_161] : memref<10112x128xf32, #tpu.memory_space<vmem_shared>> -> memref<10112x128xf32, #tpu.memory_space<vmem_shared>>
        tpu.enqueue_indirect_dma source(%arg17 : memref<80x128xf32, #tpu.memory_space<vmem>>) target(%dma_start3A_162 : memref<10112x128xf32, #tpu.memory_space<vmem_shared>>) offsets(%dma_start3A_159 : memref<80xi32, #tpu.memory_space<vmem>>) semaphore(%arg21 : memref<!tpu.dma_semaphore, #tpu.memory_space<semaphore_mem>>) {add = true}
        %add3A_163 = arith.constant 2 : i32
        %add3A_164 = arith.addi %add3A_114, %add3A_163 : i32
        %lt3A_165 = arith.constant 128 : i32
        %lt3A_166 = arith.cmpi slt, %add3A_164, %lt3A_165 : i32
        %lt3A_167 = arith.constant 6 : i32
        %lt3A_168 = arith.cmpi slt, %add3A_111, %lt3A_167 : i32
        %and3A_169 = arith.andi %lt3A_166, %lt3A_168 : i1
        %convert_element_type3A_170 = arith.extui %and3A_169 : i1 to i32
        %cond3A_171 = arith.constant 0 : i32
        %cond3A_172 = arith.cmpi ne, %convert_element_type3A_170, %cond3A_171 : i32
        scf.if %cond3A_172 {
          %add3A_265 = arith.constant 2 : i32
          %add3A_266 = arith.addi %add3A_111, %add3A_265 : i32
          %add3A_267 = arith.constant 2 : i32
          %add3A_268 = arith.addi %add3A_114, %add3A_267 : i32
          %dma_start3A_269 = arith.constant 0 : i32
          %dma_start3A_270 = tpu.memref_slice %arg9[%add3A_266, %dma_start3A_269] : memref<8x80xi32, #tpu.memory_space<vmem>> -> memref<1x80xi32, #tpu.memory_space<vmem>>
          %dma_start3A_271 = tpu.memref_squeeze %dma_start3A_270 : memref<1x80xi32, #tpu.memory_space<vmem>> -> memref<80xi32, #tpu.memory_space<vmem>>
          %dma_start3A_272 = arith.constant 0 : i32
          %dma_start3A_273 = arith.constant 0 : i32
          %dma_start3A_274 = tpu.memref_slice %arg2[%dma_start3A_272, %dma_start3A_273] : memref<20000x128xf32, #tpu.memory_space<hbm>> -> memref<20000x128xf32, #tpu.memory_space<hbm>>
          tpu.enqueue_indirect_dma source(%dma_start3A_274 : memref<20000x128xf32, #tpu.memory_space<hbm>>) target(%arg15 : memref<80x128xf32, #tpu.memory_space<vmem>>) offsets(%dma_start3A_271 : memref<80xi32, #tpu.memory_space<vmem>>) semaphore(%arg19 : memref<!tpu.dma_semaphore, #tpu.memory_space<semaphore_mem>>)
          %add3A_275 = arith.addi %mul3A_2, %add3A_268 : i32
          %dma_start3A_276 = arith.constant 0 : i32
          %dma_start3A_277 = tpu.memref_slice %arg5[%add3A_275, %dma_start3A_276] : memref<2048x1280xf32, #tpu.memory_space<hbm>> -> memref<1x1280xf32, #tpu.memory_space<hbm>>
          %dma_start3A_278 = tpu.memref_squeeze %dma_start3A_277 : memref<1x1280xf32, #tpu.memory_space<hbm>> -> memref<1280xf32, #tpu.memory_space<hbm>>
          %dma_start3A_279 = arith.constant 0 : i32
          %dma_start3A_280 = tpu.memref_slice %arg5[%add3A_275, %dma_start3A_279] : memref<2048x1280xf32, #tpu.memory_space<hbm>> -> memref<1x1280xf32, #tpu.memory_space<hbm>>
          %dma_start3A_281 = tpu.memref_squeeze %dma_start3A_280 : memref<1x1280xf32, #tpu.memory_space<hbm>> -> memref<1280xf32, #tpu.memory_space<hbm>>
          tpu.enqueue_dma source(%dma_start3A_281 : memref<1280xf32, #tpu.memory_space<hbm>>) target(%arg13 : memref<1280xf32, #tpu.memory_space<vmem>>) target_semaphore(%arg25 : memref<!tpu.dma_semaphore, #tpu.memory_space<semaphore_mem>>)
        } else {
        }
        %add3A_173 = arith.constant 2 : i32
        %add3A_174 = arith.addi %add3A_114, %add3A_173 : i32
        %lt3A_175 = arith.constant 128 : i32
        %lt3A_176 = arith.cmpi slt, %add3A_174, %lt3A_175 : i32
        %ge3A_177 = arith.constant 6 : i32
        %ge3A_178 = arith.cmpi sge, %add3A_111, %ge3A_177 : i32
        %and3A_179 = arith.andi %lt3A_176, %ge3A_178 : i1
        %convert_element_type3A_180 = arith.extui %and3A_179 : i1 to i32
        %cond3A_181 = arith.constant 0 : i32
        %cond3A_182 = arith.cmpi ne, %convert_element_type3A_180, %cond3A_181 : i32
        scf.if %cond3A_182 {
          %sub3A = arith.constant 6 : i32
          %sub3A_265 = arith.subi %add3A_111, %sub3A : i32
          %add3A_266 = arith.constant 2 : i32
          %add3A_267 = arith.addi %add3A_114, %add3A_266 : i32
          %dma_start3A_268 = arith.constant 0 : i32
          %dma_start3A_269 = tpu.memref_slice %arg10[%sub3A_265, %dma_start3A_268] : memref<8x80xi32, #tpu.memory_space<vmem>> -> memref<1x80xi32, #tpu.memory_space<vmem>>
          %dma_start3A_270 = tpu.memref_squeeze %dma_start3A_269 : memref<1x80xi32, #tpu.memory_space<vmem>> -> memref<80xi32, #tpu.memory_space<vmem>>
          %dma_start3A_271 = arith.constant 0 : i32
          %dma_start3A_272 = arith.constant 0 : i32
          %dma_start3A_273 = tpu.memref_slice %arg2[%dma_start3A_271, %dma_start3A_272] : memref<20000x128xf32, #tpu.memory_space<hbm>> -> memref<20000x128xf32, #tpu.memory_space<hbm>>
          tpu.enqueue_indirect_dma source(%dma_start3A_273 : memref<20000x128xf32, #tpu.memory_space<hbm>>) target(%arg15 : memref<80x128xf32, #tpu.memory_space<vmem>>) offsets(%dma_start3A_270 : memref<80xi32, #tpu.memory_space<vmem>>) semaphore(%arg19 : memref<!tpu.dma_semaphore, #tpu.memory_space<semaphore_mem>>)
          %add3A_274 = arith.addi %mul3A_2, %add3A_267 : i32
          %dma_start3A_275 = arith.constant 0 : i32
          %dma_start3A_276 = tpu.memref_slice %arg5[%add3A_274, %dma_start3A_275] : memref<2048x1280xf32, #tpu.memory_space<hbm>> -> memref<1x1280xf32, #tpu.memory_space<hbm>>
          %dma_start3A_277 = tpu.memref_squeeze %dma_start3A_276 : memref<1x1280xf32, #tpu.memory_space<hbm>> -> memref<1280xf32, #tpu.memory_space<hbm>>
          %dma_start3A_278 = arith.constant 0 : i32
          %dma_start3A_279 = tpu.memref_slice %arg5[%add3A_274, %dma_start3A_278] : memref<2048x1280xf32, #tpu.memory_space<hbm>> -> memref<1x1280xf32, #tpu.memory_space<hbm>>
          %dma_start3A_280 = tpu.memref_squeeze %dma_start3A_279 : memref<1x1280xf32, #tpu.memory_space<hbm>> -> memref<1280xf32, #tpu.memory_space<hbm>>
          tpu.enqueue_dma source(%dma_start3A_280 : memref<1280xf32, #tpu.memory_space<hbm>>) target(%arg13 : memref<1280xf32, #tpu.memory_space<vmem>>) target_semaphore(%arg25 : memref<!tpu.dma_semaphore, #tpu.memory_space<semaphore_mem>>)
        } else {
        }
        %mul3A_183 = arith.constant 2 : i32
        %mul3A_184 = arith.muli %add3A_107, %mul3A_183 : i32
        %add3A_185 = arith.constant 1 : i32
        %add3A_186 = arith.addi %mul3A_184, %add3A_185 : i32
        %mul3A_187 = arith.constant 8 : i32
        %mul3A_188 = arith.muli %add3A_88, %mul3A_187 : i32
        %add3A_189 = arith.addi %mul3A_188, %add3A_186 : i32
        %add3A_190 = arith.constant 1 : i32
        %add3A_191 = arith.addi %add3A_88, %add3A_190 : i32
        %lt3A_192 = arith.constant 16 : i32
        %lt3A_193 = arith.cmpi slt, %add3A_191, %lt3A_192 : i32
        %eq3A_194 = arith.constant 2 : i32
        %eq3A_195 = arith.cmpi eq, %add3A_186, %eq3A_194 : i32
        %and3A_196 = arith.andi %lt3A_193, %eq3A_195 : i1
        %convert_element_type3A_197 = arith.extui %and3A_196 : i1 to i32
        %cond3A_198 = arith.constant 0 : i32
        %cond3A_199 = arith.cmpi ne, %convert_element_type3A_197, %cond3A_198 : i32
        scf.if %cond3A_199 {
          %add3A_265 = arith.constant 1 : i32
          %add3A_266 = arith.addi %add3A_88, %add3A_265 : i32
          %mul3A_267 = arith.constant 8 : i32
          %mul3A_268 = arith.muli %add3A_266, %mul3A_267 : i32
          %add3A_269 = arith.addi %mul3A_2, %mul3A_268 : i32
          %dma_start3A_270 = arith.constant 0 : i32
          %dma_start3A_271 = tpu.memref_slice %arg4[%add3A_269, %dma_start3A_270] : memref<2048x80xi32, #tpu.memory_space<hbm>> -> memref<8x80xi32, #tpu.memory_space<hbm>>
          %dma_start3A_272 = arith.constant 0 : i32
          %dma_start3A_273 = tpu.memref_slice %arg4[%add3A_269, %dma_start3A_272] : memref<2048x80xi32, #tpu.memory_space<hbm>> -> memref<8x80xi32, #tpu.memory_space<hbm>>
          tpu.enqueue_dma source(%dma_start3A_273 : memref<8x80xi32, #tpu.memory_space<hbm>>) target(%arg10 : memref<8x80xi32, #tpu.memory_space<vmem>>) target_semaphore(%arg24 : memref<!tpu.dma_semaphore, #tpu.memory_space<semaphore_mem>>)
          %dma_start3A_274 = arith.constant 0 : i32
          %dma_start3A_275 = tpu.memref_slice %arg3[%add3A_269, %dma_start3A_274] : memref<2048x80xi32, #tpu.memory_space<hbm>> -> memref<8x80xi32, #tpu.memory_space<hbm>>
          %dma_start3A_276 = arith.constant 0 : i32
          %dma_start3A_277 = tpu.memref_slice %arg3[%add3A_269, %dma_start3A_276] : memref<2048x80xi32, #tpu.memory_space<hbm>> -> memref<8x80xi32, #tpu.memory_space<hbm>>
          tpu.enqueue_dma source(%dma_start3A_277 : memref<8x80xi32, #tpu.memory_space<hbm>>) target(%arg12 : memref<8x80xi32, #tpu.memory_space<vmem>>) target_semaphore(%arg24 : memref<!tpu.dma_semaphore, #tpu.memory_space<semaphore_mem>>)
        } else {
        }
        %add3A_200 = arith.constant 1 : i32
        %add3A_201 = arith.addi %add3A_88, %add3A_200 : i32
        %lt3A_202 = arith.constant 16 : i32
        %lt3A_203 = arith.cmpi slt, %add3A_201, %lt3A_202 : i32
        %eq3A_204 = arith.constant 5 : i32
        %eq3A_205 = arith.cmpi eq, %add3A_186, %eq3A_204 : i32
        %and3A_206 = arith.andi %lt3A_203, %eq3A_205 : i1
        %convert_element_type3A_207 = arith.extui %and3A_206 : i1 to i32
        %cond3A_208 = arith.constant 0 : i32
        %cond3A_209 = arith.cmpi ne, %convert_element_type3A_207, %cond3A_208 : i32
        scf.if %cond3A_209 {
          %add3A_265 = arith.constant 1 : i32
          %add3A_266 = arith.addi %add3A_88, %add3A_265 : i32
          %mul3A_267 = arith.constant 8 : i32
          %mul3A_268 = arith.muli %add3A_266, %mul3A_267 : i32
          %add3A_269 = arith.addi %mul3A_2, %mul3A_268 : i32
          %dma_wait3A_270 = arith.constant 0 : i32
          %dma_wait3A_271 = tpu.memref_slice %arg4[%add3A_269, %dma_wait3A_270] : memref<2048x80xi32, #tpu.memory_space<hbm>> -> memref<8x80xi32, #tpu.memory_space<hbm>>
          %dma_wait3A_272 = arith.constant 0 : i32
          %dma_wait3A_273 = tpu.memref_slice %arg4[%add3A_269, %dma_wait3A_272] : memref<2048x80xi32, #tpu.memory_space<hbm>> -> memref<8x80xi32, #tpu.memory_space<hbm>>
          tpu.wait_dma2 semaphore(%arg24 : memref<!tpu.dma_semaphore, #tpu.memory_space<semaphore_mem>>) src(%dma_wait3A_273 : memref<8x80xi32, #tpu.memory_space<hbm>>) dst(%arg10 : memref<8x80xi32, #tpu.memory_space<vmem>>)
          %dma_wait3A_274 = arith.constant 0 : i32
          %dma_wait3A_275 = tpu.memref_slice %arg3[%add3A_269, %dma_wait3A_274] : memref<2048x80xi32, #tpu.memory_space<hbm>> -> memref<8x80xi32, #tpu.memory_space<hbm>>
          %dma_wait3A_276 = arith.constant 0 : i32
          %dma_wait3A_277 = tpu.memref_slice %arg3[%add3A_269, %dma_wait3A_276] : memref<2048x80xi32, #tpu.memory_space<hbm>> -> memref<8x80xi32, #tpu.memory_space<hbm>>
          tpu.wait_dma2 semaphore(%arg24 : memref<!tpu.dma_semaphore, #tpu.memory_space<semaphore_mem>>) src(%dma_wait3A_277 : memref<8x80xi32, #tpu.memory_space<hbm>>) dst(%arg12 : memref<8x80xi32, #tpu.memory_space<vmem>>)
          %scan3A_278 = arith.constant 0 : i32
          %scan3A_279 = arith.constant 8 : i32
          %scan3A_280 = arith.addi %scan3A_278, %scan3A_279 : i32
          %scan3A_281 = arith.constant 1 : i32
          scf.for %scan3A_283 = %scan3A_278 to %scan3A_280 step %scan3A_281  : i32 {
            %mul3A_284 = arith.constant 1 : i32
            %mul3A_285 = arith.muli %scan3A_283, %mul3A_284 : i32
            %add3A_286 = arith.constant 0 : i32
            %add3A_287 = arith.addi %add3A_286, %mul3A_285 : i32
            %get3A = arith.index_cast %add3A_287 : i32 to index
            %get3A_288 = arith.constant 0 : index
            %get3A_289 = tpu.vector_load %arg10[%get3A, %get3A_288] {strides = array<i32>} : memref<8x80xi32, #tpu.memory_space<vmem>>, vector<1x16xi32>,
            %get3A_290 = vector.shape_cast %get3A_289 : vector<1x16xi32> to vector<16xi32>
            %add3A_291 = vector.broadcast %mul3A_0 : i32 to vector<16xi32>
            %add3A_292 = arith.addi %get3A_290, %add3A_291 : vector<16xi32>
            %swap3A = arith.index_cast %add3A_287 : i32 to index
            %swap3A_293 = arith.constant 0 : index
            %swap3A_294 = tpu.vector_load %arg10[%swap3A, %swap3A_293] {strides = array<i32>} : memref<8x80xi32, #tpu.memory_space<vmem>>, vector<1x16xi32>,
            %swap3A_295 = vector.shape_cast %swap3A_294 : vector<1x16xi32> to vector<16xi32>
            %swap3A_296 = vector.shape_cast %add3A_292 : vector<16xi32> to vector<1x16xi32>
            tpu.vector_store %arg10[%swap3A, %swap3A_293], %swap3A_296 {strides = array<i32>} : memref<8x80xi32, #tpu.memory_space<vmem>>, vector<1x16xi32>,
            %get3A_297 = arith.index_cast %add3A_287 : i32 to index
            %get3A_298 = arith.constant 16 : index
            %get3A_299 = tpu.vector_load %arg10[%get3A_297, %get3A_298] {strides = array<i32>} : memref<8x80xi32, #tpu.memory_space<vmem>>, vector<1x16xi32>,
            %get3A_300 = vector.shape_cast %get3A_299 : vector<1x16xi32> to vector<16xi32>
            %add3A_301 = vector.broadcast %mul3A_0 : i32 to vector<16xi32>
            %add3A_302 = arith.addi %get3A_300, %add3A_301 : vector<16xi32>
            %swap3A_303 = arith.index_cast %add3A_287 : i32 to index
            %swap3A_304 = arith.constant 16 : index
            %swap3A_305 = tpu.vector_load %arg10[%swap3A_303, %swap3A_304] {strides = array<i32>} : memref<8x80xi32, #tpu.memory_space<vmem>>, vector<1x16xi32>,
            %swap3A_306 = vector.shape_cast %swap3A_305 : vector<1x16xi32> to vector<16xi32>
            %swap3A_307 = vector.shape_cast %add3A_302 : vector<16xi32> to vector<1x16xi32>
            tpu.vector_store %arg10[%swap3A_303, %swap3A_304], %swap3A_307 {strides = array<i32>} : memref<8x80xi32, #tpu.memory_space<vmem>>, vector<1x16xi32>,
            %get3A_308 = arith.index_cast %add3A_287 : i32 to index
            %get3A_309 = arith.constant 32 : index
            %get3A_310 = tpu.vector_load %arg10[%get3A_308, %get3A_309] {strides = array<i32>} : memref<8x80xi32, #tpu.memory_space<vmem>>, vector<1x16xi32>,
            %get3A_311 = vector.shape_cast %get3A_310 : vector<1x16xi32> to vector<16xi32>
            %add3A_312 = vector.broadcast %mul3A_0 : i32 to vector<16xi32>
            %add3A_313 = arith.addi %get3A_311, %add3A_312 : vector<16xi32>
            %swap3A_314 = arith.index_cast %add3A_287 : i32 to index
            %swap3A_315 = arith.constant 32 : index
            %swap3A_316 = tpu.vector_load %arg10[%swap3A_314, %swap3A_315] {strides = array<i32>} : memref<8x80xi32, #tpu.memory_space<vmem>>, vector<1x16xi32>,
            %swap3A_317 = vector.shape_cast %swap3A_316 : vector<1x16xi32> to vector<16xi32>
            %swap3A_318 = vector.shape_cast %add3A_313 : vector<16xi32> to vector<1x16xi32>
            tpu.vector_store %arg10[%swap3A_314, %swap3A_315], %swap3A_318 {strides = array<i32>} : memref<8x80xi32, #tpu.memory_space<vmem>>, vector<1x16xi32>,
            %get3A_319 = arith.index_cast %add3A_287 : i32 to index
            %get3A_320 = arith.constant 48 : index
            %get3A_321 = tpu.vector_load %arg10[%get3A_319, %get3A_320] {strides = array<i32>} : memref<8x80xi32, #tpu.memory_space<vmem>>, vector<1x16xi32>,
            %get3A_322 = vector.shape_cast %get3A_321 : vector<1x16xi32> to vector<16xi32>
            %add3A_323 = vector.broadcast %mul3A_0 : i32 to vector<16xi32>
            %add3A_324 = arith.addi %get3A_322, %add3A_323 : vector<16xi32>
            %swap3A_325 = arith.index_cast %add3A_287 : i32 to index
            %swap3A_326 = arith.constant 48 : index
            %swap3A_327 = tpu.vector_load %arg10[%swap3A_325, %swap3A_326] {strides = array<i32>} : memref<8x80xi32, #tpu.memory_space<vmem>>, vector<1x16xi32>,
            %swap3A_328 = vector.shape_cast %swap3A_327 : vector<1x16xi32> to vector<16xi32>
            %swap3A_329 = vector.shape_cast %add3A_324 : vector<16xi32> to vector<1x16xi32>
            tpu.vector_store %arg10[%swap3A_325, %swap3A_326], %swap3A_329 {strides = array<i32>} : memref<8x80xi32, #tpu.memory_space<vmem>>, vector<1x16xi32>,
            %get3A_330 = arith.index_cast %add3A_287 : i32 to index
            %get3A_331 = arith.constant 64 : index
            %get3A_332 = tpu.vector_load %arg10[%get3A_330, %get3A_331] {strides = array<i32>} : memref<8x80xi32, #tpu.memory_space<vmem>>, vector<1x16xi32>,
            %get3A_333 = vector.shape_cast %get3A_332 : vector<1x16xi32> to vector<16xi32>
            %add3A_334 = vector.broadcast %mul3A_0 : i32 to vector<16xi32>
            %add3A_335 = arith.addi %get3A_333, %add3A_334 : vector<16xi32>
            %swap3A_336 = arith.index_cast %add3A_287 : i32 to index
            %swap3A_337 = arith.constant 64 : index
            %swap3A_338 = tpu.vector_load %arg10[%swap3A_336, %swap3A_337] {strides = array<i32>} : memref<8x80xi32, #tpu.memory_space<vmem>>, vector<1x16xi32>,
            %swap3A_339 = vector.shape_cast %swap3A_338 : vector<1x16xi32> to vector<16xi32>
            %swap3A_340 = vector.shape_cast %add3A_335 : vector<16xi32> to vector<1x16xi32>
            tpu.vector_store %arg10[%swap3A_336, %swap3A_337], %swap3A_340 {strides = array<i32>} : memref<8x80xi32, #tpu.memory_space<vmem>>, vector<1x16xi32>,
          }
          %scan3A_282 = arith.constant 8 : i32
        } else {
        }
        %dma_wait3A_210 = arith.constant 0 : i32
        %dma_wait3A_211 = tpu.memref_slice %arg9[%add3A_186, %dma_wait3A_210] : memref<8x80xi32, #tpu.memory_space<vmem>> -> memref<1x80xi32, #tpu.memory_space<vmem>>
        %dma_wait3A_212 = tpu.memref_squeeze %dma_wait3A_211 : memref<1x80xi32, #tpu.memory_space<vmem>> -> memref<80xi32, #tpu.memory_space<vmem>>
        %dma_wait3A_213 = arith.constant 0 : i32
        %dma_wait3A_214 = arith.constant 0 : i32
        %dma_wait3A_215 = tpu.memref_slice %arg2[%dma_wait3A_213, %dma_wait3A_214] : memref<20000x128xf32, #tpu.memory_space<hbm>> -> memref<20000x128xf32, #tpu.memory_space<hbm>>
        tpu.wait_indirect_dma semaphore(%arg20 : memref<!tpu.dma_semaphore, #tpu.memory_space<semaphore_mem>>) src(%dma_wait3A_215 : memref<20000x128xf32, #tpu.memory_space<hbm>>) dst(%arg16 : memref<80x128xf32, #tpu.memory_space<vmem>>)
        %add3A_216 = arith.addi %mul3A_2, %add3A_189 : i32
        %dma_wait3A_217 = arith.constant 0 : i32
        %dma_wait3A_218 = tpu.memref_slice %arg5[%add3A_216, %dma_wait3A_217] : memref<2048x1280xf32, #tpu.memory_space<hbm>> -> memref<1x1280xf32, #tpu.memory_space<hbm>>
        %dma_wait3A_219 = tpu.memref_squeeze %dma_wait3A_218 : memref<1x1280xf32, #tpu.memory_space<hbm>> -> memref<1280xf32, #tpu.memory_space<hbm>>
        %dma_wait3A_220 = arith.constant 0 : i32
        %dma_wait3A_221 = tpu.memref_slice %arg5[%add3A_216, %dma_wait3A_220] : memref<2048x1280xf32, #tpu.memory_space<hbm>> -> memref<1x1280xf32, #tpu.memory_space<hbm>>
        %dma_wait3A_222 = tpu.memref_squeeze %dma_wait3A_221 : memref<1x1280xf32, #tpu.memory_space<hbm>> -> memref<1280xf32, #tpu.memory_space<hbm>>
        tpu.wait_dma2 semaphore(%arg26 : memref<!tpu.dma_semaphore, #tpu.memory_space<semaphore_mem>>) src(%dma_wait3A_222 : memref<1280xf32, #tpu.memory_space<hbm>>) dst(%arg14 : memref<1280xf32, #tpu.memory_space<vmem>>)
        %ge3A_223 = arith.constant 2 : i32
        %ge3A_224 = arith.cmpi sge, %add3A_186, %ge3A_223 : i32
        %convert_element_type3A_225 = arith.extui %ge3A_224 : i1 to i32
        %cond3A_226 = arith.constant 0 : i32
        %cond3A_227 = arith.cmpi ne, %convert_element_type3A_225, %cond3A_226 : i32
        scf.if %cond3A_227 {
          %sub3A = arith.constant 2 : i32
          %sub3A_265 = arith.subi %add3A_186, %sub3A : i32
          %dma_wait3A_266 = arith.constant 0 : i32
          %dma_wait3A_267 = tpu.memref_slice %arg11[%sub3A_265, %dma_wait3A_266] : memref<8x80xi32, #tpu.memory_space<vmem>> -> memref<1x80xi32, #tpu.memory_space<vmem>>
          %dma_wait3A_268 = tpu.memref_squeeze %dma_wait3A_267 : memref<1x80xi32, #tpu.memory_space<vmem>> -> memref<80xi32, #tpu.memory_space<vmem>>
          %dma_wait3A_269 = arith.constant 0 : i32
          %dma_wait3A_270 = arith.constant 0 : i32
          %dma_wait3A_271 = tpu.memref_slice %arg8[%dma_wait3A_269, %dma_wait3A_270] : memref<10112x128xf32, #tpu.memory_space<vmem_shared>> -> memref<10112x128xf32, #tpu.memory_space<vmem_shared>>
          tpu.wait_indirect_dma semaphore(%arg22 : memref<!tpu.dma_semaphore, #tpu.memory_space<semaphore_mem>>) src(%arg18 : memref<80x128xf32, #tpu.memory_space<vmem>>) dst(%dma_wait3A_271 : memref<10112x128xf32, #tpu.memory_space<vmem_shared>>)
        } else {
        }
        %ge3A_228 = arith.constant 2 : i32
        %ge3A_229 = arith.cmpi sge, %add3A_189, %ge3A_228 : i32
        %lt3A_230 = arith.constant 2 : i32
        %lt3A_231 = arith.cmpi slt, %add3A_186, %lt3A_230 : i32
        %and3A_232 = arith.andi %ge3A_229, %lt3A_231 : i1
        %convert_element_type3A_233 = arith.extui %and3A_232 : i1 to i32
        %cond3A_234 = arith.constant 0 : i32
        %cond3A_235 = arith.cmpi ne, %convert_element_type3A_233, %cond3A_234 : i32
        scf.if %cond3A_235 {
          %add3A_265 = arith.constant 8 : i32
          %add3A_266 = arith.addi %add3A_265, %add3A_186 : i32
          %sub3A = arith.constant 2 : i32
          %sub3A_267 = arith.subi %add3A_266, %sub3A : i32
          %dma_wait3A_268 = arith.constant 0 : i32
          %dma_wait3A_269 = tpu.memref_slice %arg12[%sub3A_267, %dma_wait3A_268] : memref<8x80xi32, #tpu.memory_space<vmem>> -> memref<1x80xi32, #tpu.memory_space<vmem>>
          %dma_wait3A_270 = tpu.memref_squeeze %dma_wait3A_269 : memref<1x80xi32, #tpu.memory_space<vmem>> -> memref<80xi32, #tpu.memory_space<vmem>>
          %dma_wait3A_271 = arith.constant 0 : i32
          %dma_wait3A_272 = arith.constant 0 : i32
          %dma_wait3A_273 = tpu.memref_slice %arg8[%dma_wait3A_271, %dma_wait3A_272] : memref<10112x128xf32, #tpu.memory_space<vmem_shared>> -> memref<10112x128xf32, #tpu.memory_space<vmem_shared>>
          tpu.wait_indirect_dma semaphore(%arg22 : memref<!tpu.dma_semaphore, #tpu.memory_space<semaphore_mem>>) src(%arg18 : memref<80x128xf32, #tpu.memory_space<vmem>>) dst(%dma_wait3A_273 : memref<10112x128xf32, #tpu.memory_space<vmem_shared>>)
        } else {
        }
        %parallel_loop3A_236 = arith.constant 0 : i32
        %parallel_loop3A_237 = arith.constant 80 : i32
        %parallel_loop3A_238 = arith.constant 1 : i32
        scf.for %parallel_loop3A_265 = %parallel_loop3A_236 to %parallel_loop3A_237 step %parallel_loop3A_238  : i32 {
          %parallel_loop3A_266 = arith.constant 16 : i32
          %parallel_loop3A_267 = arith.muli %parallel_loop3A_265, %parallel_loop3A_266 : i32
          %parallel_loop3A_268 = arith.index_cast %parallel_loop3A_267 : i32 to index
          %parallel_loop3A_269 = tpu.vector_load %arg14[%parallel_loop3A_268] {strides = array<i32>} : memref<1280xf32, #tpu.memory_space<vmem>>, vector<16xf32>,
          %parallel_loop3A_270 = vector.shape_cast %parallel_loop3A_269 : vector<16xf32> to vector<16xf32>
          %parallel_loop3A_271 = arith.index_cast %parallel_loop3A_265 : i32 to index
          %parallel_loop3A_272 = arith.constant 0 : index
          %parallel_loop3A_273 = tpu.vector_load %arg16[%parallel_loop3A_271, %parallel_loop3A_272] {strides = array<i32>} : memref<80x128xf32, #tpu.memory_space<vmem>>, vector<1x16xf32>,
          %parallel_loop3A_274 = vector.shape_cast %parallel_loop3A_273 : vector<1x16xf32> to vector<16xf32>
          %parallel_loop3A_275 = arith.mulf %parallel_loop3A_274, %parallel_loop3A_270 : vector<16xf32>
          %parallel_loop3A_276 = arith.index_cast %parallel_loop3A_265 : i32 to index
          %parallel_loop3A_277 = arith.constant 0 : index
          %parallel_loop3A_278 = tpu.vector_load %arg18[%parallel_loop3A_276, %parallel_loop3A_277] {strides = array<i32>} : memref<80x128xf32, #tpu.memory_space<vmem>>, vector<1x16xf32>,
          %parallel_loop3A_279 = vector.shape_cast %parallel_loop3A_278 : vector<1x16xf32> to vector<16xf32>
          %parallel_loop3A_280 = vector.shape_cast %parallel_loop3A_275 : vector<16xf32> to vector<1x16xf32>
          tpu.vector_store %arg18[%parallel_loop3A_276, %parallel_loop3A_277], %parallel_loop3A_280 {strides = array<i32>} : memref<80x128xf32, #tpu.memory_space<vmem>>, vector<1x16xf32>,
          %parallel_loop3A_281 = arith.index_cast %parallel_loop3A_265 : i32 to index
          %parallel_loop3A_282 = arith.constant 16 : index
          %parallel_loop3A_283 = tpu.vector_load %arg16[%parallel_loop3A_281, %parallel_loop3A_282] {strides = array<i32>} : memref<80x128xf32, #tpu.memory_space<vmem>>, vector<1x16xf32>,
          %parallel_loop3A_284 = vector.shape_cast %parallel_loop3A_283 : vector<1x16xf32> to vector<16xf32>
          %parallel_loop3A_285 = arith.mulf %parallel_loop3A_284, %parallel_loop3A_270 : vector<16xf32>
          %parallel_loop3A_286 = arith.index_cast %parallel_loop3A_265 : i32 to index
          %parallel_loop3A_287 = arith.constant 16 : index
          %parallel_loop3A_288 = tpu.vector_load %arg18[%parallel_loop3A_286, %parallel_loop3A_287] {strides = array<i32>} : memref<80x128xf32, #tpu.memory_space<vmem>>, vector<1x16xf32>,
          %parallel_loop3A_289 = vector.shape_cast %parallel_loop3A_288 : vector<1x16xf32> to vector<16xf32>
          %parallel_loop3A_290 = vector.shape_cast %parallel_loop3A_285 : vector<16xf32> to vector<1x16xf32>
          tpu.vector_store %arg18[%parallel_loop3A_286, %parallel_loop3A_287], %parallel_loop3A_290 {strides = array<i32>} : memref<80x128xf32, #tpu.memory_space<vmem>>, vector<1x16xf32>,
          %parallel_loop3A_291 = arith.index_cast %parallel_loop3A_265 : i32 to index
          %parallel_loop3A_292 = arith.constant 32 : index
          %parallel_loop3A_293 = tpu.vector_load %arg16[%parallel_loop3A_291, %parallel_loop3A_292] {strides = array<i32>} : memref<80x128xf32, #tpu.memory_space<vmem>>, vector<1x16xf32>,
          %parallel_loop3A_294 = vector.shape_cast %parallel_loop3A_293 : vector<1x16xf32> to vector<16xf32>
          %parallel_loop3A_295 = arith.mulf %parallel_loop3A_294, %parallel_loop3A_270 : vector<16xf32>
          %parallel_loop3A_296 = arith.index_cast %parallel_loop3A_265 : i32 to index
          %parallel_loop3A_297 = arith.constant 32 : index
          %parallel_loop3A_298 = tpu.vector_load %arg18[%parallel_loop3A_296, %parallel_loop3A_297] {strides = array<i32>} : memref<80x128xf32, #tpu.memory_space<vmem>>, vector<1x16xf32>,
          %parallel_loop3A_299 = vector.shape_cast %parallel_loop3A_298 : vector<1x16xf32> to vector<16xf32>
          %parallel_loop3A_300 = vector.shape_cast %parallel_loop3A_295 : vector<16xf32> to vector<1x16xf32>
          tpu.vector_store %arg18[%parallel_loop3A_296, %parallel_loop3A_297], %parallel_loop3A_300 {strides = array<i32>} : memref<80x128xf32, #tpu.memory_space<vmem>>, vector<1x16xf32>,
          %parallel_loop3A_301 = arith.index_cast %parallel_loop3A_265 : i32 to index
          %parallel_loop3A_302 = arith.constant 48 : index
          %parallel_loop3A_303 = tpu.vector_load %arg16[%parallel_loop3A_301, %parallel_loop3A_302] {strides = array<i32>} : memref<80x128xf32, #tpu.memory_space<vmem>>, vector<1x16xf32>,
          %parallel_loop3A_304 = vector.shape_cast %parallel_loop3A_303 : vector<1x16xf32> to vector<16xf32>
          %parallel_loop3A_305 = arith.mulf %parallel_loop3A_304, %parallel_loop3A_270 : vector<16xf32>
          %parallel_loop3A_306 = arith.index_cast %parallel_loop3A_265 : i32 to index
          %parallel_loop3A_307 = arith.constant 48 : index
          %parallel_loop3A_308 = tpu.vector_load %arg18[%parallel_loop3A_306, %parallel_loop3A_307] {strides = array<i32>} : memref<80x128xf32, #tpu.memory_space<vmem>>, vector<1x16xf32>,
          %parallel_loop3A_309 = vector.shape_cast %parallel_loop3A_308 : vector<1x16xf32> to vector<16xf32>
          %parallel_loop3A_310 = vector.shape_cast %parallel_loop3A_305 : vector<16xf32> to vector<1x16xf32>
          tpu.vector_store %arg18[%parallel_loop3A_306, %parallel_loop3A_307], %parallel_loop3A_310 {strides = array<i32>} : memref<80x128xf32, #tpu.memory_space<vmem>>, vector<1x16xf32>,
          %parallel_loop3A_311 = arith.index_cast %parallel_loop3A_265 : i32 to index
          %parallel_loop3A_312 = arith.constant 64 : index
          %parallel_loop3A_313 = tpu.vector_load %arg16[%parallel_loop3A_311, %parallel_loop3A_312] {strides = array<i32>} : memref<80x128xf32, #tpu.memory_space<vmem>>, vector<1x16xf32>,
          %parallel_loop3A_314 = vector.shape_cast %parallel_loop3A_313 : vector<1x16xf32> to vector<16xf32>
          %parallel_loop3A_315 = arith.mulf %parallel_loop3A_314, %parallel_loop3A_270 : vector<16xf32>
          %parallel_loop3A_316 = arith.index_cast %parallel_loop3A_265 : i32 to index
          %parallel_loop3A_317 = arith.constant 64 : index
          %parallel_loop3A_318 = tpu.vector_load %arg18[%parallel_loop3A_316, %parallel_loop3A_317] {strides = array<i32>} : memref<80x128xf32, #tpu.memory_space<vmem>>, vector<1x16xf32>,
          %parallel_loop3A_319 = vector.shape_cast %parallel_loop3A_318 : vector<1x16xf32> to vector<16xf32>
          %parallel_loop3A_320 = vector.shape_cast %parallel_loop3A_315 : vector<16xf32> to vector<1x16xf32>
          tpu.vector_store %arg18[%parallel_loop3A_316, %parallel_loop3A_317], %parallel_loop3A_320 {strides = array<i32>} : memref<80x128xf32, #tpu.memory_space<vmem>>, vector<1x16xf32>,
          %parallel_loop3A_321 = arith.index_cast %parallel_loop3A_265 : i32 to index
          %parallel_loop3A_322 = arith.constant 80 : index
          %parallel_loop3A_323 = tpu.vector_load %arg16[%parallel_loop3A_321, %parallel_loop3A_322] {strides = array<i32>} : memref<80x128xf32, #tpu.memory_space<vmem>>, vector<1x16xf32>,
          %parallel_loop3A_324 = vector.shape_cast %parallel_loop3A_323 : vector<1x16xf32> to vector<16xf32>
          %parallel_loop3A_325 = arith.mulf %parallel_loop3A_324, %parallel_loop3A_270 : vector<16xf32>
          %parallel_loop3A_326 = arith.index_cast %parallel_loop3A_265 : i32 to index
          %parallel_loop3A_327 = arith.constant 80 : index
          %parallel_loop3A_328 = tpu.vector_load %arg18[%parallel_loop3A_326, %parallel_loop3A_327] {strides = array<i32>} : memref<80x128xf32, #tpu.memory_space<vmem>>, vector<1x16xf32>,
          %parallel_loop3A_329 = vector.shape_cast %parallel_loop3A_328 : vector<1x16xf32> to vector<16xf32>
          %parallel_loop3A_330 = vector.shape_cast %parallel_loop3A_325 : vector<16xf32> to vector<1x16xf32>
          tpu.vector_store %arg18[%parallel_loop3A_326, %parallel_loop3A_327], %parallel_loop3A_330 {strides = array<i32>} : memref<80x128xf32, #tpu.memory_space<vmem>>, vector<1x16xf32>,
          %parallel_loop3A_331 = arith.index_cast %parallel_loop3A_265 : i32 to index
          %parallel_loop3A_332 = arith.constant 96 : index
          %parallel_loop3A_333 = tpu.vector_load %arg16[%parallel_loop3A_331, %parallel_loop3A_332] {strides = array<i32>} : memref<80x128xf32, #tpu.memory_space<vmem>>, vector<1x16xf32>,
          %parallel_loop3A_334 = vector.shape_cast %parallel_loop3A_333 : vector<1x16xf32> to vector<16xf32>
          %parallel_loop3A_335 = arith.mulf %parallel_loop3A_334, %parallel_loop3A_270 : vector<16xf32>
          %parallel_loop3A_336 = arith.index_cast %parallel_loop3A_265 : i32 to index
          %parallel_loop3A_337 = arith.constant 96 : index
          %parallel_loop3A_338 = tpu.vector_load %arg18[%parallel_loop3A_336, %parallel_loop3A_337] {strides = array<i32>} : memref<80x128xf32, #tpu.memory_space<vmem>>, vector<1x16xf32>,
          %parallel_loop3A_339 = vector.shape_cast %parallel_loop3A_338 : vector<1x16xf32> to vector<16xf32>
          %parallel_loop3A_340 = vector.shape_cast %parallel_loop3A_335 : vector<16xf32> to vector<1x16xf32>
          tpu.vector_store %arg18[%parallel_loop3A_336, %parallel_loop3A_337], %parallel_loop3A_340 {strides = array<i32>} : memref<80x128xf32, #tpu.memory_space<vmem>>, vector<1x16xf32>,
          %parallel_loop3A_341 = arith.index_cast %parallel_loop3A_265 : i32 to index
          %parallel_loop3A_342 = arith.constant 112 : index
          %parallel_loop3A_343 = tpu.vector_load %arg16[%parallel_loop3A_341, %parallel_loop3A_342] {strides = array<i32>} : memref<80x128xf32, #tpu.memory_space<vmem>>, vector<1x16xf32>,
          %parallel_loop3A_344 = vector.shape_cast %parallel_loop3A_343 : vector<1x16xf32> to vector<16xf32>
          %parallel_loop3A_345 = arith.mulf %parallel_loop3A_344, %parallel_loop3A_270 : vector<16xf32>
          %parallel_loop3A_346 = arith.index_cast %parallel_loop3A_265 : i32 to index
          %parallel_loop3A_347 = arith.constant 112 : index
          %parallel_loop3A_348 = tpu.vector_load %arg18[%parallel_loop3A_346, %parallel_loop3A_347] {strides = array<i32>} : memref<80x128xf32, #tpu.memory_space<vmem>>, vector<1x16xf32>,
          %parallel_loop3A_349 = vector.shape_cast %parallel_loop3A_348 : vector<1x16xf32> to vector<16xf32>
          %parallel_loop3A_350 = vector.shape_cast %parallel_loop3A_345 : vector<16xf32> to vector<1x16xf32>
          tpu.vector_store %arg18[%parallel_loop3A_346, %parallel_loop3A_347], %parallel_loop3A_350 {strides = array<i32>} : memref<80x128xf32, #tpu.memory_space<vmem>>, vector<1x16xf32>,
        } {sc.loop_unroll_factor = 2 : i64, sc.parallel_access}
        %dma_start3A_239 = arith.constant 0 : i32
        %dma_start3A_240 = tpu.memref_slice %arg11[%add3A_186, %dma_start3A_239] : memref<8x80xi32, #tpu.memory_space<vmem>> -> memref<1x80xi32, #tpu.memory_space<vmem>>
        %dma_start3A_241 = tpu.memref_squeeze %dma_start3A_240 : memref<1x80xi32, #tpu.memory_space<vmem>> -> memref<80xi32, #tpu.memory_space<vmem>>
        %dma_start3A_242 = arith.constant 0 : i32
        %dma_start3A_243 = arith.constant 0 : i32
        %dma_start3A_244 = tpu.memref_slice %arg8[%dma_start3A_242, %dma_start3A_243] : memref<10112x128xf32, #tpu.memory_space<vmem_shared>> -> memref<10112x128xf32, #tpu.memory_space<vmem_shared>>
        tpu.enqueue_indirect_dma source(%arg18 : memref<80x128xf32, #tpu.memory_space<vmem>>) target(%dma_start3A_244 : memref<10112x128xf32, #tpu.memory_space<vmem_shared>>) offsets(%dma_start3A_241 : memref<80xi32, #tpu.memory_space<vmem>>) semaphore(%arg22 : memref<!tpu.dma_semaphore, #tpu.memory_space<semaphore_mem>>) {add = true}
        %add3A_245 = arith.constant 2 : i32
        %add3A_246 = arith.addi %add3A_189, %add3A_245 : i32
        %lt3A_247 = arith.constant 128 : i32
        %lt3A_248 = arith.cmpi slt, %add3A_246, %lt3A_247 : i32
        %lt3A_249 = arith.constant 6 : i32
        %lt3A_250 = arith.cmpi slt, %add3A_186, %lt3A_249 : i32
        %and3A_251 = arith.andi %lt3A_248, %lt3A_250 : i1
        %convert_element_type3A_252 = arith.extui %and3A_251 : i1 to i32
        %cond3A_253 = arith.constant 0 : i32
        %cond3A_254 = arith.cmpi ne, %convert_element_type3A_252, %cond3A_253 : i32
        scf.if %cond3A_254 {
          %add3A_265 = arith.constant 2 : i32
          %add3A_266 = arith.addi %add3A_186, %add3A_265 : i32
          %add3A_267 = arith.constant 2 : i32
          %add3A_268 = arith.addi %add3A_189, %add3A_267 : i32
          %dma_start3A_269 = arith.constant 0 : i32
          %dma_start3A_270 = tpu.memref_slice %arg9[%add3A_266, %dma_start3A_269] : memref<8x80xi32, #tpu.memory_space<vmem>> -> memref<1x80xi32, #tpu.memory_space<vmem>>
          %dma_start3A_271 = tpu.memref_squeeze %dma_start3A_270 : memref<1x80xi32, #tpu.memory_space<vmem>> -> memref<80xi32, #tpu.memory_space<vmem>>
          %dma_start3A_272 = arith.constant 0 : i32
          %dma_start3A_273 = arith.constant 0 : i32
          %dma_start3A_274 = tpu.memref_slice %arg2[%dma_start3A_272, %dma_start3A_273] : memref<20000x128xf32, #tpu.memory_space<hbm>> -> memref<20000x128xf32, #tpu.memory_space<hbm>>
          tpu.enqueue_indirect_dma source(%dma_start3A_274 : memref<20000x128xf32, #tpu.memory_space<hbm>>) target(%arg16 : memref<80x128xf32, #tpu.memory_space<vmem>>) offsets(%dma_start3A_271 : memref<80xi32, #tpu.memory_space<vmem>>) semaphore(%arg20 : memref<!tpu.dma_semaphore, #tpu.memory_space<semaphore_mem>>)
          %add3A_275 = arith.addi %mul3A_2, %add3A_268 : i32
          %dma_start3A_276 = arith.constant 0 : i32
          %dma_start3A_277 = tpu.memref_slice %arg5[%add3A_275, %dma_start3A_276] : memref<2048x1280xf32, #tpu.memory_space<hbm>> -> memref<1x1280xf32, #tpu.memory_space<hbm>>
          %dma_start3A_278 = tpu.memref_squeeze %dma_start3A_277 : memref<1x1280xf32, #tpu.memory_space<hbm>> -> memref<1280xf32, #tpu.memory_space<hbm>>
          %dma_start3A_279 = arith.constant 0 : i32
          %dma_start3A_280 = tpu.memref_slice %arg5[%add3A_275, %dma_start3A_279] : memref<2048x1280xf32, #tpu.memory_space<hbm>> -> memref<1x1280xf32, #tpu.memory_space<hbm>>
          %dma_start3A_281 = tpu.memref_squeeze %dma_start3A_280 : memref<1x1280xf32, #tpu.memory_space<hbm>> -> memref<1280xf32, #tpu.memory_space<hbm>>
          tpu.enqueue_dma source(%dma_start3A_281 : memref<1280xf32, #tpu.memory_space<hbm>>) target(%arg14 : memref<1280xf32, #tpu.memory_space<vmem>>) target_semaphore(%arg26 : memref<!tpu.dma_semaphore, #tpu.memory_space<semaphore_mem>>)
        } else {
        }
        %add3A_255 = arith.constant 2 : i32
        %add3A_256 = arith.addi %add3A_189, %add3A_255 : i32
        %lt3A_257 = arith.constant 128 : i32
        %lt3A_258 = arith.cmpi slt, %add3A_256, %lt3A_257 : i32
        %ge3A_259 = arith.constant 6 : i32
        %ge3A_260 = arith.cmpi sge, %add3A_186, %ge3A_259 : i32
        %and3A_261 = arith.andi %lt3A_258, %ge3A_260 : i1
        %convert_element_type3A_262 = arith.extui %and3A_261 : i1 to i32
        %cond3A_263 = arith.constant 0 : i32
        %cond3A_264 = arith.cmpi ne, %convert_element_type3A_262, %cond3A_263 : i32
        scf.if %cond3A_264 {
          %sub3A = arith.constant 6 : i32
          %sub3A_265 = arith.subi %add3A_186, %sub3A : i32
          %add3A_266 = arith.constant 2 : i32
          %add3A_267 = arith.addi %add3A_189, %add3A_266 : i32
          %dma_start3A_268 = arith.constant 0 : i32
          %dma_start3A_269 = tpu.memref_slice %arg10[%sub3A_265, %dma_start3A_268] : memref<8x80xi32, #tpu.memory_space<vmem>> -> memref<1x80xi32, #tpu.memory_space<vmem>>
          %dma_start3A_270 = tpu.memref_squeeze %dma_start3A_269 : memref<1x80xi32, #tpu.memory_space<vmem>> -> memref<80xi32, #tpu.memory_space<vmem>>
          %dma_start3A_271 = arith.constant 0 : i32
          %dma_start3A_272 = arith.constant 0 : i32
          %dma_start3A_273 = tpu.memref_slice %arg2[%dma_start3A_271, %dma_start3A_272] : memref<20000x128xf32, #tpu.memory_space<hbm>> -> memref<20000x128xf32, #tpu.memory_space<hbm>>
          tpu.enqueue_indirect_dma source(%dma_start3A_273 : memref<20000x128xf32, #tpu.memory_space<hbm>>) target(%arg16 : memref<80x128xf32, #tpu.memory_space<vmem>>) offsets(%dma_start3A_270 : memref<80xi32, #tpu.memory_space<vmem>>) semaphore(%arg20 : memref<!tpu.dma_semaphore, #tpu.memory_space<semaphore_mem>>)
          %add3A_274 = arith.addi %mul3A_2, %add3A_267 : i32
          %dma_start3A_275 = arith.constant 0 : i32
          %dma_start3A_276 = tpu.memref_slice %arg5[%add3A_274, %dma_start3A_275] : memref<2048x1280xf32, #tpu.memory_space<hbm>> -> memref<1x1280xf32, #tpu.memory_space<hbm>>
          %dma_start3A_277 = tpu.memref_squeeze %dma_start3A_276 : memref<1x1280xf32, #tpu.memory_space<hbm>> -> memref<1280xf32, #tpu.memory_space<hbm>>
          %dma_start3A_278 = arith.constant 0 : i32
          %dma_start3A_279 = tpu.memref_slice %arg5[%add3A_274, %dma_start3A_278] : memref<2048x1280xf32, #tpu.memory_space<hbm>> -> memref<1x1280xf32, #tpu.memory_space<hbm>>
          %dma_start3A_280 = tpu.memref_squeeze %dma_start3A_279 : memref<1x1280xf32, #tpu.memory_space<hbm>> -> memref<1280xf32, #tpu.memory_space<hbm>>
          tpu.enqueue_dma source(%dma_start3A_280 : memref<1280xf32, #tpu.memory_space<hbm>>) target(%arg14 : memref<1280xf32, #tpu.memory_space<vmem>>) target_semaphore(%arg26 : memref<!tpu.dma_semaphore, #tpu.memory_space<semaphore_mem>>)
        } else {
        }
      }
      %scan3A_93 = arith.constant 4 : i32
      %mul3A_94 = arith.constant 2 : i32
      %mul3A_95 = arith.muli %add3A_84, %mul3A_94 : i32
      %add3A_96 = arith.constant 1 : i32
      %add3A_97 = arith.addi %mul3A_95, %add3A_96 : i32
      %scan3A_98 = arith.constant 0 : i32
      %scan3A_99 = arith.constant 4 : i32
      %scan3A_100 = arith.addi %scan3A_98, %scan3A_99 : i32
      %scan3A_101 = arith.constant 1 : i32
      scf.for %scan3A_103 = %scan3A_98 to %scan3A_100 step %scan3A_101  : i32 {
        %mul3A_104 = arith.constant 1 : i32
        %mul3A_105 = arith.muli %scan3A_103, %mul3A_104 : i32
        %add3A_106 = arith.constant 0 : i32
        %add3A_107 = arith.addi %add3A_106, %mul3A_105 : i32
        %mul3A_108 = arith.constant 2 : i32
        %mul3A_109 = arith.muli %add3A_107, %mul3A_108 : i32
        %add3A_110 = arith.constant 0 : i32
        %add3A_111 = arith.addi %mul3A_109, %add3A_110 : i32
        %mul3A_112 = arith.constant 8 : i32
        %mul3A_113 = arith.muli %add3A_97, %mul3A_112 : i32
        %add3A_114 = arith.addi %mul3A_113, %add3A_111 : i32
        %add3A_115 = arith.constant 1 : i32
        %add3A_116 = arith.addi %add3A_97, %add3A_115 : i32
        %lt3A = arith.constant 16 : i32
        %lt3A_117 = arith.cmpi slt, %add3A_116, %lt3A : i32
        %eq3A = arith.constant 2 : i32
        %eq3A_118 = arith.cmpi eq, %add3A_111, %eq3A : i32
        %and3A = arith.andi %lt3A_117, %eq3A_118 : i1
        %convert_element_type3A = arith.extui %and3A : i1 to i32
        %cond3A = arith.constant 0 : i32
        %cond3A_119 = arith.cmpi ne, %convert_element_type3A, %cond3A : i32
        scf.if %cond3A_119 {
          %add3A_265 = arith.constant 1 : i32
          %add3A_266 = arith.addi %add3A_97, %add3A_265 : i32
          %mul3A_267 = arith.constant 8 : i32
          %mul3A_268 = arith.muli %add3A_266, %mul3A_267 : i32
          %add3A_269 = arith.addi %mul3A_2, %mul3A_268 : i32
          %dma_start3A_270 = arith.constant 0 : i32
          %dma_start3A_271 = tpu.memref_slice %arg4[%add3A_269, %dma_start3A_270] : memref<2048x80xi32, #tpu.memory_space<hbm>> -> memref<8x80xi32, #tpu.memory_space<hbm>>
          %dma_start3A_272 = arith.constant 0 : i32
          %dma_start3A_273 = tpu.memref_slice %arg4[%add3A_269, %dma_start3A_272] : memref<2048x80xi32, #tpu.memory_space<hbm>> -> memref<8x80xi32, #tpu.memory_space<hbm>>
          tpu.enqueue_dma source(%dma_start3A_273 : memref<8x80xi32, #tpu.memory_space<hbm>>) target(%arg9 : memref<8x80xi32, #tpu.memory_space<vmem>>) target_semaphore(%arg23 : memref<!tpu.dma_semaphore, #tpu.memory_space<semaphore_mem>>)
          %dma_start3A_274 = arith.constant 0 : i32
          %dma_start3A_275 = tpu.memref_slice %arg3[%add3A_269, %dma_start3A_274] : memref<2048x80xi32, #tpu.memory_space<hbm>> -> memref<8x80xi32, #tpu.memory_space<hbm>>
          %dma_start3A_276 = arith.constant 0 : i32
          %dma_start3A_277 = tpu.memref_slice %arg3[%add3A_269, %dma_start3A_276] : memref<2048x80xi32, #tpu.memory_space<hbm>> -> memref<8x80xi32, #tpu.memory_space<hbm>>
          tpu.enqueue_dma source(%dma_start3A_277 : memref<8x80xi32, #tpu.memory_space<hbm>>) target(%arg11 : memref<8x80xi32, #tpu.memory_space<vmem>>) target_semaphore(%arg23 : memref<!tpu.dma_semaphore, #tpu.memory_space<semaphore_mem>>)
        } else {
        }
        %add3A_120 = arith.constant 1 : i32
        %add3A_121 = arith.addi %add3A_97, %add3A_120 : i32
        %lt3A_122 = arith.constant 16 : i32
        %lt3A_123 = arith.cmpi slt, %add3A_121, %lt3A_122 : i32
        %eq3A_124 = arith.constant 5 : i32
        %eq3A_125 = arith.cmpi eq, %add3A_111, %eq3A_124 : i32
        %and3A_126 = arith.andi %lt3A_123, %eq3A_125 : i1
        %convert_element_type3A_127 = arith.extui %and3A_126 : i1 to i32
        %cond3A_128 = arith.constant 0 : i32
        %cond3A_129 = arith.cmpi ne, %convert_element_type3A_127, %cond3A_128 : i32
        scf.if %cond3A_129 {
          %add3A_265 = arith.constant 1 : i32
          %add3A_266 = arith.addi %add3A_97, %add3A_265 : i32
          %mul3A_267 = arith.constant 8 : i32
          %mul3A_268 = arith.muli %add3A_266, %mul3A_267 : i32
          %add3A_269 = arith.addi %mul3A_2, %mul3A_268 : i32
          %dma_wait3A_270 = arith.constant 0 : i32
          %dma_wait3A_271 = tpu.memref_slice %arg4[%add3A_269, %dma_wait3A_270] : memref<2048x80xi32, #tpu.memory_space<hbm>> -> memref<8x80xi32, #tpu.memory_space<hbm>>
          %dma_wait3A_272 = arith.constant 0 : i32
          %dma_wait3A_273 = tpu.memref_slice %arg4[%add3A_269, %dma_wait3A_272] : memref<2048x80xi32, #tpu.memory_space<hbm>> -> memref<8x80xi32, #tpu.memory_space<hbm>>
          tpu.wait_dma2 semaphore(%arg23 : memref<!tpu.dma_semaphore, #tpu.memory_space<semaphore_mem>>) src(%dma_wait3A_273 : memref<8x80xi32, #tpu.memory_space<hbm>>) dst(%arg9 : memref<8x80xi32, #tpu.memory_space<vmem>>)
          %dma_wait3A_274 = arith.constant 0 : i32
          %dma_wait3A_275 = tpu.memref_slice %arg3[%add3A_269, %dma_wait3A_274] : memref<2048x80xi32, #tpu.memory_space<hbm>> -> memref<8x80xi32, #tpu.memory_space<hbm>>
          %dma_wait3A_276 = arith.constant 0 : i32
          %dma_wait3A_277 = tpu.memref_slice %arg3[%add3A_269, %dma_wait3A_276] : memref<2048x80xi32, #tpu.memory_space<hbm>> -> memref<8x80xi32, #tpu.memory_space<hbm>>
          tpu.wait_dma2 semaphore(%arg23 : memref<!tpu.dma_semaphore, #tpu.memory_space<semaphore_mem>>) src(%dma_wait3A_277 : memref<8x80xi32, #tpu.memory_space<hbm>>) dst(%arg11 : memref<8x80xi32, #tpu.memory_space<vmem>>)
          %scan3A_278 = arith.constant 0 : i32
          %scan3A_279 = arith.constant 8 : i32
          %scan3A_280 = arith.addi %scan3A_278, %scan3A_279 : i32
          %scan3A_281 = arith.constant 1 : i32
          scf.for %scan3A_283 = %scan3A_278 to %scan3A_280 step %scan3A_281  : i32 {
            %mul3A_284 = arith.constant 1 : i32
            %mul3A_285 = arith.muli %scan3A_283, %mul3A_284 : i32
            %add3A_286 = arith.constant 0 : i32
            %add3A_287 = arith.addi %add3A_286, %mul3A_285 : i32
            %get3A = arith.index_cast %add3A_287 : i32 to index
            %get3A_288 = arith.constant 0 : index
            %get3A_289 = tpu.vector_load %arg9[%get3A, %get3A_288] {strides = array<i32>} : memref<8x80xi32, #tpu.memory_space<vmem>>, vector<1x16xi32>,
            %get3A_290 = vector.shape_cast %get3A_289 : vector<1x16xi32> to vector<16xi32>
            %add3A_291 = vector.broadcast %mul3A_0 : i32 to vector<16xi32>
            %add3A_292 = arith.addi %get3A_290, %add3A_291 : vector<16xi32>
            %swap3A = arith.index_cast %add3A_287 : i32 to index
            %swap3A_293 = arith.constant 0 : index
            %swap3A_294 = tpu.vector_load %arg9[%swap3A, %swap3A_293] {strides = array<i32>} : memref<8x80xi32, #tpu.memory_space<vmem>>, vector<1x16xi32>,
            %swap3A_295 = vector.shape_cast %swap3A_294 : vector<1x16xi32> to vector<16xi32>
            %swap3A_296 = vector.shape_cast %add3A_292 : vector<16xi32> to vector<1x16xi32>
            tpu.vector_store %arg9[%swap3A, %swap3A_293], %swap3A_296 {strides = array<i32>} : memref<8x80xi32, #tpu.memory_space<vmem>>, vector<1x16xi32>,
            %get3A_297 = arith.index_cast %add3A_287 : i32 to index
            %get3A_298 = arith.constant 16 : index
            %get3A_299 = tpu.vector_load %arg9[%get3A_297, %get3A_298] {strides = array<i32>} : memref<8x80xi32, #tpu.memory_space<vmem>>, vector<1x16xi32>,
            %get3A_300 = vector.shape_cast %get3A_299 : vector<1x16xi32> to vector<16xi32>
            %add3A_301 = vector.broadcast %mul3A_0 : i32 to vector<16xi32>
            %add3A_302 = arith.addi %get3A_300, %add3A_301 : vector<16xi32>
            %swap3A_303 = arith.index_cast %add3A_287 : i32 to index
            %swap3A_304 = arith.constant 16 : index
            %swap3A_305 = tpu.vector_load %arg9[%swap3A_303, %swap3A_304] {strides = array<i32>} : memref<8x80xi32, #tpu.memory_space<vmem>>, vector<1x16xi32>,
            %swap3A_306 = vector.shape_cast %swap3A_305 : vector<1x16xi32> to vector<16xi32>
            %swap3A_307 = vector.shape_cast %add3A_302 : vector<16xi32> to vector<1x16xi32>
            tpu.vector_store %arg9[%swap3A_303, %swap3A_304], %swap3A_307 {strides = array<i32>} : memref<8x80xi32, #tpu.memory_space<vmem>>, vector<1x16xi32>,
            %get3A_308 = arith.index_cast %add3A_287 : i32 to index
            %get3A_309 = arith.constant 32 : index
            %get3A_310 = tpu.vector_load %arg9[%get3A_308, %get3A_309] {strides = array<i32>} : memref<8x80xi32, #tpu.memory_space<vmem>>, vector<1x16xi32>,
            %get3A_311 = vector.shape_cast %get3A_310 : vector<1x16xi32> to vector<16xi32>
            %add3A_312 = vector.broadcast %mul3A_0 : i32 to vector<16xi32>
            %add3A_313 = arith.addi %get3A_311, %add3A_312 : vector<16xi32>
            %swap3A_314 = arith.index_cast %add3A_287 : i32 to index
            %swap3A_315 = arith.constant 32 : index
            %swap3A_316 = tpu.vector_load %arg9[%swap3A_314, %swap3A_315] {strides = array<i32>} : memref<8x80xi32, #tpu.memory_space<vmem>>, vector<1x16xi32>,
            %swap3A_317 = vector.shape_cast %swap3A_316 : vector<1x16xi32> to vector<16xi32>
            %swap3A_318 = vector.shape_cast %add3A_313 : vector<16xi32> to vector<1x16xi32>
            tpu.vector_store %arg9[%swap3A_314, %swap3A_315], %swap3A_318 {strides = array<i32>} : memref<8x80xi32, #tpu.memory_space<vmem>>, vector<1x16xi32>,
            %get3A_319 = arith.index_cast %add3A_287 : i32 to index
            %get3A_320 = arith.constant 48 : index
            %get3A_321 = tpu.vector_load %arg9[%get3A_319, %get3A_320] {strides = array<i32>} : memref<8x80xi32, #tpu.memory_space<vmem>>, vector<1x16xi32>,
            %get3A_322 = vector.shape_cast %get3A_321 : vector<1x16xi32> to vector<16xi32>
            %add3A_323 = vector.broadcast %mul3A_0 : i32 to vector<16xi32>
            %add3A_324 = arith.addi %get3A_322, %add3A_323 : vector<16xi32>
            %swap3A_325 = arith.index_cast %add3A_287 : i32 to index
            %swap3A_326 = arith.constant 48 : index
            %swap3A_327 = tpu.vector_load %arg9[%swap3A_325, %swap3A_326] {strides = array<i32>} : memref<8x80xi32, #tpu.memory_space<vmem>>, vector<1x16xi32>,
            %swap3A_328 = vector.shape_cast %swap3A_327 : vector<1x16xi32> to vector<16xi32>
            %swap3A_329 = vector.shape_cast %add3A_324 : vector<16xi32> to vector<1x16xi32>
            tpu.vector_store %arg9[%swap3A_325, %swap3A_326], %swap3A_329 {strides = array<i32>} : memref<8x80xi32, #tpu.memory_space<vmem>>, vector<1x16xi32>,
            %get3A_330 = arith.index_cast %add3A_287 : i32 to index
            %get3A_331 = arith.constant 64 : index
            %get3A_332 = tpu.vector_load %arg9[%get3A_330, %get3A_331] {strides = array<i32>} : memref<8x80xi32, #tpu.memory_space<vmem>>, vector<1x16xi32>,
            %get3A_333 = vector.shape_cast %get3A_332 : vector<1x16xi32> to vector<16xi32>
            %add3A_334 = vector.broadcast %mul3A_0 : i32 to vector<16xi32>
            %add3A_335 = arith.addi %get3A_333, %add3A_334 : vector<16xi32>
            %swap3A_336 = arith.index_cast %add3A_287 : i32 to index
            %swap3A_337 = arith.constant 64 : index
            %swap3A_338 = tpu.vector_load %arg9[%swap3A_336, %swap3A_337] {strides = array<i32>} : memref<8x80xi32, #tpu.memory_space<vmem>>, vector<1x16xi32>,
            %swap3A_339 = vector.shape_cast %swap3A_338 : vector<1x16xi32> to vector<16xi32>
            %swap3A_340 = vector.shape_cast %add3A_335 : vector<16xi32> to vector<1x16xi32>
            tpu.vector_store %arg9[%swap3A_336, %swap3A_337], %swap3A_340 {strides = array<i32>} : memref<8x80xi32, #tpu.memory_space<vmem>>, vector<1x16xi32>,
          }
          %scan3A_282 = arith.constant 8 : i32
        } else {
        }
        %dma_wait3A_130 = arith.constant 0 : i32
        %dma_wait3A_131 = tpu.memref_slice %arg10[%add3A_111, %dma_wait3A_130] : memref<8x80xi32, #tpu.memory_space<vmem>> -> memref<1x80xi32, #tpu.memory_space<vmem>>
        %dma_wait3A_132 = tpu.memref_squeeze %dma_wait3A_131 : memref<1x80xi32, #tpu.memory_space<vmem>> -> memref<80xi32, #tpu.memory_space<vmem>>
        %dma_wait3A_133 = arith.constant 0 : i32
        %dma_wait3A_134 = arith.constant 0 : i32
        %dma_wait3A_135 = tpu.memref_slice %arg2[%dma_wait3A_133, %dma_wait3A_134] : memref<20000x128xf32, #tpu.memory_space<hbm>> -> memref<20000x128xf32, #tpu.memory_space<hbm>>
        tpu.wait_indirect_dma semaphore(%arg19 : memref<!tpu.dma_semaphore, #tpu.memory_space<semaphore_mem>>) src(%dma_wait3A_135 : memref<20000x128xf32, #tpu.memory_space<hbm>>) dst(%arg15 : memref<80x128xf32, #tpu.memory_space<vmem>>)
        %add3A_136 = arith.addi %mul3A_2, %add3A_114 : i32
        %dma_wait3A_137 = arith.constant 0 : i32
        %dma_wait3A_138 = tpu.memref_slice %arg5[%add3A_136, %dma_wait3A_137] : memref<2048x1280xf32, #tpu.memory_space<hbm>> -> memref<1x1280xf32, #tpu.memory_space<hbm>>
        %dma_wait3A_139 = tpu.memref_squeeze %dma_wait3A_138 : memref<1x1280xf32, #tpu.memory_space<hbm>> -> memref<1280xf32, #tpu.memory_space<hbm>>
        %dma_wait3A_140 = arith.constant 0 : i32
        %dma_wait3A_141 = tpu.memref_slice %arg5[%add3A_136, %dma_wait3A_140] : memref<2048x1280xf32, #tpu.memory_space<hbm>> -> memref<1x1280xf32, #tpu.memory_space<hbm>>
        %dma_wait3A_142 = tpu.memref_squeeze %dma_wait3A_141 : memref<1x1280xf32, #tpu.memory_space<hbm>> -> memref<1280xf32, #tpu.memory_space<hbm>>
        tpu.wait_dma2 semaphore(%arg25 : memref<!tpu.dma_semaphore, #tpu.memory_space<semaphore_mem>>) src(%dma_wait3A_142 : memref<1280xf32, #tpu.memory_space<hbm>>) dst(%arg13 : memref<1280xf32, #tpu.memory_space<vmem>>)
        %ge3A = arith.constant 2 : i32
        %ge3A_143 = arith.cmpi sge, %add3A_111, %ge3A : i32
        %convert_element_type3A_144 = arith.extui %ge3A_143 : i1 to i32
        %cond3A_145 = arith.constant 0 : i32
        %cond3A_146 = arith.cmpi ne, %convert_element_type3A_144, %cond3A_145 : i32
        scf.if %cond3A_146 {
          %sub3A = arith.constant 2 : i32
          %sub3A_265 = arith.subi %add3A_111, %sub3A : i32
          %dma_wait3A_266 = arith.constant 0 : i32
          %dma_wait3A_267 = tpu.memref_slice %arg12[%sub3A_265, %dma_wait3A_266] : memref<8x80xi32, #tpu.memory_space<vmem>> -> memref<1x80xi32, #tpu.memory_space<vmem>>
          %dma_wait3A_268 = tpu.memref_squeeze %dma_wait3A_267 : memref<1x80xi32, #tpu.memory_space<vmem>> -> memref<80xi32, #tpu.memory_space<vmem>>
          %dma_wait3A_269 = arith.constant 0 : i32
          %dma_wait3A_270 = arith.constant 0 : i32
          %dma_wait3A_271 = tpu.memref_slice %arg8[%dma_wait3A_269, %dma_wait3A_270] : memref<10112x128xf32, #tpu.memory_space<vmem_shared>> -> memref<10112x128xf32, #tpu.memory_space<vmem_shared>>
          tpu.wait_indirect_dma semaphore(%arg21 : memref<!tpu.dma_semaphore, #tpu.memory_space<semaphore_mem>>) src(%arg17 : memref<80x128xf32, #tpu.memory_space<vmem>>) dst(%dma_wait3A_271 : memref<10112x128xf32, #tpu.memory_space<vmem_shared>>)
        } else {
        }
        %ge3A_147 = arith.constant 2 : i32
        %ge3A_148 = arith.cmpi sge, %add3A_114, %ge3A_147 : i32
        %lt3A_149 = arith.constant 2 : i32
        %lt3A_150 = arith.cmpi slt, %add3A_111, %lt3A_149 : i32
        %and3A_151 = arith.andi %ge3A_148, %lt3A_150 : i1
        %convert_element_type3A_152 = arith.extui %and3A_151 : i1 to i32
        %cond3A_153 = arith.constant 0 : i32
        %cond3A_154 = arith.cmpi ne, %convert_element_type3A_152, %cond3A_153 : i32
        scf.if %cond3A_154 {
          %add3A_265 = arith.constant 8 : i32
          %add3A_266 = arith.addi %add3A_265, %add3A_111 : i32
          %sub3A = arith.constant 2 : i32
          %sub3A_267 = arith.subi %add3A_266, %sub3A : i32
          %dma_wait3A_268 = arith.constant 0 : i32
          %dma_wait3A_269 = tpu.memref_slice %arg11[%sub3A_267, %dma_wait3A_268] : memref<8x80xi32, #tpu.memory_space<vmem>> -> memref<1x80xi32, #tpu.memory_space<vmem>>
          %dma_wait3A_270 = tpu.memref_squeeze %dma_wait3A_269 : memref<1x80xi32, #tpu.memory_space<vmem>> -> memref<80xi32, #tpu.memory_space<vmem>>
          %dma_wait3A_271 = arith.constant 0 : i32
          %dma_wait3A_272 = arith.constant 0 : i32
          %dma_wait3A_273 = tpu.memref_slice %arg8[%dma_wait3A_271, %dma_wait3A_272] : memref<10112x128xf32, #tpu.memory_space<vmem_shared>> -> memref<10112x128xf32, #tpu.memory_space<vmem_shared>>
          tpu.wait_indirect_dma semaphore(%arg21 : memref<!tpu.dma_semaphore, #tpu.memory_space<semaphore_mem>>) src(%arg17 : memref<80x128xf32, #tpu.memory_space<vmem>>) dst(%dma_wait3A_273 : memref<10112x128xf32, #tpu.memory_space<vmem_shared>>)
        } else {
        }
        %parallel_loop3A = arith.constant 0 : i32
        %parallel_loop3A_155 = arith.constant 80 : i32
        %parallel_loop3A_156 = arith.constant 1 : i32
        scf.for %parallel_loop3A_265 = %parallel_loop3A to %parallel_loop3A_155 step %parallel_loop3A_156  : i32 {
          %parallel_loop3A_266 = arith.constant 16 : i32
          %parallel_loop3A_267 = arith.muli %parallel_loop3A_265, %parallel_loop3A_266 : i32
          %parallel_loop3A_268 = arith.index_cast %parallel_loop3A_267 : i32 to index
          %parallel_loop3A_269 = tpu.vector_load %arg13[%parallel_loop3A_268] {strides = array<i32>} : memref<1280xf32, #tpu.memory_space<vmem>>, vector<16xf32>,
          %parallel_loop3A_270 = vector.shape_cast %parallel_loop3A_269 : vector<16xf32> to vector<16xf32>
          %parallel_loop3A_271 = arith.index_cast %parallel_loop3A_265 : i32 to index
          %parallel_loop3A_272 = arith.constant 0 : index
          %parallel_loop3A_273 = tpu.vector_load %arg15[%parallel_loop3A_271, %parallel_loop3A_272] {strides = array<i32>} : memref<80x128xf32, #tpu.memory_space<vmem>>, vector<1x16xf32>,
          %parallel_loop3A_274 = vector.shape_cast %parallel_loop3A_273 : vector<1x16xf32> to vector<16xf32>
          %parallel_loop3A_275 = arith.mulf %parallel_loop3A_274, %parallel_loop3A_270 : vector<16xf32>
          %parallel_loop3A_276 = arith.index_cast %parallel_loop3A_265 : i32 to index
          %parallel_loop3A_277 = arith.constant 0 : index
          %parallel_loop3A_278 = tpu.vector_load %arg17[%parallel_loop3A_276, %parallel_loop3A_277] {strides = array<i32>} : memref<80x128xf32, #tpu.memory_space<vmem>>, vector<1x16xf32>,
          %parallel_loop3A_279 = vector.shape_cast %parallel_loop3A_278 : vector<1x16xf32> to vector<16xf32>
          %parallel_loop3A_280 = vector.shape_cast %parallel_loop3A_275 : vector<16xf32> to vector<1x16xf32>
          tpu.vector_store %arg17[%parallel_loop3A_276, %parallel_loop3A_277], %parallel_loop3A_280 {strides = array<i32>} : memref<80x128xf32, #tpu.memory_space<vmem>>, vector<1x16xf32>,
          %parallel_loop3A_281 = arith.index_cast %parallel_loop3A_265 : i32 to index
          %parallel_loop3A_282 = arith.constant 16 : index
          %parallel_loop3A_283 = tpu.vector_load %arg15[%parallel_loop3A_281, %parallel_loop3A_282] {strides = array<i32>} : memref<80x128xf32, #tpu.memory_space<vmem>>, vector<1x16xf32>,
          %parallel_loop3A_284 = vector.shape_cast %parallel_loop3A_283 : vector<1x16xf32> to vector<16xf32>
          %parallel_loop3A_285 = arith.mulf %parallel_loop3A_284, %parallel_loop3A_270 : vector<16xf32>
          %parallel_loop3A_286 = arith.index_cast %parallel_loop3A_265 : i32 to index
          %parallel_loop3A_287 = arith.constant 16 : index
          %parallel_loop3A_288 = tpu.vector_load %arg17[%parallel_loop3A_286, %parallel_loop3A_287] {strides = array<i32>} : memref<80x128xf32, #tpu.memory_space<vmem>>, vector<1x16xf32>,
          %parallel_loop3A_289 = vector.shape_cast %parallel_loop3A_288 : vector<1x16xf32> to vector<16xf32>
          %parallel_loop3A_290 = vector.shape_cast %parallel_loop3A_285 : vector<16xf32> to vector<1x16xf32>
          tpu.vector_store %arg17[%parallel_loop3A_286, %parallel_loop3A_287], %parallel_loop3A_290 {strides = array<i32>} : memref<80x128xf32, #tpu.memory_space<vmem>>, vector<1x16xf32>,
          %parallel_loop3A_291 = arith.index_cast %parallel_loop3A_265 : i32 to index
          %parallel_loop3A_292 = arith.constant 32 : index
          %parallel_loop3A_293 = tpu.vector_load %arg15[%parallel_loop3A_291, %parallel_loop3A_292] {strides = array<i32>} : memref<80x128xf32, #tpu.memory_space<vmem>>, vector<1x16xf32>,
          %parallel_loop3A_294 = vector.shape_cast %parallel_loop3A_293 : vector<1x16xf32> to vector<16xf32>
          %parallel_loop3A_295 = arith.mulf %parallel_loop3A_294, %parallel_loop3A_270 : vector<16xf32>
          %parallel_loop3A_296 = arith.index_cast %parallel_loop3A_265 : i32 to index
          %parallel_loop3A_297 = arith.constant 32 : index
          %parallel_loop3A_298 = tpu.vector_load %arg17[%parallel_loop3A_296, %parallel_loop3A_297] {strides = array<i32>} : memref<80x128xf32, #tpu.memory_space<vmem>>, vector<1x16xf32>,
          %parallel_loop3A_299 = vector.shape_cast %parallel_loop3A_298 : vector<1x16xf32> to vector<16xf32>
          %parallel_loop3A_300 = vector.shape_cast %parallel_loop3A_295 : vector<16xf32> to vector<1x16xf32>
          tpu.vector_store %arg17[%parallel_loop3A_296, %parallel_loop3A_297], %parallel_loop3A_300 {strides = array<i32>} : memref<80x128xf32, #tpu.memory_space<vmem>>, vector<1x16xf32>,
          %parallel_loop3A_301 = arith.index_cast %parallel_loop3A_265 : i32 to index
          %parallel_loop3A_302 = arith.constant 48 : index
          %parallel_loop3A_303 = tpu.vector_load %arg15[%parallel_loop3A_301, %parallel_loop3A_302] {strides = array<i32>} : memref<80x128xf32, #tpu.memory_space<vmem>>, vector<1x16xf32>,
          %parallel_loop3A_304 = vector.shape_cast %parallel_loop3A_303 : vector<1x16xf32> to vector<16xf32>
          %parallel_loop3A_305 = arith.mulf %parallel_loop3A_304, %parallel_loop3A_270 : vector<16xf32>
          %parallel_loop3A_306 = arith.index_cast %parallel_loop3A_265 : i32 to index
          %parallel_loop3A_307 = arith.constant 48 : index
          %parallel_loop3A_308 = tpu.vector_load %arg17[%parallel_loop3A_306, %parallel_loop3A_307] {strides = array<i32>} : memref<80x128xf32, #tpu.memory_space<vmem>>, vector<1x16xf32>,
          %parallel_loop3A_309 = vector.shape_cast %parallel_loop3A_308 : vector<1x16xf32> to vector<16xf32>
          %parallel_loop3A_310 = vector.shape_cast %parallel_loop3A_305 : vector<16xf32> to vector<1x16xf32>
          tpu.vector_store %arg17[%parallel_loop3A_306, %parallel_loop3A_307], %parallel_loop3A_310 {strides = array<i32>} : memref<80x128xf32, #tpu.memory_space<vmem>>, vector<1x16xf32>,
          %parallel_loop3A_311 = arith.index_cast %parallel_loop3A_265 : i32 to index
          %parallel_loop3A_312 = arith.constant 64 : index
          %parallel_loop3A_313 = tpu.vector_load %arg15[%parallel_loop3A_311, %parallel_loop3A_312] {strides = array<i32>} : memref<80x128xf32, #tpu.memory_space<vmem>>, vector<1x16xf32>,
          %parallel_loop3A_314 = vector.shape_cast %parallel_loop3A_313 : vector<1x16xf32> to vector<16xf32>
          %parallel_loop3A_315 = arith.mulf %parallel_loop3A_314, %parallel_loop3A_270 : vector<16xf32>
          %parallel_loop3A_316 = arith.index_cast %parallel_loop3A_265 : i32 to index
          %parallel_loop3A_317 = arith.constant 64 : index
          %parallel_loop3A_318 = tpu.vector_load %arg17[%parallel_loop3A_316, %parallel_loop3A_317] {strides = array<i32>} : memref<80x128xf32, #tpu.memory_space<vmem>>, vector<1x16xf32>,
          %parallel_loop3A_319 = vector.shape_cast %parallel_loop3A_318 : vector<1x16xf32> to vector<16xf32>
          %parallel_loop3A_320 = vector.shape_cast %parallel_loop3A_315 : vector<16xf32> to vector<1x16xf32>
          tpu.vector_store %arg17[%parallel_loop3A_316, %parallel_loop3A_317], %parallel_loop3A_320 {strides = array<i32>} : memref<80x128xf32, #tpu.memory_space<vmem>>, vector<1x16xf32>,
          %parallel_loop3A_321 = arith.index_cast %parallel_loop3A_265 : i32 to index
          %parallel_loop3A_322 = arith.constant 80 : index
          %parallel_loop3A_323 = tpu.vector_load %arg15[%parallel_loop3A_321, %parallel_loop3A_322] {strides = array<i32>} : memref<80x128xf32, #tpu.memory_space<vmem>>, vector<1x16xf32>,
          %parallel_loop3A_324 = vector.shape_cast %parallel_loop3A_323 : vector<1x16xf32> to vector<16xf32>
          %parallel_loop3A_325 = arith.mulf %parallel_loop3A_324, %parallel_loop3A_270 : vector<16xf32>
          %parallel_loop3A_326 = arith.index_cast %parallel_loop3A_265 : i32 to index
          %parallel_loop3A_327 = arith.constant 80 : index
          %parallel_loop3A_328 = tpu.vector_load %arg17[%parallel_loop3A_326, %parallel_loop3A_327] {strides = array<i32>} : memref<80x128xf32, #tpu.memory_space<vmem>>, vector<1x16xf32>,
          %parallel_loop3A_329 = vector.shape_cast %parallel_loop3A_328 : vector<1x16xf32> to vector<16xf32>
          %parallel_loop3A_330 = vector.shape_cast %parallel_loop3A_325 : vector<16xf32> to vector<1x16xf32>
          tpu.vector_store %arg17[%parallel_loop3A_326, %parallel_loop3A_327], %parallel_loop3A_330 {strides = array<i32>} : memref<80x128xf32, #tpu.memory_space<vmem>>, vector<1x16xf32>,
          %parallel_loop3A_331 = arith.index_cast %parallel_loop3A_265 : i32 to index
          %parallel_loop3A_332 = arith.constant 96 : index
          %parallel_loop3A_333 = tpu.vector_load %arg15[%parallel_loop3A_331, %parallel_loop3A_332] {strides = array<i32>} : memref<80x128xf32, #tpu.memory_space<vmem>>, vector<1x16xf32>,
          %parallel_loop3A_334 = vector.shape_cast %parallel_loop3A_333 : vector<1x16xf32> to vector<16xf32>
          %parallel_loop3A_335 = arith.mulf %parallel_loop3A_334, %parallel_loop3A_270 : vector<16xf32>
          %parallel_loop3A_336 = arith.index_cast %parallel_loop3A_265 : i32 to index
          %parallel_loop3A_337 = arith.constant 96 : index
          %parallel_loop3A_338 = tpu.vector_load %arg17[%parallel_loop3A_336, %parallel_loop3A_337] {strides = array<i32>} : memref<80x128xf32, #tpu.memory_space<vmem>>, vector<1x16xf32>,
          %parallel_loop3A_339 = vector.shape_cast %parallel_loop3A_338 : vector<1x16xf32> to vector<16xf32>
          %parallel_loop3A_340 = vector.shape_cast %parallel_loop3A_335 : vector<16xf32> to vector<1x16xf32>
          tpu.vector_store %arg17[%parallel_loop3A_336, %parallel_loop3A_337], %parallel_loop3A_340 {strides = array<i32>} : memref<80x128xf32, #tpu.memory_space<vmem>>, vector<1x16xf32>,
          %parallel_loop3A_341 = arith.index_cast %parallel_loop3A_265 : i32 to index
          %parallel_loop3A_342 = arith.constant 112 : index
          %parallel_loop3A_343 = tpu.vector_load %arg15[%parallel_loop3A_341, %parallel_loop3A_342] {strides = array<i32>} : memref<80x128xf32, #tpu.memory_space<vmem>>, vector<1x16xf32>,
          %parallel_loop3A_344 = vector.shape_cast %parallel_loop3A_343 : vector<1x16xf32> to vector<16xf32>
          %parallel_loop3A_345 = arith.mulf %parallel_loop3A_344, %parallel_loop3A_270 : vector<16xf32>
          %parallel_loop3A_346 = arith.index_cast %parallel_loop3A_265 : i32 to index
          %parallel_loop3A_347 = arith.constant 112 : index
          %parallel_loop3A_348 = tpu.vector_load %arg17[%parallel_loop3A_346, %parallel_loop3A_347] {strides = array<i32>} : memref<80x128xf32, #tpu.memory_space<vmem>>, vector<1x16xf32>,
          %parallel_loop3A_349 = vector.shape_cast %parallel_loop3A_348 : vector<1x16xf32> to vector<16xf32>
          %parallel_loop3A_350 = vector.shape_cast %parallel_loop3A_345 : vector<16xf32> to vector<1x16xf32>
          tpu.vector_store %arg17[%parallel_loop3A_346, %parallel_loop3A_347], %parallel_loop3A_350 {strides = array<i32>} : memref<80x128xf32, #tpu.memory_space<vmem>>, vector<1x16xf32>,
        } {sc.loop_unroll_factor = 2 : i64, sc.parallel_access}
        %dma_start3A_157 = arith.constant 0 : i32
        %dma_start3A_158 = tpu.memref_slice %arg12[%add3A_111, %dma_start3A_157] : memref<8x80xi32, #tpu.memory_space<vmem>> -> memref<1x80xi32, #tpu.memory_space<vmem>>
        %dma_start3A_159 = tpu.memref_squeeze %dma_start3A_158 : memref<1x80xi32, #tpu.memory_space<vmem>> -> memref<80xi32, #tpu.memory_space<vmem>>
        %dma_start3A_160 = arith.constant 0 : i32
        %dma_start3A_161 = arith.constant 0 : i32
        %dma_start3A_162 = tpu.memref_slice %arg8[%dma_start3A_160, %dma_start3A_161] : memref<10112x128xf32, #tpu.memory_space<vmem_shared>> -> memref<10112x128xf32, #tpu.memory_space<vmem_shared>>
        tpu.enqueue_indirect_dma source(%arg17 : memref<80x128xf32, #tpu.memory_space<vmem>>) target(%dma_start3A_162 : memref<10112x128xf32, #tpu.memory_space<vmem_shared>>) offsets(%dma_start3A_159 : memref<80xi32, #tpu.memory_space<vmem>>) semaphore(%arg21 : memref<!tpu.dma_semaphore, #tpu.memory_space<semaphore_mem>>) {add = true}
        %add3A_163 = arith.constant 2 : i32
        %add3A_164 = arith.addi %add3A_114, %add3A_163 : i32
        %lt3A_165 = arith.constant 128 : i32
        %lt3A_166 = arith.cmpi slt, %add3A_164, %lt3A_165 : i32
        %lt3A_167 = arith.constant 6 : i32
        %lt3A_168 = arith.cmpi slt, %add3A_111, %lt3A_167 : i32
        %and3A_169 = arith.andi %lt3A_166, %lt3A_168 : i1
        %convert_element_type3A_170 = arith.extui %and3A_169 : i1 to i32
        %cond3A_171 = arith.constant 0 : i32
        %cond3A_172 = arith.cmpi ne, %convert_element_type3A_170, %cond3A_171 : i32
        scf.if %cond3A_172 {
          %add3A_265 = arith.constant 2 : i32
          %add3A_266 = arith.addi %add3A_111, %add3A_265 : i32
          %add3A_267 = arith.constant 2 : i32
          %add3A_268 = arith.addi %add3A_114, %add3A_267 : i32
          %dma_start3A_269 = arith.constant 0 : i32
          %dma_start3A_270 = tpu.memref_slice %arg10[%add3A_266, %dma_start3A_269] : memref<8x80xi32, #tpu.memory_space<vmem>> -> memref<1x80xi32, #tpu.memory_space<vmem>>
          %dma_start3A_271 = tpu.memref_squeeze %dma_start3A_270 : memref<1x80xi32, #tpu.memory_space<vmem>> -> memref<80xi32, #tpu.memory_space<vmem>>
          %dma_start3A_272 = arith.constant 0 : i32
          %dma_start3A_273 = arith.constant 0 : i32
          %dma_start3A_274 = tpu.memref_slice %arg2[%dma_start3A_272, %dma_start3A_273] : memref<20000x128xf32, #tpu.memory_space<hbm>> -> memref<20000x128xf32, #tpu.memory_space<hbm>>
          tpu.enqueue_indirect_dma source(%dma_start3A_274 : memref<20000x128xf32, #tpu.memory_space<hbm>>) target(%arg15 : memref<80x128xf32, #tpu.memory_space<vmem>>) offsets(%dma_start3A_271 : memref<80xi32, #tpu.memory_space<vmem>>) semaphore(%arg19 : memref<!tpu.dma_semaphore, #tpu.memory_space<semaphore_mem>>)
          %add3A_275 = arith.addi %mul3A_2, %add3A_268 : i32
          %dma_start3A_276 = arith.constant 0 : i32
          %dma_start3A_277 = tpu.memref_slice %arg5[%add3A_275, %dma_start3A_276] : memref<2048x1280xf32, #tpu.memory_space<hbm>> -> memref<1x1280xf32, #tpu.memory_space<hbm>>
          %dma_start3A_278 = tpu.memref_squeeze %dma_start3A_277 : memref<1x1280xf32, #tpu.memory_space<hbm>> -> memref<1280xf32, #tpu.memory_space<hbm>>
          %dma_start3A_279 = arith.constant 0 : i32
          %dma_start3A_280 = tpu.memref_slice %arg5[%add3A_275, %dma_start3A_279] : memref<2048x1280xf32, #tpu.memory_space<hbm>> -> memref<1x1280xf32, #tpu.memory_space<hbm>>
          %dma_start3A_281 = tpu.memref_squeeze %dma_start3A_280 : memref<1x1280xf32, #tpu.memory_space<hbm>> -> memref<1280xf32, #tpu.memory_space<hbm>>
          tpu.enqueue_dma source(%dma_start3A_281 : memref<1280xf32, #tpu.memory_space<hbm>>) target(%arg13 : memref<1280xf32, #tpu.memory_space<vmem>>) target_semaphore(%arg25 : memref<!tpu.dma_semaphore, #tpu.memory_space<semaphore_mem>>)
        } else {
        }
        %add3A_173 = arith.constant 2 : i32
        %add3A_174 = arith.addi %add3A_114, %add3A_173 : i32
        %lt3A_175 = arith.constant 128 : i32
        %lt3A_176 = arith.cmpi slt, %add3A_174, %lt3A_175 : i32
        %ge3A_177 = arith.constant 6 : i32
        %ge3A_178 = arith.cmpi sge, %add3A_111, %ge3A_177 : i32
        %and3A_179 = arith.andi %lt3A_176, %ge3A_178 : i1
        %convert_element_type3A_180 = arith.extui %and3A_179 : i1 to i32
        %cond3A_181 = arith.constant 0 : i32
        %cond3A_182 = arith.cmpi ne, %convert_element_type3A_180, %cond3A_181 : i32
        scf.if %cond3A_182 {
          %sub3A = arith.constant 6 : i32
          %sub3A_265 = arith.subi %add3A_111, %sub3A : i32
          %add3A_266 = arith.constant 2 : i32
          %add3A_267 = arith.addi %add3A_114, %add3A_266 : i32
          %dma_start3A_268 = arith.constant 0 : i32
          %dma_start3A_269 = tpu.memref_slice %arg9[%sub3A_265, %dma_start3A_268] : memref<8x80xi32, #tpu.memory_space<vmem>> -> memref<1x80xi32, #tpu.memory_space<vmem>>
          %dma_start3A_270 = tpu.memref_squeeze %dma_start3A_269 : memref<1x80xi32, #tpu.memory_space<vmem>> -> memref<80xi32, #tpu.memory_space<vmem>>
          %dma_start3A_271 = arith.constant 0 : i32
          %dma_start3A_272 = arith.constant 0 : i32
          %dma_start3A_273 = tpu.memref_slice %arg2[%dma_start3A_271, %dma_start3A_272] : memref<20000x128xf32, #tpu.memory_space<hbm>> -> memref<20000x128xf32, #tpu.memory_space<hbm>>
          tpu.enqueue_indirect_dma source(%dma_start3A_273 : memref<20000x128xf32, #tpu.memory_space<hbm>>) target(%arg15 : memref<80x128xf32, #tpu.memory_space<vmem>>) offsets(%dma_start3A_270 : memref<80xi32, #tpu.memory_space<vmem>>) semaphore(%arg19 : memref<!tpu.dma_semaphore, #tpu.memory_space<semaphore_mem>>)
          %add3A_274 = arith.addi %mul3A_2, %add3A_267 : i32
          %dma_start3A_275 = arith.constant 0 : i32
          %dma_start3A_276 = tpu.memref_slice %arg5[%add3A_274, %dma_start3A_275] : memref<2048x1280xf32, #tpu.memory_space<hbm>> -> memref<1x1280xf32, #tpu.memory_space<hbm>>
          %dma_start3A_277 = tpu.memref_squeeze %dma_start3A_276 : memref<1x1280xf32, #tpu.memory_space<hbm>> -> memref<1280xf32, #tpu.memory_space<hbm>>
          %dma_start3A_278 = arith.constant 0 : i32
          %dma_start3A_279 = tpu.memref_slice %arg5[%add3A_274, %dma_start3A_278] : memref<2048x1280xf32, #tpu.memory_space<hbm>> -> memref<1x1280xf32, #tpu.memory_space<hbm>>
          %dma_start3A_280 = tpu.memref_squeeze %dma_start3A_279 : memref<1x1280xf32, #tpu.memory_space<hbm>> -> memref<1280xf32, #tpu.memory_space<hbm>>
          tpu.enqueue_dma source(%dma_start3A_280 : memref<1280xf32, #tpu.memory_space<hbm>>) target(%arg13 : memref<1280xf32, #tpu.memory_space<vmem>>) target_semaphore(%arg25 : memref<!tpu.dma_semaphore, #tpu.memory_space<semaphore_mem>>)
        } else {
        }
        %mul3A_183 = arith.constant 2 : i32
        %mul3A_184 = arith.muli %add3A_107, %mul3A_183 : i32
        %add3A_185 = arith.constant 1 : i32
        %add3A_186 = arith.addi %mul3A_184, %add3A_185 : i32
        %mul3A_187 = arith.constant 8 : i32
        %mul3A_188 = arith.muli %add3A_97, %mul3A_187 : i32
        %add3A_189 = arith.addi %mul3A_188, %add3A_186 : i32
        %add3A_190 = arith.constant 1 : i32
        %add3A_191 = arith.addi %add3A_97, %add3A_190 : i32
        %lt3A_192 = arith.constant 16 : i32
        %lt3A_193 = arith.cmpi slt, %add3A_191, %lt3A_192 : i32
        %eq3A_194 = arith.constant 2 : i32
        %eq3A_195 = arith.cmpi eq, %add3A_186, %eq3A_194 : i32
        %and3A_196 = arith.andi %lt3A_193, %eq3A_195 : i1
        %convert_element_type3A_197 = arith.extui %and3A_196 : i1 to i32
        %cond3A_198 = arith.constant 0 : i32
        %cond3A_199 = arith.cmpi ne, %convert_element_type3A_197, %cond3A_198 : i32
        scf.if %cond3A_199 {
          %add3A_265 = arith.constant 1 : i32
          %add3A_266 = arith.addi %add3A_97, %add3A_265 : i32
          %mul3A_267 = arith.constant 8 : i32
          %mul3A_268 = arith.muli %add3A_266, %mul3A_267 : i32
          %add3A_269 = arith.addi %mul3A_2, %mul3A_268 : i32
          %dma_start3A_270 = arith.constant 0 : i32
          %dma_start3A_271 = tpu.memref_slice %arg4[%add3A_269, %dma_start3A_270] : memref<2048x80xi32, #tpu.memory_space<hbm>> -> memref<8x80xi32, #tpu.memory_space<hbm>>
          %dma_start3A_272 = arith.constant 0 : i32
          %dma_start3A_273 = tpu.memref_slice %arg4[%add3A_269, %dma_start3A_272] : memref<2048x80xi32, #tpu.memory_space<hbm>> -> memref<8x80xi32, #tpu.memory_space<hbm>>
          tpu.enqueue_dma source(%dma_start3A_273 : memref<8x80xi32, #tpu.memory_space<hbm>>) target(%arg9 : memref<8x80xi32, #tpu.memory_space<vmem>>) target_semaphore(%arg23 : memref<!tpu.dma_semaphore, #tpu.memory_space<semaphore_mem>>)
          %dma_start3A_274 = arith.constant 0 : i32
          %dma_start3A_275 = tpu.memref_slice %arg3[%add3A_269, %dma_start3A_274] : memref<2048x80xi32, #tpu.memory_space<hbm>> -> memref<8x80xi32, #tpu.memory_space<hbm>>
          %dma_start3A_276 = arith.constant 0 : i32
          %dma_start3A_277 = tpu.memref_slice %arg3[%add3A_269, %dma_start3A_276] : memref<2048x80xi32, #tpu.memory_space<hbm>> -> memref<8x80xi32, #tpu.memory_space<hbm>>
          tpu.enqueue_dma source(%dma_start3A_277 : memref<8x80xi32, #tpu.memory_space<hbm>>) target(%arg11 : memref<8x80xi32, #tpu.memory_space<vmem>>) target_semaphore(%arg23 : memref<!tpu.dma_semaphore, #tpu.memory_space<semaphore_mem>>)
        } else {
        }
        %add3A_200 = arith.constant 1 : i32
        %add3A_201 = arith.addi %add3A_97, %add3A_200 : i32
        %lt3A_202 = arith.constant 16 : i32
        %lt3A_203 = arith.cmpi slt, %add3A_201, %lt3A_202 : i32
        %eq3A_204 = arith.constant 5 : i32
        %eq3A_205 = arith.cmpi eq, %add3A_186, %eq3A_204 : i32
        %and3A_206 = arith.andi %lt3A_203, %eq3A_205 : i1
        %convert_element_type3A_207 = arith.extui %and3A_206 : i1 to i32
        %cond3A_208 = arith.constant 0 : i32
        %cond3A_209 = arith.cmpi ne, %convert_element_type3A_207, %cond3A_208 : i32
        scf.if %cond3A_209 {
          %add3A_265 = arith.constant 1 : i32
          %add3A_266 = arith.addi %add3A_97, %add3A_265 : i32
          %mul3A_267 = arith.constant 8 : i32
          %mul3A_268 = arith.muli %add3A_266, %mul3A_267 : i32
          %add3A_269 = arith.addi %mul3A_2, %mul3A_268 : i32
          %dma_wait3A_270 = arith.constant 0 : i32
          %dma_wait3A_271 = tpu.memref_slice %arg4[%add3A_269, %dma_wait3A_270] : memref<2048x80xi32, #tpu.memory_space<hbm>> -> memref<8x80xi32, #tpu.memory_space<hbm>>
          %dma_wait3A_272 = arith.constant 0 : i32
          %dma_wait3A_273 = tpu.memref_slice %arg4[%add3A_269, %dma_wait3A_272] : memref<2048x80xi32, #tpu.memory_space<hbm>> -> memref<8x80xi32, #tpu.memory_space<hbm>>
          tpu.wait_dma2 semaphore(%arg23 : memref<!tpu.dma_semaphore, #tpu.memory_space<semaphore_mem>>) src(%dma_wait3A_273 : memref<8x80xi32, #tpu.memory_space<hbm>>) dst(%arg9 : memref<8x80xi32, #tpu.memory_space<vmem>>)
          %dma_wait3A_274 = arith.constant 0 : i32
          %dma_wait3A_275 = tpu.memref_slice %arg3[%add3A_269, %dma_wait3A_274] : memref<2048x80xi32, #tpu.memory_space<hbm>> -> memref<8x80xi32, #tpu.memory_space<hbm>>
          %dma_wait3A_276 = arith.constant 0 : i32
          %dma_wait3A_277 = tpu.memref_slice %arg3[%add3A_269, %dma_wait3A_276] : memref<2048x80xi32, #tpu.memory_space<hbm>> -> memref<8x80xi32, #tpu.memory_space<hbm>>
          tpu.wait_dma2 semaphore(%arg23 : memref<!tpu.dma_semaphore, #tpu.memory_space<semaphore_mem>>) src(%dma_wait3A_277 : memref<8x80xi32, #tpu.memory_space<hbm>>) dst(%arg11 : memref<8x80xi32, #tpu.memory_space<vmem>>)
          %scan3A_278 = arith.constant 0 : i32
          %scan3A_279 = arith.constant 8 : i32
          %scan3A_280 = arith.addi %scan3A_278, %scan3A_279 : i32
          %scan3A_281 = arith.constant 1 : i32
          scf.for %scan3A_283 = %scan3A_278 to %scan3A_280 step %scan3A_281  : i32 {
            %mul3A_284 = arith.constant 1 : i32
            %mul3A_285 = arith.muli %scan3A_283, %mul3A_284 : i32
            %add3A_286 = arith.constant 0 : i32
            %add3A_287 = arith.addi %add3A_286, %mul3A_285 : i32
            %get3A = arith.index_cast %add3A_287 : i32 to index
            %get3A_288 = arith.constant 0 : index
            %get3A_289 = tpu.vector_load %arg9[%get3A, %get3A_288] {strides = array<i32>} : memref<8x80xi32, #tpu.memory_space<vmem>>, vector<1x16xi32>,
            %get3A_290 = vector.shape_cast %get3A_289 : vector<1x16xi32> to vector<16xi32>
            %add3A_291 = vector.broadcast %mul3A_0 : i32 to vector<16xi32>
            %add3A_292 = arith.addi %get3A_290, %add3A_291 : vector<16xi32>
            %swap3A = arith.index_cast %add3A_287 : i32 to index
            %swap3A_293 = arith.constant 0 : index
            %swap3A_294 = tpu.vector_load %arg9[%swap3A, %swap3A_293] {strides = array<i32>} : memref<8x80xi32, #tpu.memory_space<vmem>>, vector<1x16xi32>,
            %swap3A_295 = vector.shape_cast %swap3A_294 : vector<1x16xi32> to vector<16xi32>
            %swap3A_296 = vector.shape_cast %add3A_292 : vector<16xi32> to vector<1x16xi32>
            tpu.vector_store %arg9[%swap3A, %swap3A_293], %swap3A_296 {strides = array<i32>} : memref<8x80xi32, #tpu.memory_space<vmem>>, vector<1x16xi32>,
            %get3A_297 = arith.index_cast %add3A_287 : i32 to index
            %get3A_298 = arith.constant 16 : index
            %get3A_299 = tpu.vector_load %arg9[%get3A_297, %get3A_298] {strides = array<i32>} : memref<8x80xi32, #tpu.memory_space<vmem>>, vector<1x16xi32>,
            %get3A_300 = vector.shape_cast %get3A_299 : vector<1x16xi32> to vector<16xi32>
            %add3A_301 = vector.broadcast %mul3A_0 : i32 to vector<16xi32>
            %add3A_302 = arith.addi %get3A_300, %add3A_301 : vector<16xi32>
            %swap3A_303 = arith.index_cast %add3A_287 : i32 to index
            %swap3A_304 = arith.constant 16 : index
            %swap3A_305 = tpu.vector_load %arg9[%swap3A_303, %swap3A_304] {strides = array<i32>} : memref<8x80xi32, #tpu.memory_space<vmem>>, vector<1x16xi32>,
            %swap3A_306 = vector.shape_cast %swap3A_305 : vector<1x16xi32> to vector<16xi32>
            %swap3A_307 = vector.shape_cast %add3A_302 : vector<16xi32> to vector<1x16xi32>
            tpu.vector_store %arg9[%swap3A_303, %swap3A_304], %swap3A_307 {strides = array<i32>} : memref<8x80xi32, #tpu.memory_space<vmem>>, vector<1x16xi32>,
            %get3A_308 = arith.index_cast %add3A_287 : i32 to index
            %get3A_309 = arith.constant 32 : index
            %get3A_310 = tpu.vector_load %arg9[%get3A_308, %get3A_309] {strides = array<i32>} : memref<8x80xi32, #tpu.memory_space<vmem>>, vector<1x16xi32>,
            %get3A_311 = vector.shape_cast %get3A_310 : vector<1x16xi32> to vector<16xi32>
            %add3A_312 = vector.broadcast %mul3A_0 : i32 to vector<16xi32>
            %add3A_313 = arith.addi %get3A_311, %add3A_312 : vector<16xi32>
            %swap3A_314 = arith.index_cast %add3A_287 : i32 to index
            %swap3A_315 = arith.constant 32 : index
            %swap3A_316 = tpu.vector_load %arg9[%swap3A_314, %swap3A_315] {strides = array<i32>} : memref<8x80xi32, #tpu.memory_space<vmem>>, vector<1x16xi32>,
            %swap3A_317 = vector.shape_cast %swap3A_316 : vector<1x16xi32> to vector<16xi32>
            %swap3A_318 = vector.shape_cast %add3A_313 : vector<16xi32> to vector<1x16xi32>
            tpu.vector_store %arg9[%swap3A_314, %swap3A_315], %swap3A_318 {strides = array<i32>} : memref<8x80xi32, #tpu.memory_space<vmem>>, vector<1x16xi32>,
            %get3A_319 = arith.index_cast %add3A_287 : i32 to index
            %get3A_320 = arith.constant 48 : index
            %get3A_321 = tpu.vector_load %arg9[%get3A_319, %get3A_320] {strides = array<i32>} : memref<8x80xi32, #tpu.memory_space<vmem>>, vector<1x16xi32>,
            %get3A_322 = vector.shape_cast %get3A_321 : vector<1x16xi32> to vector<16xi32>
            %add3A_323 = vector.broadcast %mul3A_0 : i32 to vector<16xi32>
            %add3A_324 = arith.addi %get3A_322, %add3A_323 : vector<16xi32>
            %swap3A_325 = arith.index_cast %add3A_287 : i32 to index
            %swap3A_326 = arith.constant 48 : index
            %swap3A_327 = tpu.vector_load %arg9[%swap3A_325, %swap3A_326] {strides = array<i32>} : memref<8x80xi32, #tpu.memory_space<vmem>>, vector<1x16xi32>,
            %swap3A_328 = vector.shape_cast %swap3A_327 : vector<1x16xi32> to vector<16xi32>
            %swap3A_329 = vector.shape_cast %add3A_324 : vector<16xi32> to vector<1x16xi32>
            tpu.vector_store %arg9[%swap3A_325, %swap3A_326], %swap3A_329 {strides = array<i32>} : memref<8x80xi32, #tpu.memory_space<vmem>>, vector<1x16xi32>,
            %get3A_330 = arith.index_cast %add3A_287 : i32 to index
            %get3A_331 = arith.constant 64 : index
            %get3A_332 = tpu.vector_load %arg9[%get3A_330, %get3A_331] {strides = array<i32>} : memref<8x80xi32, #tpu.memory_space<vmem>>, vector<1x16xi32>,
            %get3A_333 = vector.shape_cast %get3A_332 : vector<1x16xi32> to vector<16xi32>
            %add3A_334 = vector.broadcast %mul3A_0 : i32 to vector<16xi32>
            %add3A_335 = arith.addi %get3A_333, %add3A_334 : vector<16xi32>
            %swap3A_336 = arith.index_cast %add3A_287 : i32 to index
            %swap3A_337 = arith.constant 64 : index
            %swap3A_338 = tpu.vector_load %arg9[%swap3A_336, %swap3A_337] {strides = array<i32>} : memref<8x80xi32, #tpu.memory_space<vmem>>, vector<1x16xi32>,
            %swap3A_339 = vector.shape_cast %swap3A_338 : vector<1x16xi32> to vector<16xi32>
            %swap3A_340 = vector.shape_cast %add3A_335 : vector<16xi32> to vector<1x16xi32>
            tpu.vector_store %arg9[%swap3A_336, %swap3A_337], %swap3A_340 {strides = array<i32>} : memref<8x80xi32, #tpu.memory_space<vmem>>, vector<1x16xi32>,
          }
          %scan3A_282 = arith.constant 8 : i32
        } else {
        }
        %dma_wait3A_210 = arith.constant 0 : i32
        %dma_wait3A_211 = tpu.memref_slice %arg10[%add3A_186, %dma_wait3A_210] : memref<8x80xi32, #tpu.memory_space<vmem>> -> memref<1x80xi32, #tpu.memory_space<vmem>>
        %dma_wait3A_212 = tpu.memref_squeeze %dma_wait3A_211 : memref<1x80xi32, #tpu.memory_space<vmem>> -> memref<80xi32, #tpu.memory_space<vmem>>
        %dma_wait3A_213 = arith.constant 0 : i32
        %dma_wait3A_214 = arith.constant 0 : i32
        %dma_wait3A_215 = tpu.memref_slice %arg2[%dma_wait3A_213, %dma_wait3A_214] : memref<20000x128xf32, #tpu.memory_space<hbm>> -> memref<20000x128xf32, #tpu.memory_space<hbm>>
        tpu.wait_indirect_dma semaphore(%arg20 : memref<!tpu.dma_semaphore, #tpu.memory_space<semaphore_mem>>) src(%dma_wait3A_215 : memref<20000x128xf32, #tpu.memory_space<hbm>>) dst(%arg16 : memref<80x128xf32, #tpu.memory_space<vmem>>)
        %add3A_216 = arith.addi %mul3A_2, %add3A_189 : i32
        %dma_wait3A_217 = arith.constant 0 : i32
        %dma_wait3A_218 = tpu.memref_slice %arg5[%add3A_216, %dma_wait3A_217] : memref<2048x1280xf32, #tpu.memory_space<hbm>> -> memref<1x1280xf32, #tpu.memory_space<hbm>>
        %dma_wait3A_219 = tpu.memref_squeeze %dma_wait3A_218 : memref<1x1280xf32, #tpu.memory_space<hbm>> -> memref<1280xf32, #tpu.memory_space<hbm>>
        %dma_wait3A_220 = arith.constant 0 : i32
        %dma_wait3A_221 = tpu.memref_slice %arg5[%add3A_216, %dma_wait3A_220] : memref<2048x1280xf32, #tpu.memory_space<hbm>> -> memref<1x1280xf32, #tpu.memory_space<hbm>>
        %dma_wait3A_222 = tpu.memref_squeeze %dma_wait3A_221 : memref<1x1280xf32, #tpu.memory_space<hbm>> -> memref<1280xf32, #tpu.memory_space<hbm>>
        tpu.wait_dma2 semaphore(%arg26 : memref<!tpu.dma_semaphore, #tpu.memory_space<semaphore_mem>>) src(%dma_wait3A_222 : memref<1280xf32, #tpu.memory_space<hbm>>) dst(%arg14 : memref<1280xf32, #tpu.memory_space<vmem>>)
        %ge3A_223 = arith.constant 2 : i32
        %ge3A_224 = arith.cmpi sge, %add3A_186, %ge3A_223 : i32
        %convert_element_type3A_225 = arith.extui %ge3A_224 : i1 to i32
        %cond3A_226 = arith.constant 0 : i32
        %cond3A_227 = arith.cmpi ne, %convert_element_type3A_225, %cond3A_226 : i32
        scf.if %cond3A_227 {
          %sub3A = arith.constant 2 : i32
          %sub3A_265 = arith.subi %add3A_186, %sub3A : i32
          %dma_wait3A_266 = arith.constant 0 : i32
          %dma_wait3A_267 = tpu.memref_slice %arg12[%sub3A_265, %dma_wait3A_266] : memref<8x80xi32, #tpu.memory_space<vmem>> -> memref<1x80xi32, #tpu.memory_space<vmem>>
          %dma_wait3A_268 = tpu.memref_squeeze %dma_wait3A_267 : memref<1x80xi32, #tpu.memory_space<vmem>> -> memref<80xi32, #tpu.memory_space<vmem>>
          %dma_wait3A_269 = arith.constant 0 : i32
          %dma_wait3A_270 = arith.constant 0 : i32
          %dma_wait3A_271 = tpu.memref_slice %arg8[%dma_wait3A_269, %dma_wait3A_270] : memref<10112x128xf32, #tpu.memory_space<vmem_shared>> -> memref<10112x128xf32, #tpu.memory_space<vmem_shared>>
          tpu.wait_indirect_dma semaphore(%arg22 : memref<!tpu.dma_semaphore, #tpu.memory_space<semaphore_mem>>) src(%arg18 : memref<80x128xf32, #tpu.memory_space<vmem>>) dst(%dma_wait3A_271 : memref<10112x128xf32, #tpu.memory_space<vmem_shared>>)
        } else {
        }
        %ge3A_228 = arith.constant 2 : i32
        %ge3A_229 = arith.cmpi sge, %add3A_189, %ge3A_228 : i32
        %lt3A_230 = arith.constant 2 : i32
        %lt3A_231 = arith.cmpi slt, %add3A_186, %lt3A_230 : i32
        %and3A_232 = arith.andi %ge3A_229, %lt3A_231 : i1
        %convert_element_type3A_233 = arith.extui %and3A_232 : i1 to i32
        %cond3A_234 = arith.constant 0 : i32
        %cond3A_235 = arith.cmpi ne, %convert_element_type3A_233, %cond3A_234 : i32
        scf.if %cond3A_235 {
          %add3A_265 = arith.constant 8 : i32
          %add3A_266 = arith.addi %add3A_265, %add3A_186 : i32
          %sub3A = arith.constant 2 : i32
          %sub3A_267 = arith.subi %add3A_266, %sub3A : i32
          %dma_wait3A_268 = arith.constant 0 : i32
          %dma_wait3A_269 = tpu.memref_slice %arg11[%sub3A_267, %dma_wait3A_268] : memref<8x80xi32, #tpu.memory_space<vmem>> -> memref<1x80xi32, #tpu.memory_space<vmem>>
          %dma_wait3A_270 = tpu.memref_squeeze %dma_wait3A_269 : memref<1x80xi32, #tpu.memory_space<vmem>> -> memref<80xi32, #tpu.memory_space<vmem>>
          %dma_wait3A_271 = arith.constant 0 : i32
          %dma_wait3A_272 = arith.constant 0 : i32
          %dma_wait3A_273 = tpu.memref_slice %arg8[%dma_wait3A_271, %dma_wait3A_272] : memref<10112x128xf32, #tpu.memory_space<vmem_shared>> -> memref<10112x128xf32, #tpu.memory_space<vmem_shared>>
          tpu.wait_indirect_dma semaphore(%arg22 : memref<!tpu.dma_semaphore, #tpu.memory_space<semaphore_mem>>) src(%arg18 : memref<80x128xf32, #tpu.memory_space<vmem>>) dst(%dma_wait3A_273 : memref<10112x128xf32, #tpu.memory_space<vmem_shared>>)
        } else {
        }
        %parallel_loop3A_236 = arith.constant 0 : i32
        %parallel_loop3A_237 = arith.constant 80 : i32
        %parallel_loop3A_238 = arith.constant 1 : i32
        scf.for %parallel_loop3A_265 = %parallel_loop3A_236 to %parallel_loop3A_237 step %parallel_loop3A_238  : i32 {
          %parallel_loop3A_266 = arith.constant 16 : i32
          %parallel_loop3A_267 = arith.muli %parallel_loop3A_265, %parallel_loop3A_266 : i32
          %parallel_loop3A_268 = arith.index_cast %parallel_loop3A_267 : i32 to index
          %parallel_loop3A_269 = tpu.vector_load %arg14[%parallel_loop3A_268] {strides = array<i32>} : memref<1280xf32, #tpu.memory_space<vmem>>, vector<16xf32>,
          %parallel_loop3A_270 = vector.shape_cast %parallel_loop3A_269 : vector<16xf32> to vector<16xf32>
          %parallel_loop3A_271 = arith.index_cast %parallel_loop3A_265 : i32 to index
          %parallel_loop3A_272 = arith.constant 0 : index
          %parallel_loop3A_273 = tpu.vector_load %arg16[%parallel_loop3A_271, %parallel_loop3A_272] {strides = array<i32>} : memref<80x128xf32, #tpu.memory_space<vmem>>, vector<1x16xf32>,
          %parallel_loop3A_274 = vector.shape_cast %parallel_loop3A_273 : vector<1x16xf32> to vector<16xf32>
          %parallel_loop3A_275 = arith.mulf %parallel_loop3A_274, %parallel_loop3A_270 : vector<16xf32>
          %parallel_loop3A_276 = arith.index_cast %parallel_loop3A_265 : i32 to index
          %parallel_loop3A_277 = arith.constant 0 : index
          %parallel_loop3A_278 = tpu.vector_load %arg18[%parallel_loop3A_276, %parallel_loop3A_277] {strides = array<i32>} : memref<80x128xf32, #tpu.memory_space<vmem>>, vector<1x16xf32>,
          %parallel_loop3A_279 = vector.shape_cast %parallel_loop3A_278 : vector<1x16xf32> to vector<16xf32>
          %parallel_loop3A_280 = vector.shape_cast %parallel_loop3A_275 : vector<16xf32> to vector<1x16xf32>
          tpu.vector_store %arg18[%parallel_loop3A_276, %parallel_loop3A_277], %parallel_loop3A_280 {strides = array<i32>} : memref<80x128xf32, #tpu.memory_space<vmem>>, vector<1x16xf32>,
          %parallel_loop3A_281 = arith.index_cast %parallel_loop3A_265 : i32 to index
          %parallel_loop3A_282 = arith.constant 16 : index
          %parallel_loop3A_283 = tpu.vector_load %arg16[%parallel_loop3A_281, %parallel_loop3A_282] {strides = array<i32>} : memref<80x128xf32, #tpu.memory_space<vmem>>, vector<1x16xf32>,
          %parallel_loop3A_284 = vector.shape_cast %parallel_loop3A_283 : vector<1x16xf32> to vector<16xf32>
          %parallel_loop3A_285 = arith.mulf %parallel_loop3A_284, %parallel_loop3A_270 : vector<16xf32>
          %parallel_loop3A_286 = arith.index_cast %parallel_loop3A_265 : i32 to index
          %parallel_loop3A_287 = arith.constant 16 : index
          %parallel_loop3A_288 = tpu.vector_load %arg18[%parallel_loop3A_286, %parallel_loop3A_287] {strides = array<i32>} : memref<80x128xf32, #tpu.memory_space<vmem>>, vector<1x16xf32>,
          %parallel_loop3A_289 = vector.shape_cast %parallel_loop3A_288 : vector<1x16xf32> to vector<16xf32>
          %parallel_loop3A_290 = vector.shape_cast %parallel_loop3A_285 : vector<16xf32> to vector<1x16xf32>
          tpu.vector_store %arg18[%parallel_loop3A_286, %parallel_loop3A_287], %parallel_loop3A_290 {strides = array<i32>} : memref<80x128xf32, #tpu.memory_space<vmem>>, vector<1x16xf32>,
          %parallel_loop3A_291 = arith.index_cast %parallel_loop3A_265 : i32 to index
          %parallel_loop3A_292 = arith.constant 32 : index
          %parallel_loop3A_293 = tpu.vector_load %arg16[%parallel_loop3A_291, %parallel_loop3A_292] {strides = array<i32>} : memref<80x128xf32, #tpu.memory_space<vmem>>, vector<1x16xf32>,
          %parallel_loop3A_294 = vector.shape_cast %parallel_loop3A_293 : vector<1x16xf32> to vector<16xf32>
          %parallel_loop3A_295 = arith.mulf %parallel_loop3A_294, %parallel_loop3A_270 : vector<16xf32>
          %parallel_loop3A_296 = arith.index_cast %parallel_loop3A_265 : i32 to index
          %parallel_loop3A_297 = arith.constant 32 : index
          %parallel_loop3A_298 = tpu.vector_load %arg18[%parallel_loop3A_296, %parallel_loop3A_297] {strides = array<i32>} : memref<80x128xf32, #tpu.memory_space<vmem>>, vector<1x16xf32>,
          %parallel_loop3A_299 = vector.shape_cast %parallel_loop3A_298 : vector<1x16xf32> to vector<16xf32>
          %parallel_loop3A_300 = vector.shape_cast %parallel_loop3A_295 : vector<16xf32> to vector<1x16xf32>
          tpu.vector_store %arg18[%parallel_loop3A_296, %parallel_loop3A_297], %parallel_loop3A_300 {strides = array<i32>} : memref<80x128xf32, #tpu.memory_space<vmem>>, vector<1x16xf32>,
          %parallel_loop3A_301 = arith.index_cast %parallel_loop3A_265 : i32 to index
          %parallel_loop3A_302 = arith.constant 48 : index
          %parallel_loop3A_303 = tpu.vector_load %arg16[%parallel_loop3A_301, %parallel_loop3A_302] {strides = array<i32>} : memref<80x128xf32, #tpu.memory_space<vmem>>, vector<1x16xf32>,
          %parallel_loop3A_304 = vector.shape_cast %parallel_loop3A_303 : vector<1x16xf32> to vector<16xf32>
          %parallel_loop3A_305 = arith.mulf %parallel_loop3A_304, %parallel_loop3A_270 : vector<16xf32>
          %parallel_loop3A_306 = arith.index_cast %parallel_loop3A_265 : i32 to index
          %parallel_loop3A_307 = arith.constant 48 : index
          %parallel_loop3A_308 = tpu.vector_load %arg18[%parallel_loop3A_306, %parallel_loop3A_307] {strides = array<i32>} : memref<80x128xf32, #tpu.memory_space<vmem>>, vector<1x16xf32>,
          %parallel_loop3A_309 = vector.shape_cast %parallel_loop3A_308 : vector<1x16xf32> to vector<16xf32>
          %parallel_loop3A_310 = vector.shape_cast %parallel_loop3A_305 : vector<16xf32> to vector<1x16xf32>
          tpu.vector_store %arg18[%parallel_loop3A_306, %parallel_loop3A_307], %parallel_loop3A_310 {strides = array<i32>} : memref<80x128xf32, #tpu.memory_space<vmem>>, vector<1x16xf32>,
          %parallel_loop3A_311 = arith.index_cast %parallel_loop3A_265 : i32 to index
          %parallel_loop3A_312 = arith.constant 64 : index
          %parallel_loop3A_313 = tpu.vector_load %arg16[%parallel_loop3A_311, %parallel_loop3A_312] {strides = array<i32>} : memref<80x128xf32, #tpu.memory_space<vmem>>, vector<1x16xf32>,
          %parallel_loop3A_314 = vector.shape_cast %parallel_loop3A_313 : vector<1x16xf32> to vector<16xf32>
          %parallel_loop3A_315 = arith.mulf %parallel_loop3A_314, %parallel_loop3A_270 : vector<16xf32>
          %parallel_loop3A_316 = arith.index_cast %parallel_loop3A_265 : i32 to index
          %parallel_loop3A_317 = arith.constant 64 : index
          %parallel_loop3A_318 = tpu.vector_load %arg18[%parallel_loop3A_316, %parallel_loop3A_317] {strides = array<i32>} : memref<80x128xf32, #tpu.memory_space<vmem>>, vector<1x16xf32>,
          %parallel_loop3A_319 = vector.shape_cast %parallel_loop3A_318 : vector<1x16xf32> to vector<16xf32>
          %parallel_loop3A_320 = vector.shape_cast %parallel_loop3A_315 : vector<16xf32> to vector<1x16xf32>
          tpu.vector_store %arg18[%parallel_loop3A_316, %parallel_loop3A_317], %parallel_loop3A_320 {strides = array<i32>} : memref<80x128xf32, #tpu.memory_space<vmem>>, vector<1x16xf32>,
          %parallel_loop3A_321 = arith.index_cast %parallel_loop3A_265 : i32 to index
          %parallel_loop3A_322 = arith.constant 80 : index
          %parallel_loop3A_323 = tpu.vector_load %arg16[%parallel_loop3A_321, %parallel_loop3A_322] {strides = array<i32>} : memref<80x128xf32, #tpu.memory_space<vmem>>, vector<1x16xf32>,
          %parallel_loop3A_324 = vector.shape_cast %parallel_loop3A_323 : vector<1x16xf32> to vector<16xf32>
          %parallel_loop3A_325 = arith.mulf %parallel_loop3A_324, %parallel_loop3A_270 : vector<16xf32>
          %parallel_loop3A_326 = arith.index_cast %parallel_loop3A_265 : i32 to index
          %parallel_loop3A_327 = arith.constant 80 : index
          %parallel_loop3A_328 = tpu.vector_load %arg18[%parallel_loop3A_326, %parallel_loop3A_327] {strides = array<i32>} : memref<80x128xf32, #tpu.memory_space<vmem>>, vector<1x16xf32>,
          %parallel_loop3A_329 = vector.shape_cast %parallel_loop3A_328 : vector<1x16xf32> to vector<16xf32>
          %parallel_loop3A_330 = vector.shape_cast %parallel_loop3A_325 : vector<16xf32> to vector<1x16xf32>
          tpu.vector_store %arg18[%parallel_loop3A_326, %parallel_loop3A_327], %parallel_loop3A_330 {strides = array<i32>} : memref<80x128xf32, #tpu.memory_space<vmem>>, vector<1x16xf32>,
          %parallel_loop3A_331 = arith.index_cast %parallel_loop3A_265 : i32 to index
          %parallel_loop3A_332 = arith.constant 96 : index
          %parallel_loop3A_333 = tpu.vector_load %arg16[%parallel_loop3A_331, %parallel_loop3A_332] {strides = array<i32>} : memref<80x128xf32, #tpu.memory_space<vmem>>, vector<1x16xf32>,
          %parallel_loop3A_334 = vector.shape_cast %parallel_loop3A_333 : vector<1x16xf32> to vector<16xf32>
          %parallel_loop3A_335 = arith.mulf %parallel_loop3A_334, %parallel_loop3A_270 : vector<16xf32>
          %parallel_loop3A_336 = arith.index_cast %parallel_loop3A_265 : i32 to index
          %parallel_loop3A_337 = arith.constant 96 : index
          %parallel_loop3A_338 = tpu.vector_load %arg18[%parallel_loop3A_336, %parallel_loop3A_337] {strides = array<i32>} : memref<80x128xf32, #tpu.memory_space<vmem>>, vector<1x16xf32>,
          %parallel_loop3A_339 = vector.shape_cast %parallel_loop3A_338 : vector<1x16xf32> to vector<16xf32>
          %parallel_loop3A_340 = vector.shape_cast %parallel_loop3A_335 : vector<16xf32> to vector<1x16xf32>
          tpu.vector_store %arg18[%parallel_loop3A_336, %parallel_loop3A_337], %parallel_loop3A_340 {strides = array<i32>} : memref<80x128xf32, #tpu.memory_space<vmem>>, vector<1x16xf32>,
          %parallel_loop3A_341 = arith.index_cast %parallel_loop3A_265 : i32 to index
          %parallel_loop3A_342 = arith.constant 112 : index
          %parallel_loop3A_343 = tpu.vector_load %arg16[%parallel_loop3A_341, %parallel_loop3A_342] {strides = array<i32>} : memref<80x128xf32, #tpu.memory_space<vmem>>, vector<1x16xf32>,
          %parallel_loop3A_344 = vector.shape_cast %parallel_loop3A_343 : vector<1x16xf32> to vector<16xf32>
          %parallel_loop3A_345 = arith.mulf %parallel_loop3A_344, %parallel_loop3A_270 : vector<16xf32>
          %parallel_loop3A_346 = arith.index_cast %parallel_loop3A_265 : i32 to index
          %parallel_loop3A_347 = arith.constant 112 : index
          %parallel_loop3A_348 = tpu.vector_load %arg18[%parallel_loop3A_346, %parallel_loop3A_347] {strides = array<i32>} : memref<80x128xf32, #tpu.memory_space<vmem>>, vector<1x16xf32>,
          %parallel_loop3A_349 = vector.shape_cast %parallel_loop3A_348 : vector<1x16xf32> to vector<16xf32>
          %parallel_loop3A_350 = vector.shape_cast %parallel_loop3A_345 : vector<16xf32> to vector<1x16xf32>
          tpu.vector_store %arg18[%parallel_loop3A_346, %parallel_loop3A_347], %parallel_loop3A_350 {strides = array<i32>} : memref<80x128xf32, #tpu.memory_space<vmem>>, vector<1x16xf32>,
        } {sc.loop_unroll_factor = 2 : i64, sc.parallel_access}
        %dma_start3A_239 = arith.constant 0 : i32
        %dma_start3A_240 = tpu.memref_slice %arg12[%add3A_186, %dma_start3A_239] : memref<8x80xi32, #tpu.memory_space<vmem>> -> memref<1x80xi32, #tpu.memory_space<vmem>>
        %dma_start3A_241 = tpu.memref_squeeze %dma_start3A_240 : memref<1x80xi32, #tpu.memory_space<vmem>> -> memref<80xi32, #tpu.memory_space<vmem>>
        %dma_start3A_242 = arith.constant 0 : i32
        %dma_start3A_243 = arith.constant 0 : i32
        %dma_start3A_244 = tpu.memref_slice %arg8[%dma_start3A_242, %dma_start3A_243] : memref<10112x128xf32, #tpu.memory_space<vmem_shared>> -> memref<10112x128xf32, #tpu.memory_space<vmem_shared>>
        tpu.enqueue_indirect_dma source(%arg18 : memref<80x128xf32, #tpu.memory_space<vmem>>) target(%dma_start3A_244 : memref<10112x128xf32, #tpu.memory_space<vmem_shared>>) offsets(%dma_start3A_241 : memref<80xi32, #tpu.memory_space<vmem>>) semaphore(%arg22 : memref<!tpu.dma_semaphore, #tpu.memory_space<semaphore_mem>>) {add = true}
        %add3A_245 = arith.constant 2 : i32
        %add3A_246 = arith.addi %add3A_189, %add3A_245 : i32
        %lt3A_247 = arith.constant 128 : i32
        %lt3A_248 = arith.cmpi slt, %add3A_246, %lt3A_247 : i32
        %lt3A_249 = arith.constant 6 : i32
        %lt3A_250 = arith.cmpi slt, %add3A_186, %lt3A_249 : i32
        %and3A_251 = arith.andi %lt3A_248, %lt3A_250 : i1
        %convert_element_type3A_252 = arith.extui %and3A_251 : i1 to i32
        %cond3A_253 = arith.constant 0 : i32
        %cond3A_254 = arith.cmpi ne, %convert_element_type3A_252, %cond3A_253 : i32
        scf.if %cond3A_254 {
          %add3A_265 = arith.constant 2 : i32
          %add3A_266 = arith.addi %add3A_186, %add3A_265 : i32
          %add3A_267 = arith.constant 2 : i32
          %add3A_268 = arith.addi %add3A_189, %add3A_267 : i32
          %dma_start3A_269 = arith.constant 0 : i32
          %dma_start3A_270 = tpu.memref_slice %arg10[%add3A_266, %dma_start3A_269] : memref<8x80xi32, #tpu.memory_space<vmem>> -> memref<1x80xi32, #tpu.memory_space<vmem>>
          %dma_start3A_271 = tpu.memref_squeeze %dma_start3A_270 : memref<1x80xi32, #tpu.memory_space<vmem>> -> memref<80xi32, #tpu.memory_space<vmem>>
          %dma_start3A_272 = arith.constant 0 : i32
          %dma_start3A_273 = arith.constant 0 : i32
          %dma_start3A_274 = tpu.memref_slice %arg2[%dma_start3A_272, %dma_start3A_273] : memref<20000x128xf32, #tpu.memory_space<hbm>> -> memref<20000x128xf32, #tpu.memory_space<hbm>>
          tpu.enqueue_indirect_dma source(%dma_start3A_274 : memref<20000x128xf32, #tpu.memory_space<hbm>>) target(%arg16 : memref<80x128xf32, #tpu.memory_space<vmem>>) offsets(%dma_start3A_271 : memref<80xi32, #tpu.memory_space<vmem>>) semaphore(%arg20 : memref<!tpu.dma_semaphore, #tpu.memory_space<semaphore_mem>>)
          %add3A_275 = arith.addi %mul3A_2, %add3A_268 : i32
          %dma_start3A_276 = arith.constant 0 : i32
          %dma_start3A_277 = tpu.memref_slice %arg5[%add3A_275, %dma_start3A_276] : memref<2048x1280xf32, #tpu.memory_space<hbm>> -> memref<1x1280xf32, #tpu.memory_space<hbm>>
          %dma_start3A_278 = tpu.memref_squeeze %dma_start3A_277 : memref<1x1280xf32, #tpu.memory_space<hbm>> -> memref<1280xf32, #tpu.memory_space<hbm>>
          %dma_start3A_279 = arith.constant 0 : i32
          %dma_start3A_280 = tpu.memref_slice %arg5[%add3A_275, %dma_start3A_279] : memref<2048x1280xf32, #tpu.memory_space<hbm>> -> memref<1x1280xf32, #tpu.memory_space<hbm>>
          %dma_start3A_281 = tpu.memref_squeeze %dma_start3A_280 : memref<1x1280xf32, #tpu.memory_space<hbm>> -> memref<1280xf32, #tpu.memory_space<hbm>>
          tpu.enqueue_dma source(%dma_start3A_281 : memref<1280xf32, #tpu.memory_space<hbm>>) target(%arg14 : memref<1280xf32, #tpu.memory_space<vmem>>) target_semaphore(%arg26 : memref<!tpu.dma_semaphore, #tpu.memory_space<semaphore_mem>>)
        } else {
        }
        %add3A_255 = arith.constant 2 : i32
        %add3A_256 = arith.addi %add3A_189, %add3A_255 : i32
        %lt3A_257 = arith.constant 128 : i32
        %lt3A_258 = arith.cmpi slt, %add3A_256, %lt3A_257 : i32
        %ge3A_259 = arith.constant 6 : i32
        %ge3A_260 = arith.cmpi sge, %add3A_186, %ge3A_259 : i32
        %and3A_261 = arith.andi %lt3A_258, %ge3A_260 : i1
        %convert_element_type3A_262 = arith.extui %and3A_261 : i1 to i32
        %cond3A_263 = arith.constant 0 : i32
        %cond3A_264 = arith.cmpi ne, %convert_element_type3A_262, %cond3A_263 : i32
        scf.if %cond3A_264 {
          %sub3A = arith.constant 6 : i32
          %sub3A_265 = arith.subi %add3A_186, %sub3A : i32
          %add3A_266 = arith.constant 2 : i32
          %add3A_267 = arith.addi %add3A_189, %add3A_266 : i32
          %dma_start3A_268 = arith.constant 0 : i32
          %dma_start3A_269 = tpu.memref_slice %arg9[%sub3A_265, %dma_start3A_268] : memref<8x80xi32, #tpu.memory_space<vmem>> -> memref<1x80xi32, #tpu.memory_space<vmem>>
          %dma_start3A_270 = tpu.memref_squeeze %dma_start3A_269 : memref<1x80xi32, #tpu.memory_space<vmem>> -> memref<80xi32, #tpu.memory_space<vmem>>
          %dma_start3A_271 = arith.constant 0 : i32
          %dma_start3A_272 = arith.constant 0 : i32
          %dma_start3A_273 = tpu.memref_slice %arg2[%dma_start3A_271, %dma_start3A_272] : memref<20000x128xf32, #tpu.memory_space<hbm>> -> memref<20000x128xf32, #tpu.memory_space<hbm>>
          tpu.enqueue_indirect_dma source(%dma_start3A_273 : memref<20000x128xf32, #tpu.memory_space<hbm>>) target(%arg16 : memref<80x128xf32, #tpu.memory_space<vmem>>) offsets(%dma_start3A_270 : memref<80xi32, #tpu.memory_space<vmem>>) semaphore(%arg20 : memref<!tpu.dma_semaphore, #tpu.memory_space<semaphore_mem>>)
          %add3A_274 = arith.addi %mul3A_2, %add3A_267 : i32
          %dma_start3A_275 = arith.constant 0 : i32
          %dma_start3A_276 = tpu.memref_slice %arg5[%add3A_274, %dma_start3A_275] : memref<2048x1280xf32, #tpu.memory_space<hbm>> -> memref<1x1280xf32, #tpu.memory_space<hbm>>
          %dma_start3A_277 = tpu.memref_squeeze %dma_start3A_276 : memref<1x1280xf32, #tpu.memory_space<hbm>> -> memref<1280xf32, #tpu.memory_space<hbm>>
          %dma_start3A_278 = arith.constant 0 : i32
          %dma_start3A_279 = tpu.memref_slice %arg5[%add3A_274, %dma_start3A_278] : memref<2048x1280xf32, #tpu.memory_space<hbm>> -> memref<1x1280xf32, #tpu.memory_space<hbm>>
          %dma_start3A_280 = tpu.memref_squeeze %dma_start3A_279 : memref<1x1280xf32, #tpu.memory_space<hbm>> -> memref<1280xf32, #tpu.memory_space<hbm>>
          tpu.enqueue_dma source(%dma_start3A_280 : memref<1280xf32, #tpu.memory_space<hbm>>) target(%arg14 : memref<1280xf32, #tpu.memory_space<vmem>>) target_semaphore(%arg26 : memref<!tpu.dma_semaphore, #tpu.memory_space<semaphore_mem>>)
        } else {
        }
      }
      %scan3A_102 = arith.constant 4 : i32
    }
    %scan3A_60 = arith.constant 8 : i32
    %dma_wait3A_61 = arith.constant 6 : i32
    %dma_wait3A_62 = arith.constant 0 : i32
    %dma_wait3A_63 = tpu.memref_slice %arg12[%dma_wait3A_61, %dma_wait3A_62] : memref<8x80xi32, #tpu.memory_space<vmem>> -> memref<1x80xi32, #tpu.memory_space<vmem>>
    %dma_wait3A_64 = tpu.memref_squeeze %dma_wait3A_63 : memref<1x80xi32, #tpu.memory_space<vmem>> -> memref<80xi32, #tpu.memory_space<vmem>>
    %dma_wait3A_65 = arith.constant 0 : i32
    %dma_wait3A_66 = arith.constant 0 : i32
    %dma_wait3A_67 = tpu.memref_slice %arg8[%dma_wait3A_65, %dma_wait3A_66] : memref<10112x128xf32, #tpu.memory_space<vmem_shared>> -> memref<10112x128xf32, #tpu.memory_space<vmem_shared>>
    tpu.wait_indirect_dma semaphore(%arg21 : memref<!tpu.dma_semaphore, #tpu.memory_space<semaphore_mem>>) src(%arg17 : memref<80x128xf32, #tpu.memory_space<vmem>>) dst(%dma_wait3A_67 : memref<10112x128xf32, #tpu.memory_space<vmem_shared>>)
    %dma_wait3A_68 = arith.constant 7 : i32
    %dma_wait3A_69 = arith.constant 0 : i32
    %dma_wait3A_70 = tpu.memref_slice %arg12[%dma_wait3A_68, %dma_wait3A_69] : memref<8x80xi32, #tpu.memory_space<vmem>> -> memref<1x80xi32, #tpu.memory_space<vmem>>
    %dma_wait3A_71 = tpu.memref_squeeze %dma_wait3A_70 : memref<1x80xi32, #tpu.memory_space<vmem>> -> memref<80xi32, #tpu.memory_space<vmem>>
    %dma_wait3A_72 = arith.constant 0 : i32
    %dma_wait3A_73 = arith.constant 0 : i32
    %dma_wait3A_74 = tpu.memref_slice %arg8[%dma_wait3A_72, %dma_wait3A_73] : memref<10112x128xf32, #tpu.memory_space<vmem_shared>> -> memref<10112x128xf32, #tpu.memory_space<vmem_shared>>
    tpu.wait_indirect_dma semaphore(%arg22 : memref<!tpu.dma_semaphore, #tpu.memory_space<semaphore_mem>>) src(%arg18 : memref<80x128xf32, #tpu.memory_space<vmem>>) dst(%dma_wait3A_74 : memref<10112x128xf32, #tpu.memory_space<vmem_shared>>)
    %barrier3A_75 = arith.constant 0 : index
    tpu.barrier barrier_id(%barrier3A_75)
    %mul3A_76 = arith.constant 632 : i32
    %mul3A_77 = arith.muli %arg1, %mul3A_76 : i32
    %mul3A_78 = arith.constant 632 : i32
    %mul3A_79 = arith.muli %arg1, %mul3A_78 : i32
    "tpu.region"() ({
      %run_scoped3A = tpu.sem_alloc : memref<!tpu.dma_semaphore, #tpu.memory_space<semaphore_mem>>
      %dma_start3A_80 = arith.constant 0 : i32
      %dma_start3A_81 = tpu.memref_slice %arg7[%arg0, %mul3A_79, %dma_start3A_80] : memref<2x10112x128xf32, #tpu.memory_space<hbm>> -> memref<1x632x128xf32, #tpu.memory_space<hbm>>
      %dma_start3A_82 = tpu.memref_squeeze %dma_start3A_81 : memref<1x632x128xf32, #tpu.memory_space<hbm>> -> memref<632x128xf32, #tpu.memory_space<hbm>>
      %dma_start3A_83 = arith.constant 0 : i32
      %dma_start3A_84 = tpu.memref_slice %arg8[%mul3A_77, %dma_start3A_83] : memref<10112x128xf32, #tpu.memory_space<vmem_shared>> -> memref<632x128xf32, #tpu.memory_space<vmem_shared>>
      tpu.enqueue_dma source(%dma_start3A_84 : memref<632x128xf32, #tpu.memory_space<vmem_shared>>) target(%dma_start3A_82 : memref<632x128xf32, #tpu.memory_space<hbm>>) target_semaphore(%run_scoped3A : memref<!tpu.dma_semaphore, #tpu.memory_space<semaphore_mem>>)
      %dma_wait3A_85 = arith.constant 0 : i32
      %dma_wait3A_86 = tpu.memref_slice %arg7[%arg0, %mul3A_79, %dma_wait3A_85] : memref<2x10112x128xf32, #tpu.memory_space<hbm>> -> memref<1x632x128xf32, #tpu.memory_space<hbm>>
      %dma_wait3A_87 = tpu.memref_squeeze %dma_wait3A_86 : memref<1x632x128xf32, #tpu.memory_space<hbm>> -> memref<632x128xf32, #tpu.memory_space<hbm>>
      %dma_wait3A_88 = arith.constant 0 : i32
      %dma_wait3A_89 = tpu.memref_slice %arg8[%mul3A_77, %dma_wait3A_88] : memref<10112x128xf32, #tpu.memory_space<vmem_shared>> -> memref<632x128xf32, #tpu.memory_space<vmem_shared>>
      tpu.wait_dma2 semaphore(%run_scoped3A : memref<!tpu.dma_semaphore, #tpu.memory_space<semaphore_mem>>) src(%dma_wait3A_89 : memref<632x128xf32, #tpu.memory_space<vmem_shared>>) dst(%dma_wait3A_87 : memref<632x128xf32, #tpu.memory_space<hbm>>)
      tpu.yield
    }) : () -> ()
    return
  }
}

module attributes {stable_mosaic.version = 14 : i64} {
  func.func @_nf_body(%arg0: i32, %arg1: i32, %arg2: memref<1000x256xf32, #tpu.memory_space<vmem>>, %arg3: memref<128x256xf32, #tpu.memory_space<vmem>>, %arg4: memref<1x128xf32, #tpu.memory_space<vmem>>, %arg5: memref<1000x128xf32, #tpu.memory_space<vmem>>) attributes {dimension_semantics = [#tpu.dimension_semantics<arbitrary>, #tpu.dimension_semantics<arbitrary>], iteration_bounds = array<i64: 2, 10>, scalar_prefetch = 0 : i64, scratch_operands = 0 : i64, tpu.core_type = #tpu.core_type<tc>, window_params = [{transform_indices = @transform_0, window_bounds = array<i64: 1000, 256>}, {transform_indices = @transform_1, window_bounds = array<i64: 128, 256>}, {transform_indices = @transform_2, window_bounds = array<i64: 1, 128>}, {transform_indices = @transform_3, window_bounds = array<i64: 1000, 128>}]} {
    %get3A = arith.constant 0 : index
    %get3A_0 = arith.constant 0 : index
    %get3A_1 = vector.load %arg2[%get3A, %get3A_0] : memref<1000x256xf32, #tpu.memory_space<vmem>>, vector<1000x256xf32>
    %get3A_2 = arith.constant 0 : index
    %get3A_3 = arith.constant 0 : index
    %get3A_4 = vector.load %arg3[%get3A_2, %get3A_3] : memref<128x256xf32, #tpu.memory_space<vmem>>, vector<128x256xf32>
    %convert_element_type3A = arith.truncf %get3A_1 : vector<1000x256xf32> to vector<1000x256xbf16>
    %convert_element_type3A_5 = arith.extf %convert_element_type3A : vector<1000x256xbf16> to vector<1000x256xf32>
    %sub3A = arith.subf %get3A_1, %convert_element_type3A_5 : vector<1000x256xf32>
    %convert_element_type3A_6 = arith.truncf %sub3A : vector<1000x256xf32> to vector<1000x256xbf16>
    %convert_element_type3A_7 = arith.truncf %get3A_4 : vector<128x256xf32> to vector<128x256xbf16>
    %convert_element_type3A_8 = arith.extf %convert_element_type3A_7 : vector<128x256xbf16> to vector<128x256xf32>
    %sub3A_9 = arith.subf %get3A_4, %convert_element_type3A_8 : vector<128x256xf32>
    %convert_element_type3A_10 = arith.truncf %sub3A_9 : vector<128x256xf32> to vector<128x256xbf16>
    %dot_general3A = arith.constant dense<0.000000e+00> : vector<1000x128xf32>
    %dot_general3A_11 = tpu.matmul %convert_element_type3A, %convert_element_type3A_7, %dot_general3A {dimension_numbers = #tpu.dot_dimension_numbers<[1], [1], [0], [0], [0, 0, 1, 0], [], []>, transpose_lhs_hint = false} : vector<1000x256xbf16>, vector<128x256xbf16>, vector<1000x128xf32> -> vector<1000x128xf32>
    %dot_general3A_12 = arith.constant dense<0.000000e+00> : vector<1000x128xf32>
    %dot_general3A_13 = tpu.matmul %convert_element_type3A_6, %convert_element_type3A_7, %dot_general3A_12 {dimension_numbers = #tpu.dot_dimension_numbers<[1], [1], [0], [0], [0, 0, 1, 0], [], []>, transpose_lhs_hint = false} : vector<1000x256xbf16>, vector<128x256xbf16>, vector<1000x128xf32> -> vector<1000x128xf32>
    %add3A = arith.addf %dot_general3A_11, %dot_general3A_13 : vector<1000x128xf32>
    %dot_general3A_14 = arith.constant dense<0.000000e+00> : vector<1000x128xf32>
    %dot_general3A_15 = tpu.matmul %convert_element_type3A, %convert_element_type3A_10, %dot_general3A_14 {dimension_numbers = #tpu.dot_dimension_numbers<[1], [1], [0], [0], [0, 0, 1, 0], [], []>, transpose_lhs_hint = false} : vector<1000x256xbf16>, vector<128x256xbf16>, vector<1000x128xf32> -> vector<1000x128xf32>
    %add3A_16 = arith.addf %add3A, %dot_general3A_15 : vector<1000x128xf32>
    %get3A_17 = arith.constant 0 : index
    %get3A_18 = arith.constant 0 : index
    %get3A_19 = vector.load %arg4[%get3A_17, %get3A_18] : memref<1x128xf32, #tpu.memory_space<vmem>>, vector<1x128xf32>
    %add3A_20 = vector.broadcast %get3A_19 : vector<1x128xf32> to vector<1000x128xf32>
    %add3A_21 = arith.addf %add3A_16, %add3A_20 : vector<1000x128xf32>
    %swap3A = arith.constant 0 : index
    %swap3A_22 = arith.constant 0 : index
    %swap3A_23 = vector.load %arg5[%swap3A, %swap3A_22] : memref<1000x128xf32, #tpu.memory_space<vmem>>, vector<1000x128xf32>
    tpu.vector_store %arg5[%swap3A, %swap3A_22], %add3A_21 {strides = array<i32>} : memref<1000x128xf32, #tpu.memory_space<vmem>>, vector<1000x128xf32>,
    return
  }
  func.func @transform_0(%arg0: i32, %arg1: i32) -> (i32, i32) {
    %c0_i32 = arith.constant 0 : i32
    %c0_i32_0 = arith.constant 0 : i32
    return %arg1, %c0_i32 : i32, i32
  }
  func.func @transform_1(%arg0: i32, %arg1: i32) -> (i32, i32) {
    %c0_i32 = arith.constant 0 : i32
    %c0_i32_0 = arith.constant 0 : i32
    return %arg0, %c0_i32 : i32, i32
  }
  func.func @transform_2(%arg0: i32, %arg1: i32) -> (i32, i32) {
    %c0_i32 = arith.constant 0 : i32
    %c0_i32_0 = arith.constant 0 : i32
    return %c0_i32, %arg0 : i32, i32
  }
  func.func @transform_3(%arg0: i32, %arg1: i32) -> (i32, i32) {
    %mul3A = arith.constant 10 : i32
    %mul3A_0 = arith.muli %arg0, %mul3A : i32
    %add3A = arith.addi %mul3A_0, %arg1 : i32
    %c0_i32 = arith.constant 0 : i32
    %c0_i32_1 = arith.constant 0 : i32
    return %add3A, %c0_i32 : i32, i32
  }
}

module attributes {stable_mosaic.version = 14 : i64} {
  func.func @_t_body(%arg0: i32, %arg1: memref<1000x256xf32, #tpu.memory_space<vmem>>, %arg2: memref<256x256xf32, #tpu.memory_space<vmem>>, %arg3: memref<1x256xf32, #tpu.memory_space<vmem>>, %arg4: memref<256x256xf32, #tpu.memory_space<vmem>>, %arg5: memref<1000x256xf32, #tpu.memory_space<vmem>>) attributes {dimension_semantics = [#tpu.dimension_semantics<arbitrary>], iteration_bounds = array<i64: 10>, scalar_prefetch = 0 : i64, scratch_operands = 0 : i64, tpu.core_type = #tpu.core_type<tc>, window_params = [{transform_indices = @transform_0, window_bounds = array<i64: 1000, 256>}, {pipeline_mode = #tpu.pipeline_mode<synchronous>, transform_indices = @transform_1, window_bounds = array<i64: 256, 256>}, {pipeline_mode = #tpu.pipeline_mode<synchronous>, transform_indices = @transform_2, window_bounds = array<i64: 1, 256>}, {pipeline_mode = #tpu.pipeline_mode<synchronous>, transform_indices = @transform_3, window_bounds = array<i64: 256, 256>}, {transform_indices = @transform_4, window_bounds = array<i64: 1000, 256>}]} {
    %get3A = arith.constant 0 : index
    %get3A_0 = arith.constant 0 : index
    %get3A_1 = vector.load %arg1[%get3A, %get3A_0] : memref<1000x256xf32, #tpu.memory_space<vmem>>, vector<1000x256xf32>
    %get3A_2 = arith.constant 0 : index
    %get3A_3 = arith.constant 0 : index
    %get3A_4 = vector.load %arg2[%get3A_2, %get3A_3] : memref<256x256xf32, #tpu.memory_space<vmem>>, vector<256x256xf32>
    %convert_element_type3A = arith.truncf %get3A_1 : vector<1000x256xf32> to vector<1000x256xbf16>
    %convert_element_type3A_5 = arith.extf %convert_element_type3A : vector<1000x256xbf16> to vector<1000x256xf32>
    %sub3A = arith.subf %get3A_1, %convert_element_type3A_5 : vector<1000x256xf32>
    %convert_element_type3A_6 = arith.truncf %sub3A : vector<1000x256xf32> to vector<1000x256xbf16>
    %convert_element_type3A_7 = arith.truncf %get3A_4 : vector<256x256xf32> to vector<256x256xbf16>
    %convert_element_type3A_8 = arith.extf %convert_element_type3A_7 : vector<256x256xbf16> to vector<256x256xf32>
    %sub3A_9 = arith.subf %get3A_4, %convert_element_type3A_8 : vector<256x256xf32>
    %convert_element_type3A_10 = arith.truncf %sub3A_9 : vector<256x256xf32> to vector<256x256xbf16>
    %dot_general3A = arith.constant dense<0.000000e+00> : vector<1000x256xf32>
    %dot_general3A_11 = tpu.matmul %convert_element_type3A, %convert_element_type3A_7, %dot_general3A {dimension_numbers = #tpu.dot_dimension_numbers<[1], [1], [0], [0], [0, 0, 1, 0], [], []>, transpose_lhs_hint = false} : vector<1000x256xbf16>, vector<256x256xbf16>, vector<1000x256xf32> -> vector<1000x256xf32>
    %dot_general3A_12 = arith.constant dense<0.000000e+00> : vector<1000x256xf32>
    %dot_general3A_13 = tpu.matmul %convert_element_type3A_6, %convert_element_type3A_7, %dot_general3A_12 {dimension_numbers = #tpu.dot_dimension_numbers<[1], [1], [0], [0], [0, 0, 1, 0], [], []>, transpose_lhs_hint = false} : vector<1000x256xbf16>, vector<256x256xbf16>, vector<1000x256xf32> -> vector<1000x256xf32>
    %add3A = arith.addf %dot_general3A_11, %dot_general3A_13 : vector<1000x256xf32>
    %dot_general3A_14 = arith.constant dense<0.000000e+00> : vector<1000x256xf32>
    %dot_general3A_15 = tpu.matmul %convert_element_type3A, %convert_element_type3A_10, %dot_general3A_14 {dimension_numbers = #tpu.dot_dimension_numbers<[1], [1], [0], [0], [0, 0, 1, 0], [], []>, transpose_lhs_hint = false} : vector<1000x256xbf16>, vector<256x256xbf16>, vector<1000x256xf32> -> vector<1000x256xf32>
    %add3A_16 = arith.addf %add3A, %dot_general3A_15 : vector<1000x256xf32>
    %get3A_17 = arith.constant 0 : index
    %get3A_18 = arith.constant 0 : index
    %get3A_19 = vector.load %arg3[%get3A_17, %get3A_18] : memref<1x256xf32, #tpu.memory_space<vmem>>, vector<1x256xf32>
    %add3A_20 = vector.broadcast %get3A_19 : vector<1x256xf32> to vector<1000x256xf32>
    %add3A_21 = arith.addf %add3A_16, %add3A_20 : vector<1000x256xf32>
    %get3A_22 = arith.constant 0 : index
    %get3A_23 = arith.constant 0 : index
    %get3A_24 = vector.load %arg4[%get3A_22, %get3A_23] : memref<256x256xf32, #tpu.memory_space<vmem>>, vector<256x256xf32>
    %convert_element_type3A_25 = arith.truncf %add3A_21 : vector<1000x256xf32> to vector<1000x256xbf16>
    %convert_element_type3A_26 = arith.extf %convert_element_type3A_25 : vector<1000x256xbf16> to vector<1000x256xf32>
    %sub3A_27 = arith.subf %add3A_21, %convert_element_type3A_26 : vector<1000x256xf32>
    %convert_element_type3A_28 = arith.truncf %sub3A_27 : vector<1000x256xf32> to vector<1000x256xbf16>
    %convert_element_type3A_29 = arith.truncf %get3A_24 : vector<256x256xf32> to vector<256x256xbf16>
    %convert_element_type3A_30 = arith.extf %convert_element_type3A_29 : vector<256x256xbf16> to vector<256x256xf32>
    %sub3A_31 = arith.subf %get3A_24, %convert_element_type3A_30 : vector<256x256xf32>
    %convert_element_type3A_32 = arith.truncf %sub3A_31 : vector<256x256xf32> to vector<256x256xbf16>
    %dot_general3A_33 = arith.constant dense<0.000000e+00> : vector<1000x256xf32>
    %dot_general3A_34 = tpu.matmul %convert_element_type3A_25, %convert_element_type3A_29, %dot_general3A_33 {dimension_numbers = #tpu.dot_dimension_numbers<[1], [1], [0], [0], [0, 0, 1, 0], [], []>, transpose_lhs_hint = false} : vector<1000x256xbf16>, vector<256x256xbf16>, vector<1000x256xf32> -> vector<1000x256xf32>
    %dot_general3A_35 = arith.constant dense<0.000000e+00> : vector<1000x256xf32>
    %dot_general3A_36 = tpu.matmul %convert_element_type3A_28, %convert_element_type3A_29, %dot_general3A_35 {dimension_numbers = #tpu.dot_dimension_numbers<[1], [1], [0], [0], [0, 0, 1, 0], [], []>, transpose_lhs_hint = false} : vector<1000x256xbf16>, vector<256x256xbf16>, vector<1000x256xf32> -> vector<1000x256xf32>
    %add3A_37 = arith.addf %dot_general3A_34, %dot_general3A_36 : vector<1000x256xf32>
    %dot_general3A_38 = arith.constant dense<0.000000e+00> : vector<1000x256xf32>
    %dot_general3A_39 = tpu.matmul %convert_element_type3A_25, %convert_element_type3A_32, %dot_general3A_38 {dimension_numbers = #tpu.dot_dimension_numbers<[1], [1], [0], [0], [0, 0, 1, 0], [], []>, transpose_lhs_hint = false} : vector<1000x256xbf16>, vector<256x256xbf16>, vector<1000x256xf32> -> vector<1000x256xf32>
    %add3A_40 = arith.addf %add3A_37, %dot_general3A_39 : vector<1000x256xf32>
    %swap3A = arith.constant 0 : index
    %swap3A_41 = arith.constant 0 : index
    %swap3A_42 = vector.load %arg5[%swap3A, %swap3A_41] : memref<1000x256xf32, #tpu.memory_space<vmem>>, vector<1000x256xf32>
    tpu.vector_store %arg5[%swap3A, %swap3A_41], %add3A_40 {strides = array<i32>} : memref<1000x256xf32, #tpu.memory_space<vmem>>, vector<1000x256xf32>,
    return
  }
  func.func @transform_0(%arg0: i32) -> (i32, i32) {
    %c0_i32 = arith.constant 0 : i32
    %c0_i32_0 = arith.constant 0 : i32
    return %arg0, %c0_i32 : i32, i32
  }
  func.func @transform_1(%arg0: i32) -> (i32, i32) {
    %c0_i32 = arith.constant 0 : i32
    %c0_i32_0 = arith.constant 0 : i32
    %c0_i32_1 = arith.constant 0 : i32
    return %c0_i32, %c0_i32_0 : i32, i32
  }
  func.func @transform_2(%arg0: i32) -> (i32, i32) {
    %c0_i32 = arith.constant 0 : i32
    %c0_i32_0 = arith.constant 0 : i32
    %c0_i32_1 = arith.constant 0 : i32
    return %c0_i32, %c0_i32_0 : i32, i32
  }
  func.func @transform_3(%arg0: i32) -> (i32, i32) {
    %c0_i32 = arith.constant 0 : i32
    %c0_i32_0 = arith.constant 0 : i32
    %c0_i32_1 = arith.constant 0 : i32
    return %c0_i32, %c0_i32_0 : i32, i32
  }
  func.func @transform_4(%arg0: i32) -> (i32, i32) {
    %c0_i32 = arith.constant 0 : i32
    %c0_i32_0 = arith.constant 0 : i32
    return %arg0, %c0_i32 : i32, i32
  }
}

module attributes {stable_mosaic.version = 14 : i64} {
  func.func @_b_body(%arg0: i32, %arg1: memref<1000x256xf32, #tpu.memory_space<vmem>>, %arg2: memref<1000x256xf32, #tpu.memory_space<vmem>>, %arg3: memref<1x1000x128xf32, #tpu.memory_space<vmem>>, %arg4: memref<1x1000x128xf32, #tpu.memory_space<vmem>>, %arg5: memref<256x128xf32, #tpu.memory_space<vmem>>, %arg6: memref<256x128xf32, #tpu.memory_space<vmem>>, %arg7: memref<1x256xf32, #tpu.memory_space<vmem>>, %arg8: memref<256x256xf32, #tpu.memory_space<vmem>>, %arg9: memref<1x256xf32, #tpu.memory_space<vmem>>, %arg10: memref<1000x256xf32, #tpu.memory_space<vmem>>) attributes {dimension_semantics = [#tpu.dimension_semantics<arbitrary>], iteration_bounds = array<i64: 10>, scalar_prefetch = 0 : i64, scratch_operands = 0 : i64, tpu.core_type = #tpu.core_type<tc>, window_params = [{transform_indices = @transform_0, window_bounds = array<i64: 1000, 256>}, {transform_indices = @transform_1, window_bounds = array<i64: 1000, 256>}, {transform_indices = @transform_2, window_bounds = array<i64: 1, 1000, 128>}, {transform_indices = @transform_3, window_bounds = array<i64: 1, 1000, 128>}, {pipeline_mode = #tpu.pipeline_mode<synchronous>, transform_indices = @transform_4, window_bounds = array<i64: 256, 128>}, {pipeline_mode = #tpu.pipeline_mode<synchronous>, transform_indices = @transform_5, window_bounds = array<i64: 256, 128>}, {pipeline_mode = #tpu.pipeline_mode<synchronous>, transform_indices = @transform_6, window_bounds = array<i64: 1, 256>}, {pipeline_mode = #tpu.pipeline_mode<synchronous>, transform_indices = @transform_7, window_bounds = array<i64: 256, 256>}, {pipeline_mode = #tpu.pipeline_mode<synchronous>, transform_indices = @transform_8, window_bounds = array<i64: 1, 256>}, {transform_indices = @transform_9, window_bounds = array<i64: 1000, 256>}]} {
    %get3A = arith.constant 0 : index
    %get3A_0 = arith.constant 0 : index
    %get3A_1 = vector.load %arg2[%get3A, %get3A_0] : memref<1000x256xf32, #tpu.memory_space<vmem>>, vector<1000x256xf32>
    %get3A_2 = arith.constant 0 : index
    %get3A_3 = arith.constant 0 : index
    %get3A_4 = arith.constant 0 : index
    %get3A_5 = vector.load %arg3[%get3A_2, %get3A_3, %get3A_4] : memref<1x1000x128xf32, #tpu.memory_space<vmem>>, vector<1x1000x128xf32>
    %get3A_6 = vector.shape_cast %get3A_5 : vector<1x1000x128xf32> to vector<1000x128xf32>
    %get3A_7 = arith.constant 0 : index
    %get3A_8 = arith.constant 0 : index
    %get3A_9 = vector.load %arg5[%get3A_7, %get3A_8] : memref<256x128xf32, #tpu.memory_space<vmem>>, vector<256x128xf32>
    %convert_element_type3A = arith.truncf %get3A_6 : vector<1000x128xf32> to vector<1000x128xbf16>
    %convert_element_type3A_10 = arith.extf %convert_element_type3A : vector<1000x128xbf16> to vector<1000x128xf32>
    %sub3A = arith.subf %get3A_6, %convert_element_type3A_10 : vector<1000x128xf32>
    %convert_element_type3A_11 = arith.truncf %sub3A : vector<1000x128xf32> to vector<1000x128xbf16>
    %convert_element_type3A_12 = arith.truncf %get3A_9 : vector<256x128xf32> to vector<256x128xbf16>
    %convert_element_type3A_13 = arith.extf %convert_element_type3A_12 : vector<256x128xbf16> to vector<256x128xf32>
    %sub3A_14 = arith.subf %get3A_9, %convert_element_type3A_13 : vector<256x128xf32>
    %convert_element_type3A_15 = arith.truncf %sub3A_14 : vector<256x128xf32> to vector<256x128xbf16>
    %dot_general3A = arith.constant dense<0.000000e+00> : vector<1000x256xf32>
    %dot_general3A_16 = tpu.matmul %convert_element_type3A, %convert_element_type3A_12, %dot_general3A {dimension_numbers = #tpu.dot_dimension_numbers<[1], [1], [0], [0], [0, 0, 1, 0], [], []>, transpose_lhs_hint = false} : vector<1000x128xbf16>, vector<256x128xbf16>, vector<1000x256xf32> -> vector<1000x256xf32>
    %dot_general3A_17 = arith.constant dense<0.000000e+00> : vector<1000x256xf32>
    %dot_general3A_18 = tpu.matmul %convert_element_type3A_11, %convert_element_type3A_12, %dot_general3A_17 {dimension_numbers = #tpu.dot_dimension_numbers<[1], [1], [0], [0], [0, 0, 1, 0], [], []>, transpose_lhs_hint = false} : vector<1000x128xbf16>, vector<256x128xbf16>, vector<1000x256xf32> -> vector<1000x256xf32>
    %add3A = arith.addf %dot_general3A_16, %dot_general3A_18 : vector<1000x256xf32>
    %dot_general3A_19 = arith.constant dense<0.000000e+00> : vector<1000x256xf32>
    %dot_general3A_20 = tpu.matmul %convert_element_type3A, %convert_element_type3A_15, %dot_general3A_19 {dimension_numbers = #tpu.dot_dimension_numbers<[1], [1], [0], [0], [0, 0, 1, 0], [], []>, transpose_lhs_hint = false} : vector<1000x128xbf16>, vector<256x128xbf16>, vector<1000x256xf32> -> vector<1000x256xf32>
    %add3A_21 = arith.addf %add3A, %dot_general3A_20 : vector<1000x256xf32>
    %add3A_22 = arith.addf %get3A_1, %add3A_21 : vector<1000x256xf32>
    %get3A_23 = arith.constant 0 : index
    %get3A_24 = arith.constant 0 : index
    %get3A_25 = arith.constant 0 : index
    %get3A_26 = vector.load %arg4[%get3A_23, %get3A_24, %get3A_25] : memref<1x1000x128xf32, #tpu.memory_space<vmem>>, vector<1x1000x128xf32>
    %get3A_27 = vector.shape_cast %get3A_26 : vector<1x1000x128xf32> to vector<1000x128xf32>
    %get3A_28 = arith.constant 0 : index
    %get3A_29 = arith.constant 0 : index
    %get3A_30 = vector.load %arg6[%get3A_28, %get3A_29] : memref<256x128xf32, #tpu.memory_space<vmem>>, vector<256x128xf32>
    %convert_element_type3A_31 = arith.truncf %get3A_27 : vector<1000x128xf32> to vector<1000x128xbf16>
    %convert_element_type3A_32 = arith.extf %convert_element_type3A_31 : vector<1000x128xbf16> to vector<1000x128xf32>
    %sub3A_33 = arith.subf %get3A_27, %convert_element_type3A_32 : vector<1000x128xf32>
    %convert_element_type3A_34 = arith.truncf %sub3A_33 : vector<1000x128xf32> to vector<1000x128xbf16>
    %convert_element_type3A_35 = arith.truncf %get3A_30 : vector<256x128xf32> to vector<256x128xbf16>
    %convert_element_type3A_36 = arith.extf %convert_element_type3A_35 : vector<256x128xbf16> to vector<256x128xf32>
    %sub3A_37 = arith.subf %get3A_30, %convert_element_type3A_36 : vector<256x128xf32>
    %convert_element_type3A_38 = arith.truncf %sub3A_37 : vector<256x128xf32> to vector<256x128xbf16>
    %dot_general3A_39 = arith.constant dense<0.000000e+00> : vector<1000x256xf32>
    %dot_general3A_40 = tpu.matmul %convert_element_type3A_31, %convert_element_type3A_35, %dot_general3A_39 {dimension_numbers = #tpu.dot_dimension_numbers<[1], [1], [0], [0], [0, 0, 1, 0], [], []>, transpose_lhs_hint = false} : vector<1000x128xbf16>, vector<256x128xbf16>, vector<1000x256xf32> -> vector<1000x256xf32>
    %dot_general3A_41 = arith.constant dense<0.000000e+00> : vector<1000x256xf32>
    %dot_general3A_42 = tpu.matmul %convert_element_type3A_34, %convert_element_type3A_35, %dot_general3A_41 {dimension_numbers = #tpu.dot_dimension_numbers<[1], [1], [0], [0], [0, 0, 1, 0], [], []>, transpose_lhs_hint = false} : vector<1000x128xbf16>, vector<256x128xbf16>, vector<1000x256xf32> -> vector<1000x256xf32>
    %add3A_43 = arith.addf %dot_general3A_40, %dot_general3A_42 : vector<1000x256xf32>
    %dot_general3A_44 = arith.constant dense<0.000000e+00> : vector<1000x256xf32>
    %dot_general3A_45 = tpu.matmul %convert_element_type3A_31, %convert_element_type3A_38, %dot_general3A_44 {dimension_numbers = #tpu.dot_dimension_numbers<[1], [1], [0], [0], [0, 0, 1, 0], [], []>, transpose_lhs_hint = false} : vector<1000x128xbf16>, vector<256x128xbf16>, vector<1000x256xf32> -> vector<1000x256xf32>
    %add3A_46 = arith.addf %add3A_43, %dot_general3A_45 : vector<1000x256xf32>
    %add3A_47 = arith.addf %add3A_22, %add3A_46 : vector<1000x256xf32>
    %get3A_48 = arith.constant 0 : index
    %get3A_49 = arith.constant 0 : index
    %get3A_50 = vector.load %arg7[%get3A_48, %get3A_49] : memref<1x256xf32, #tpu.memory_space<vmem>>, vector<1x256xf32>
    %add3A_51 = vector.broadcast %get3A_50 : vector<1x256xf32> to vector<1000x256xf32>
    %add3A_52 = arith.addf %add3A_47, %add3A_51 : vector<1000x256xf32>
    %mul3A = arith.constant 5.000000e-01 : f32
    %mul3A_53 = vector.broadcast %mul3A : f32 to vector<1000x256xf32>
    %mul3A_54 = arith.mulf %mul3A_53, %add3A_52 : vector<1000x256xf32>
    %mul3A_55 = arith.constant 0.707106769 : f32
    %mul3A_56 = vector.broadcast %mul3A_55 : f32 to vector<1000x256xf32>
    %mul3A_57 = arith.mulf %add3A_52, %mul3A_56 : vector<1000x256xf32>
    %erf3A = math.erf %mul3A_57 : vector<1000x256xf32>
    %add3A_58 = arith.constant 1.000000e+00 : f32
    %add3A_59 = vector.broadcast %add3A_58 : f32 to vector<1000x256xf32>
    %add3A_60 = arith.addf %add3A_59, %erf3A : vector<1000x256xf32>
    %mul3A_61 = arith.mulf %mul3A_54, %add3A_60 : vector<1000x256xf32>
    %get3A_62 = arith.constant 0 : index
    %get3A_63 = arith.constant 0 : index
    %get3A_64 = vector.load %arg1[%get3A_62, %get3A_63] : memref<1000x256xf32, #tpu.memory_space<vmem>>, vector<1000x256xf32>
    %get3A_65 = arith.constant 0 : index
    %get3A_66 = arith.constant 0 : index
    %get3A_67 = vector.load %arg8[%get3A_65, %get3A_66] : memref<256x256xf32, #tpu.memory_space<vmem>>, vector<256x256xf32>
    %convert_element_type3A_68 = arith.truncf %mul3A_61 : vector<1000x256xf32> to vector<1000x256xbf16>
    %convert_element_type3A_69 = arith.extf %convert_element_type3A_68 : vector<1000x256xbf16> to vector<1000x256xf32>
    %sub3A_70 = arith.subf %mul3A_61, %convert_element_type3A_69 : vector<1000x256xf32>
    %convert_element_type3A_71 = arith.truncf %sub3A_70 : vector<1000x256xf32> to vector<1000x256xbf16>
    %convert_element_type3A_72 = arith.truncf %get3A_67 : vector<256x256xf32> to vector<256x256xbf16>
    %convert_element_type3A_73 = arith.extf %convert_element_type3A_72 : vector<256x256xbf16> to vector<256x256xf32>
    %sub3A_74 = arith.subf %get3A_67, %convert_element_type3A_73 : vector<256x256xf32>
    %convert_element_type3A_75 = arith.truncf %sub3A_74 : vector<256x256xf32> to vector<256x256xbf16>
    %dot_general3A_76 = arith.constant dense<0.000000e+00> : vector<1000x256xf32>
    %dot_general3A_77 = tpu.matmul %convert_element_type3A_68, %convert_element_type3A_72, %dot_general3A_76 {dimension_numbers = #tpu.dot_dimension_numbers<[1], [1], [0], [0], [0, 0, 1, 0], [], []>, transpose_lhs_hint = false} : vector<1000x256xbf16>, vector<256x256xbf16>, vector<1000x256xf32> -> vector<1000x256xf32>
    %dot_general3A_78 = arith.constant dense<0.000000e+00> : vector<1000x256xf32>
    %dot_general3A_79 = tpu.matmul %convert_element_type3A_71, %convert_element_type3A_72, %dot_general3A_78 {dimension_numbers = #tpu.dot_dimension_numbers<[1], [1], [0], [0], [0, 0, 1, 0], [], []>, transpose_lhs_hint = false} : vector<1000x256xbf16>, vector<256x256xbf16>, vector<1000x256xf32> -> vector<1000x256xf32>
    %add3A_80 = arith.addf %dot_general3A_77, %dot_general3A_79 : vector<1000x256xf32>
    %dot_general3A_81 = arith.constant dense<0.000000e+00> : vector<1000x256xf32>
    %dot_general3A_82 = tpu.matmul %convert_element_type3A_68, %convert_element_type3A_75, %dot_general3A_81 {dimension_numbers = #tpu.dot_dimension_numbers<[1], [1], [0], [0], [0, 0, 1, 0], [], []>, transpose_lhs_hint = false} : vector<1000x256xbf16>, vector<256x256xbf16>, vector<1000x256xf32> -> vector<1000x256xf32>
    %add3A_83 = arith.addf %add3A_80, %dot_general3A_82 : vector<1000x256xf32>
    %add3A_84 = arith.addf %get3A_64, %add3A_83 : vector<1000x256xf32>
    %get3A_85 = arith.constant 0 : index
    %get3A_86 = arith.constant 0 : index
    %get3A_87 = vector.load %arg9[%get3A_85, %get3A_86] : memref<1x256xf32, #tpu.memory_space<vmem>>, vector<1x256xf32>
    %add3A_88 = vector.broadcast %get3A_87 : vector<1x256xf32> to vector<1000x256xf32>
    %add3A_89 = arith.addf %add3A_84, %add3A_88 : vector<1000x256xf32>
    %swap3A = arith.constant 0 : index
    %swap3A_90 = arith.constant 0 : index
    %swap3A_91 = vector.load %arg10[%swap3A, %swap3A_90] : memref<1000x256xf32, #tpu.memory_space<vmem>>, vector<1000x256xf32>
    tpu.vector_store %arg10[%swap3A, %swap3A_90], %add3A_89 {strides = array<i32>} : memref<1000x256xf32, #tpu.memory_space<vmem>>, vector<1000x256xf32>,
    return
  }
  func.func @transform_0(%arg0: i32) -> (i32, i32) {
    %c0_i32 = arith.constant 0 : i32
    %c0_i32_0 = arith.constant 0 : i32
    return %arg0, %c0_i32 : i32, i32
  }
  func.func @transform_1(%arg0: i32) -> (i32, i32) {
    %c0_i32 = arith.constant 0 : i32
    %c0_i32_0 = arith.constant 0 : i32
    return %arg0, %c0_i32 : i32, i32
  }
  func.func @transform_2(%arg0: i32) -> (i32, i32, i32) {
    %c0_i32 = arith.constant 0 : i32
    %c0_i32_0 = arith.constant 0 : i32
    %c0_i32_1 = arith.constant 0 : i32
    return %c0_i32, %arg0, %c0_i32_0 : i32, i32, i32
  }
  func.func @transform_3(%arg0: i32) -> (i32, i32, i32) {
    %c1_i32 = arith.constant 1 : i32
    %c0_i32 = arith.constant 0 : i32
    %c0_i32_0 = arith.constant 0 : i32
    return %c1_i32, %arg0, %c0_i32 : i32, i32, i32
  }
  func.func @transform_4(%arg0: i32) -> (i32, i32) {
    %c0_i32 = arith.constant 0 : i32
    %c0_i32_0 = arith.constant 0 : i32
    %c0_i32_1 = arith.constant 0 : i32
    return %c0_i32, %c0_i32_0 : i32, i32
  }
  func.func @transform_5(%arg0: i32) -> (i32, i32) {
    %c0_i32 = arith.constant 0 : i32
    %c0_i32_0 = arith.constant 0 : i32
    %c0_i32_1 = arith.constant 0 : i32
    return %c0_i32, %c0_i32_0 : i32, i32
  }
  func.func @transform_6(%arg0: i32) -> (i32, i32) {
    %c0_i32 = arith.constant 0 : i32
    %c0_i32_0 = arith.constant 0 : i32
    %c0_i32_1 = arith.constant 0 : i32
    return %c0_i32, %c0_i32_0 : i32, i32
  }
  func.func @transform_7(%arg0: i32) -> (i32, i32) {
    %c0_i32 = arith.constant 0 : i32
    %c0_i32_0 = arith.constant 0 : i32
    %c0_i32_1 = arith.constant 0 : i32
    return %c0_i32, %c0_i32_0 : i32, i32
  }
  func.func @transform_8(%arg0: i32) -> (i32, i32) {
    %c0_i32 = arith.constant 0 : i32
    %c0_i32_0 = arith.constant 0 : i32
    %c0_i32_1 = arith.constant 0 : i32
    return %c0_i32, %c0_i32_0 : i32, i32
  }
  func.func @transform_9(%arg0: i32) -> (i32, i32) {
    %c0_i32 = arith.constant 0 : i32
    %c0_i32_0 = arith.constant 0 : i32
    return %arg0, %c0_i32 : i32, i32
  }
}

</mosaic_0001>

<sc_bundles>
// kernel: kernel.6.cloned.1.call-start
scs
__scs_entry_jumppad:
0x0: {  	(pc) =	sbr.rel $0x88, $3  }
0x1: {  	(tag) =	ssettag $0x0;
	lr =	simm.s32 $0x1  }
0x2: {  	[smem:$0x3F96] =	sst lr;
	_ =	strace $0xD0000000  }
0x3: {  	_ = 	snop  }
0x4: {  	_ = 	snop  }
0x5: {  	_ = 	snop  }
0x6: {  	_ = 	snop  }
0x7: {  	_ = 	snop  }
__scs_overlays_trampoline_lowered:
0x8: {  	[smem:$0x3FA5] =	sst s0  }
0x9: {  	[smem:$0x3FA6] =	sst s1  }
0xa: {  	[smem:$0x3FA7] =	sst s2  }
0xb: {  	[smem:$0x3FA8] =	sst s3  }
0xc: {  	[smem:$0x3FA9] =	sst s4  }
0xd: {  	[smem:$0x3FAA] =	sst s5  }
0xe: {  	[smem:$0x3FAB] =	sst s6  }
0xf: {  	[smem:$0x3FAC] =	sst s7  }
0x10: {  	[smem:$0x3FAD] =	sst s8  }
0x11: {  	[smem:$0x3FAE] =	sst s9;
	s0 =	simm.s32 @!p0 $0x0  }
0x12: {  	s1 =	sld [smem:$0x3F94];
	s0 =	simm.s32 @p0 $0x1  }
0x13: {  	[smem:$0x3FAF] =	sst s0;
	s0 =	simm.s32 @!p1 $0x0  }
0x14: {  	s2 =	sld [smem:$0x3F93];
	s0 =	simm.s32 @p1 $0x1  }
0x15: {  	[smem:$0x3FB0] =	sst s0;
	s0 =	simm.s32 @!p2 $0x0  }
0x16: {  	s3 =	sld [smem:$0x3FDB];
	s0 =	simm.s32 @p2 $0x1  }
0x17: {  	s4 =	simm.s32 $0x1BF5;
	[smem:$0x3FB2] =	sst s0  }
0x18: {  	s0 =	sld [smem:$0x3F95];
	_ =	swait.ge [sflag:s4], $0x0  }
0x19: {  	s7 =	sld [smem:$0x3F96]  }
0x1a: {  	s8 =	sadd.s32 $0xFFFFE003, lr  }
0x1b: {  	s9 =	sadd.s32 $0xFFFFFEF7, lr;
	s5 =	simm.s32 $0xFFFFFFFF;
	p2 =	slt.u32 s8, $0xFFFFF086  }
0x1c: {  	p1 =	slt.u32 s9, $0xF7A;
	s5 =	simm.s32 @!p2 $0x0  }
0x1d: {  	s5 =	simm.s32 @p1 $0x1;
	p0 =	seq.s32 s7, s2  }
0x1e: {  	s7 =	smul.u32 @!p0 $0xF7A, s2;
	p2 =	seq.s32 @!p0 s5, $0x0  }
0x1f: {  	s9 =	smul.u32 $0xF7A, s1;
	s8 =	simm.s32 @!p0 $0x1BF5;
	p2 =	por !p2, p0  }
0x20: {  	[sflag:s8] =	ssyncset.s32 @!p0 $0xFFFFF086;
	s6 =	sadd.s32 @!p0 s3, s7;
	s7 =	simm.s32 @!p0 $0x108  }
0x21: {  	s3 =	sadd.s32 s3, s9;
	s6 =	sadd.s32 @!p0 $0x88, s6;
	s7 =	simm.s32 @p2 $0x1082  }
0x22: {  	[simem:s7], [sflag:s8] =	dma.local @!p0 [hbm:s6], $0xF7A  }
0x23: {  	s9 =	sor.u32 $0xD0000000, s2;
	s6 =	simm.s32 $0x108;
	_ =	swait.ge @!p0 [sflag:s8], $0x0  }
0x24: {  	s3 =	sadd.s32 $0x88, s3;
	s6 =	simm.s32 @!p1 $0x1082;
	[sflag:s4] =	ssyncset.s32 $0xFFFFF086  }
0x25: {  	[simem:s6], [sflag:s4] =	dma.local [hbm:s3], $0xF7A  }
0x26: {  	[smem:$0x3F96] =	sst s1;
	(tag) =	ssettag s2;
	_ =	strace s9  }
0x27: {  	s1 =	sld [smem:$0x3FA6]  }
0x28: {  	s2 =	sld [smem:$0x3FA7]  }
0x29: {  	s4 =	sld [smem:$0x3FA9]  }
0x2a: {  	p0 =	seq.s32 s5, $0x0;
	s5 =	sld [smem:$0x3FAA]  }
0x2b: {  	s6 =	sld [smem:$0x3FAB]  }
0x2c: {  	s7 =	sld [smem:$0x3FAC]  }
0x2d: {  	s3 =	simm.s32 $0x108;
	s8 =	sld [smem:$0x3FAD]  }
0x2e: {  	s3 =	simm.s32 @!p0 $0x1082;
	s9 =	sld [smem:$0x3FAE]  }
0x2f: {  	lr =	sadd.s32 s0, s3;
	s0 =	sld [smem:$0x3FA5]  }
0x30: {  	s3 =	sld [smem:$0x3FA8]  }
0x31: {  	[smem:$0x3FB1] =	sst s10  }
0x32: {  	s10 =	sld [smem:$0x3FAF];
	_ =	sdelay $0x3  }
0x33: {  	p0 =	seq.s32 s10, $0x1;
	s10 =	sld [smem:$0x3FB1];
	_ =	sdelay $0x3  }
0x34: {  	[smem:$0x3FB1] =	sst s10  }
0x35: {  	s10 =	sld [smem:$0x3FB0];
	_ =	sdelay $0x3  }
0x36: {  	p1 =	seq.s32 s10, $0x1;
	s10 =	sld [smem:$0x3FB1];
	_ =	sdelay $0x3  }
0x37: {  	[smem:$0x3FB1] =	sst s10  }
0x38: {  	s10 =	sld [smem:$0x3FB2]  }
0x39: {  	_ = 	snop;
	(pc) =	sbr.ind lr, $3  }
0x3a: {  	_ = 	snop  }
0x3b: {  	_ = 	snop  }
0x3c: {  	p2 =	seq.s32 s10, $0x1;
	s10 =	sld [smem:$0x3FB1]  }
0x3d: {  	_ =	shalt  }
0x3e: {  	_ =	shalt  }
0x3f: {  	_ =	shalt  }
0x40: {  	_ =	shalt  }
0x41: {  	_ =	shalt  }
0x42: {  	_ =	shalt  }
0x43: {  	_ =	shalt  }
0x44: {  	_ =	shalt  }
0x45: {  	_ =	shalt  }
0x46: {  	_ =	shalt  }
0x47: {  	_ =	shalt  }
0x48: {  	_ =	shalt  }
0x49: {  	_ =	shalt  }
0x4a: {  	_ =	shalt  }
0x4b: {  	_ =	shalt  }
0x4c: {  	_ =	shalt  }
0x4d: {  	_ =	shalt  }
0x4e: {  	_ =	shalt  }
0x4f: {  	_ =	shalt  }
0x50: {  	_ =	shalt  }
0x51: {  	_ =	shalt  }
0x52: {  	_ =	shalt  }
0x53: {  	_ =	shalt  }
0x54: {  	_ =	shalt  }
0x55: {  	_ =	shalt  }
0x56: {  	_ =	shalt  }
0x57: {  	_ =	shalt  }
0x58: {  	_ =	shalt  }
0x59: {  	_ =	shalt  }
0x5a: {  	_ =	shalt  }
0x5b: {  	_ =	shalt  }
0x5c: {  	_ =	shalt  }
0x5d: {  	_ =	shalt  }
0x5e: {  	_ =	shalt  }
0x5f: {  	_ =	shalt  }
0x60: {  	_ =	shalt  }
0x61: {  	_ =	shalt  }
0x62: {  	_ =	shalt  }
0x63: {  	_ =	shalt  }
0x64: {  	_ =	shalt  }
0x65: {  	_ =	shalt  }
0x66: {  	_ =	shalt  }
0x67: {  	_ =	shalt  }
0x68: {  	_ =	shalt  }
0x69: {  	_ =	shalt  }
0x6a: {  	_ =	shalt  }
0x6b: {  	_ =	shalt  }
0x6c: {  	_ =	shalt  }
0x6d: {  	_ =	shalt  }
0x6e: {  	_ =	shalt  }
0x6f: {  	_ =	shalt  }
0x70: {  	_ =	shalt  }
0x71: {  	_ =	shalt  }
0x72: {  	_ =	shalt  }
0x73: {  	_ =	shalt  }
0x74: {  	_ =	shalt  }
0x75: {  	_ =	shalt  }
0x76: {  	_ =	shalt  }
0x77: {  	_ =	shalt  }
0x78: {  	_ =	shalt  }
0x79: {  	_ =	shalt  }
0x7a: {  	_ =	shalt  }
0x7b: {  	_ =	shalt  }
0x7c: {  	_ =	shalt  }
0x7d: {  	_ =	shalt  }
0x7e: {  	_ =	shalt  }
0x7f: {  	_ =	shalt  }
0x80: {  	_ =	shalt  }
0x81: {  	_ =	shalt  }
0x82: {  	_ =	shalt  }
0x83: {  	_ =	shalt  }
0x84: {  	_ =	shalt  }
0x85: {  	_ =	shalt  }
0x86: {  	_ =	shalt  }
0x87: {  	_ =	shalt  }
.Lfunc_end0:
.L_simem_size_0:
called_computation_lowered:
.L_overlay_start_0:
0x88: {  	s2 =	sld [smem:$0x3FD9]  }
0x89: {  	s3 =	sld [smem:$0x3FFE];
	_ =	sdelay $0x1  }
0x8a: {  	s1 =	srdreg.scid  }
0x8b: {  	s0 =	sand.u32 $0x1, s1  }
0x8c: {  	s17 =	sshll.u32 s0, $0xA;
	s2 =	sadd.s32 s3, s2  }
0x8d: {  	s2 =	sadd.s32 s2, s17  }
0x8e: {  	[smem:$0x3FBD] =	sst s2  }
0x8f: {  	_ = 	snop  }
0x90: {  	s2 =	sld [smem:$0x3FD0];
	(tm) =	ssettm $0x1  }
0x91: {  	s18 =	sld [smem:$0x3FFB];
	_ =	sdelay $0x3  }
0x92: {  	_ =	strace s18  }
0x93: {  	s3 =	sld [smem:$0x3FFC];
	_ =	sdelay $0x3  }
0x94: {  	_ =	strace s3  }
0x95: {  	s3 =	sld [smem:$0x3FFD];
	_ =	sdelay $0x3  }
0x96: {  	_ =	strace s3  }
0x97: {  	_ =	strace $0x8FFFFFFF  }
0x98: {  	s19 =	sld [smem:$0x3FDB];
	_ =	sdelay $0x1  }
0x99: {  	s4 =	simm.s32 $_scs_section_size  }
0x9a: {  	s5 =	simm.s32 $_size__tile_overlayer_lowered;
	s6 =	simm.s32 $_tile_overlayer_lowered  }
0x9b: {  	s22 =	simm.s32 $0x1BFF;
	s21 =	sshll.u32 s6, $0x1;
	s3 =	sadd.s32 s4, s19  }
0x9c: {  	s7 =	simm.s32 $0x0;
	s20 =	sshll.u32 s5, $0x1;
	s5 =	sadd.s32 s21, s3  }
0x9d: {  	[timem:s7], [sflag:s22] =	dma.local [hbm:s5], s20  }
0x9e: {  	_ =	swait.ge [sflag:s22], s20  }
0x9f: {  	s4 =	ssub.s32 $0x0, s20;
	[sflag:s22] =	ssyncset.done $0x0  }
0xa0: {  	[sflag:s22] =	ssyncadd.s32 s4;
	_ =	sdelay $0x1  }
0xa1: {  	s23 =	simm.s32 $0x1B8B  }
0xa2: {  	_ =	swait.ge [sflag:s23], $0x1  }
0xa3: {  	[sflag:s23] =	ssyncset.done $0x0  }
0xa4: {  	s25 =	simm.s32 $0x1B8E;
	s24 =	sld [smem:$0x3FFE];
	[sflag:s23] =	ssyncadd.s32 $0xFFFFFFFF  }
0xa5: {  	s26 =	simm.s32 $execute0_lowered;
	[smem:$0x3FD2] =	sst s25  }
0xa6: {  	s5 =	sshll.u32 s26, $0x1;
	_ =	strace $0x80000046;
	[dreg:$0x1] =	wrdreg $0xFFFFFFFF  }
0xa7: {  	s28 =	simm.s32 $_size_execute0_lowered;
	s3 =	sadd.s32 s3, s5;
	[dreg:$0x0] =	wrdreg $0x0  }
0xa8: {  	s5 =	sshll.u32 s28, $0x1;
	[dreg:$0x2] =	wrdreg s3  }
0xa9: {  	[dreg:$0x3] =	wrdreg s5  }
0xaa: {  	[dreg:$0x4] =	wrdreg $0xC0  }
0xab: {  	_ =	task [dreg:s7], $0x5FFFF  }
0xac: {  	[dreg:$0x1] =	wrdreg $0xFFFFFFFF  }
0xad: {  	[dreg:$0x0] =	wrdreg $0x60  }
0xae: {  	[dreg:$0x2] =	wrdreg s2  }
0xaf: {  	[dreg:$0x3] =	wrdreg s24  }
0xb0: {  	[dreg:$0x4] =	wrdreg $0x0  }
0xb1: {  	[dreg:$0x5] =	wrdreg $0x9  }
0xb2: {  	_ =	task.clear_ibuf [dreg:s7], $0x6FFFF;
	_ =	strace $0x90000046  }
0xb3: {  	s29 =	simm.s32 $0x9;
	_ =	strace $0x80000048  }
0xb4: {  	_ =	swait.ge [sflag:s29], $0x1  }
0xb5: {  	[sflag:s29] =	ssyncadd.s32 $0xFFFFFFFF  }
0xb6: {  	_ =	strace $0x90000048  }
0xb7: {  	_ =	sfence  }
0xb8: {  	s30 =	sld [smem:$0x0];
	_ =	sdelay $0x2  }
0xb9: {  	s31 =	sshll.u32 s1, $0xD;
	s1 =	sshrl.u32 s1, $0x2  }
0xba: {  	s3 =	sand.u32 $0x4000, s31;
	s1 =	sadd.s32 s1, s30  }
0xbb: {  	s0 =	sor.u32 s3, s0;
	s1 =	sshll.u32 s1, $0x11  }
0xbc: {  	s0 =	sor.u32 s1, s0  }
0xbd: {  	s0 =	sadd.s32 $0x8F2B, s0  }
0xbe: {  	[sflag:s0] =	ssyncadd.remote.s32 $0x1  }
0xbf: {  	_ =	sfence.sel $0xFFFF  }
0xc0: {  	[dreg:$0x0] =	wrdreg $0xFFFFFFFF;
	(pc) =	sbr.abs _section_cstart, $3  }
0xc1: {  	[dreg:$0x1] =	wrdreg $0xFFFFFFFF  }
0xc2: {  	_ =	task.clear_ibuf [dreg:s7], $0x2FFFF;
	_ =	strace $0x9FFFFFFF  }
0xc3: {  	(tm) =	ssettm $0x7FFFFFFF  }
tec
execute0_lowered:
.L_overlay_start_1:
0x0: {  	(tag) =	ssettag $0x1  }
0x1: {  	s1 =	rddreg [dreg:$0x0]  }
0x2: {  	s0 =	rddreg [dreg:$0x1]  }
0x3: {  	s2 =	rddreg [dreg:$0x2]  }
0x4: {  	s3 =	srdreg.scid;
	s5 =	simm.s32 $0x0;
	s10 =	stileid.u32  }
0x5: {  	s23 =	simm.s32 $0x5;
	s22 =	simm.s32 $0x7;
	s16 =	simm.s32 $0x3  }
0x6: {  	s3 =	sand.u32 $0x1, s3;
	[smem:$0x7FF] =	sst s5;
	s17 =	smul.u32 $0x13C00, s10  }
0x7: {  	s11 =	sadd.s32 $0x1E00, s0;
	s12 =	sadd.s32 $0x9E00, s0;
	s7 =	sadd.s32 $0x11E00, s0  }
0x8: {  	s18 =	sadd.s32 $0x61E00, s0;
	s6 =	smul.u32 $0x4F000, s10;
	s9 =	sshll.u32 s10, $0x7  }
0x9: {  	s25 =	sshll.u32 s10, $0x6;
	s8 =	smul.u32 $0x5000, s10;
	s26 =	sshll.u32 s10, $0xB  }
0xa: {  	s5 =	simm.s32 $0x0;
	_ =	strace $0x80000047;
	[dreg:$0x6] =	wrdreg s18  }
0xb: {  	s4 =	smul.u32 $0x13C000, s3;
	s19 =	ssub.s32 $0x2, s3;
	[dreg:$0x5] =	wrdreg s12  }
0xc: {  	s21 =	smul.u32 $0x2710, s3;
	s10 =	sadd.s32 s12, s26;
	[dreg:$0x4] =	wrdreg s11  }
0xd: {  	s13 =	sor.u32 $0x1C09, s25;
	s28 =	sadd.s32 s11, s26;
	[dreg:$0x8] =	wrdreg s10  }
0xe: {  	s29 =	sor.u32 $0x100, s26;
	s31 =	sor.u32 $0x80, s26;
	[dreg:$0x9] =	wrdreg s28  }
0xf: {  	s11 =	simm.s32 $0x8;
	s20 =	sshrl.u32 s19, $0x1;
	[dreg:$0xc] =	wrdreg s29  }
0x10: {  	s24 =	sshrl.u32 s6, $0x2;
	s8 =	sadd.s32 s7, s8;
	[dreg:$0xf] =	wrdreg s31  }
0x11: {  	s6 =	simm.s32 $0x9;
	[dreg:$0x7] =	wrdreg s13;
	s4 =	sadd.s32 s17, s4  }
0x12: {  	s3 =	sadd.s32 s24, s2;
	[dreg:$0xa] =	wrdreg s8;
	s4 =	sshrl.u32 s4, $0x3  }
.Ltmp0:
0x13: {  	s8 =	sadd.s32 $0x10, s8;
	s0 =	sadd.s32 s4, s0;
	(pc) =	sbr.rel .LBB2_1-.Ltmp0, $4  }
0x14: {  	[dreg:$0xb] =	wrdreg s8;
	s4 =	ssub.s32 s19, s20;
	s0 =	sadd.s32 $0x64600, s0  }
0x15: {  	s24 =	simm.s32 $0x50;
	s30 =	smax.u32 s4, $0x1;
	[dreg:$0xd] =	wrdreg s0  }
0x16: {  	s17 =	simm.s32 $0x4;
	s4 =	sshrl.u32 s3, $0x3;
	[dreg:$0xe] =	wrdreg s30  }
0x17: {  	v0 =	vmov s21;
	s8 =	simm.s32 $0x2;
	s3 =	simm.s32 $0x1;
	[dreg:$0x10] =	wrdreg s4  }
.LBB2_28:
0x18: {  	_ =	swait.ge [sflag:s16], $0x2800  }
0x19: {  	[sflag:s16] =	ssyncset.done $0x0  }
0x1a: {  	[sflag:s16] =	ssyncadd.s32 $0xFFFFD800  }
0x1b: {  	_ =	swait.ge [sflag:s17], $0x2800  }
0x1c: {  	[sflag:s17] =	ssyncset.done $0x0  }
0x1d: {  	[sflag:s17] =	ssyncadd.s32 $0xFFFFD800  }
0x1e: {  	[bflag:$0x0] =	sbarrier.arrive $0xFFFF  }
0x1f: {  	s13 =	rddreg [dreg:$0x7]  }
0x20: {  	s0 =	rddreg [dreg:$0xd]  }
0x21: {  	s6 =	simm.s32 $0x9;
	s4 =	rddreg [dreg:$0x10]  }
0x22: {  	[hbm:s0], [sflag:s13] =	dma.local [spmem:s4], $0x2780  }
0x23: {  	_ =	swait.ge [sflag:s6], $0x2780  }
0x24: {  	s5 =	rddreg [dreg:$0x11]  }
0x25: {  	s31 =	rddreg [dreg:$0xe];
	s5 =	sadd.s32 $0x1, s5  }
0x26: {  	p0 =	sne.s32 s5, s31  }
.Ltmp1:
0x27: {  	_ = 	snop;
	(pc) =	sbr.rel @!p0 .LBB2_29-.Ltmp1, $3  }
0x28: {  	_ =	sdelay $0x1  }
0x29: {  	[sflag:s6] =	ssyncset.done $0x0  }
0x2a: {  	[sflag:s6] =	ssyncadd.s32 $0xFFFFD880  }
.LBB2_1:
0x2b: {  	[dreg:$0x11] =	wrdreg s5  }
0x2c: {  	s0 =	rddreg [dreg:$0x6]  }
0x2d: {  	[spmem:s4], [sflag:s13] =	dma.local [hbm:s0], $0x2780  }
0x2e: {  	_ =	swait.ge [sflag:s6], $0x2780  }
0x2f: {  	[sflag:s6] =	ssyncset.done $0x0  }
0x30: {  	[sflag:s6] =	ssyncadd.s32 $0xFFFFD880  }
0x31: {  	[bflag:$0x0] =	sbarrier.arrive $0xFFFF  }
0x32: {  	s12 =	simm.s32 $0x0;
	s14 =	simm.s32 $0x13C00;
	s13 =	rddreg [dreg:$0x8]  }
0x33: {  	[tilespmem:s14], [sflag:$0x5] =	stream.linear.gather [hbm4b:s13+s12], $0x400, $0x38;
	[tilespmem:$0x1F600] =	vst v63  }
0x34: {  	s18 =	simm.s32 $0x14400;
	s15 =	rddreg [dreg:$0x9]  }
0x35: {  	[tilespmem:s18], [sflag:$0x5] =	stream.linear.gather [hbm4b:s15+s12], $0x400, $0x38;
	[tilespmem:$0x1F600] =	vst v63  }
0x36: {  	_ =	swait.ge [sflag:s23], $0x400  }
0x37: {  	[sflag:s23] =	ssyncset.done $0x0  }
0x38: {  	[sflag:s23] =	ssyncadd.s32 $0xFFFFFC00  }
0x39: {  	_ =	swait.ge [sflag:s23], $0x400  }
0x3a: {  	[sflag:s23] =	ssyncset.done $0x0  }
0x3b: {  	[sflag:s23] =	ssyncadd.s32 $0xFFFFFC00  }
0x3c: {  	v1 =	vld [tilespmem:$0x13C00]  }
0x3d: {  	v2 =	vld [tilespmem:$0x13C10]  }
0x3e: {  	v3 =	vld [tilespmem:$0x13C20]  }
0x3f: {  	v4 =	vld [tilespmem:$0x13C30]  }
0x40: {  	v5 =	vld [tilespmem:$0x13C40]  }
0x41: {  	v6 =	vld [tilespmem:$0x13C80];
	v1 =	vadd.s32 v0, v1  }
0x42: {  	[tilespmem:$0x13C00] =	vst v1;
	v1 =	vadd.s32 v0, v2;
	v2 =	vld [tilespmem:$0x13C90]  }
0x43: {  	[tilespmem:$0x13C10] =	vst v1;
	v1 =	vadd.s32 v0, v3;
	v3 =	vld [tilespmem:$0x13CA0]  }
0x44: {  	v44 =	vld [tilespmem:$0x13CB0];
	[tilespmem:$0x13C20] =	vst v1;
	v1 =	vadd.s32 v0, v4  }
0x45: {  	v45 =	vld [tilespmem:$0x13CC0];
	[tilespmem:$0x13C30] =	vst v1;
	v1 =	vadd.s32 v0, v5  }
0x46: {  	v46 =	vld [tilespmem:$0x13D00];
	[tilespmem:$0x13C40] =	vst v1;
	v1 =	vadd.s32 v0, v6  }
0x47: {  	[tilespmem:$0x13C80] =	vst v1;
	v1 =	vadd.s32 v0, v2;
	v2 =	vld [tilespmem:$0x13D10]  }
0x48: {  	[tilespmem:$0x13C90] =	vst v1;
	v1 =	vadd.s32 v0, v3;
	v3 =	vld [tilespmem:$0x13D20]  }
0x49: {  	v47 =	vld [tilespmem:$0x13D30];
	[tilespmem:$0x13CA0] =	vst v1;
	v1 =	vadd.s32 v0, v44  }
0x4a: {  	v48 =	vld [tilespmem:$0x13D40];
	[tilespmem:$0x13CB0] =	vst v1;
	v1 =	vadd.s32 v0, v45  }
0x4b: {  	v49 =	vld [tilespmem:$0x13D80];
	[tilespmem:$0x13CC0] =	vst v1;
	v1 =	vadd.s32 v0, v46  }
0x4c: {  	[tilespmem:$0x13D00] =	vst v1;
	v1 =	vadd.s32 v0, v2;
	v2 =	vld [tilespmem:$0x13D90]  }
0x4d: {  	[tilespmem:$0x13D10] =	vst v1;
	v1 =	vadd.s32 v0, v3;
	v3 =	vld [tilespmem:$0x13DA0]  }
0x4e: {  	v50 =	vld [tilespmem:$0x13DB0];
	[tilespmem:$0x13D20] =	vst v1;
	v1 =	vadd.s32 v0, v47  }
0x4f: {  	v51 =	vld [tilespmem:$0x13DC0];
	[tilespmem:$0x13D30] =	vst v1;
	v1 =	vadd.s32 v0, v48  }
0x50: {  	v52 =	vld [tilespmem:$0x13E00];
	[tilespmem:$0x13D40] =	vst v1;
	v1 =	vadd.s32 v0, v49  }
0x51: {  	[tilespmem:$0x13D80] =	vst v1;
	v1 =	vadd.s32 v0, v2;
	v2 =	vld [tilespmem:$0x13E10]  }
0x52: {  	[tilespmem:$0x13D90] =	vst v1;
	v1 =	vadd.s32 v0, v3;
	v3 =	vld [tilespmem:$0x13E20]  }
0x53: {  	v53 =	vld [tilespmem:$0x13E30];
	[tilespmem:$0x13DA0] =	vst v1;
	v1 =	vadd.s32 v0, v50  }
0x54: {  	v54 =	vld [tilespmem:$0x13E40];
	[tilespmem:$0x13DB0] =	vst v1;
	v1 =	vadd.s32 v0, v51  }
0x55: {  	v55 =	vld [tilespmem:$0x13E80];
	[tilespmem:$0x13DC0] =	vst v1;
	v1 =	vadd.s32 v0, v52  }
0x56: {  	[tilespmem:$0x13E00] =	vst v1;
	v1 =	vadd.s32 v0, v2;
	v2 =	vld [tilespmem:$0x13E90]  }
0x57: {  	[tilespmem:$0x13E10] =	vst v1;
	v1 =	vadd.s32 v0, v3;
	v3 =	vld [tilespmem:$0x13EA0]  }
0x58: {  	v56 =	vld [tilespmem:$0x13EB0];
	[tilespmem:$0x13E20] =	vst v1;
	v1 =	vadd.s32 v0, v53  }
0x59: {  	v57 =	vld [tilespmem:$0x13EC0];
	[tilespmem:$0x13E30] =	vst v1;
	v1 =	vadd.s32 v0, v54  }
0x5a: {  	v58 =	vld [tilespmem:$0x13F00];
	[tilespmem:$0x13E40] =	vst v1;
	v1 =	vadd.s32 v0, v55  }
0x5b: {  	[tilespmem:$0x13E80] =	vst v1;
	v1 =	vadd.s32 v0, v2;
	v2 =	vld [tilespmem:$0x13F10]  }
0x5c: {  	[tilespmem:$0x13E90] =	vst v1;
	v1 =	vadd.s32 v0, v3;
	v3 =	vld [tilespmem:$0x13F20]  }
0x5d: {  	v59 =	vld [tilespmem:$0x13F30];
	[tilespmem:$0x13EA0] =	vst v1;
	v1 =	vadd.s32 v0, v56  }
0x5e: {  	v60 =	vld [tilespmem:$0x13F40];
	[tilespmem:$0x13EB0] =	vst v1;
	v1 =	vadd.s32 v0, v57  }
0x5f: {  	v61 =	vld [tilespmem:$0x13F80];
	[tilespmem:$0x13EC0] =	vst v1;
	v1 =	vadd.s32 v0, v58  }
0x60: {  	[tilespmem:$0x13F00] =	vst v1;
	v1 =	vadd.s32 v0, v2;
	v2 =	vld [tilespmem:$0x13F90]  }
0x61: {  	[tilespmem:$0x13F10] =	vst v1;
	v1 =	vadd.s32 v0, v3;
	v3 =	vld [tilespmem:$0x13FA0]  }
0x62: {  	v62 =	vld [tilespmem:$0x13FB0];
	[tilespmem:$0x13F20] =	vst v1;
	v1 =	vadd.s32 v0, v59  }
0x63: {  	v63 =	vld [tilespmem:$0x13FC0];
	[tilespmem:$0x13F30] =	vst v1;
	v1 =	vadd.s32 v0, v60  }
0x64: {  	[tilespmem:$0x13F40] =	vst v1;
	v1 =	vadd.s32 v0, v61  }
0x65: {  	[tilespmem:$0x13F80] =	vst v1;
	v1 =	vadd.s32 v0, v2  }
0x66: {  	[tilespmem:$0x13F90] =	vst v1;
	v1 =	vadd.s32 v0, v3  }
0x67: {  	[tilespmem:$0x13FA0] =	vst v1;
	v1 =	vadd.s32 v0, v62  }
0x68: {  	[tilespmem:$0x13FB0] =	vst v1;
	v1 =	vadd.s32 v0, v63  }
0x69: {  	s19 =	simm.s32 $0x15600;
	s21 =	simm.s32 $0x80;
	[tilespmem:$0x13FC0] =	vst v1  }
0x6a: {  	[tilespmem:s19], [sflag:$0x1] =	stream.indirect.gather [hbm4b:s1+s24], $0x80, s14, s24, $0xb8;
	[tilespmem:$0x1F600] =	vst v63  }
0x6b: {  	s25 =	simm.s32 $0x400;
	s26 =	simm.s32 $0x14C00;
	s20 =	rddreg [dreg:$0xa]  }
0x6c: {  	[tilespmem:s26], [sflag:$0x7] =	stream.strided.gather [hbm4b:s20+s21], $0x500, s25, s21, $0x38;
	[tilespmem:$0x1F600] =	vst v63  }
.Ltmp2:
0x6d: {  	_ = 	snop;
	(pc) =	sbr.rel .LBB2_2-.Ltmp2, $4  }
0x6e: {  	s28 =	simm.s32 $0x13C80;
	s29 =	simm.s32 $0x17E00  }
0x6f: {  	[tilespmem:s29], [sflag:$0x2] =	stream.indirect.gather [hbm4b:s1+s24], $0x80, s28, s24, $0xb8;
	[tilespmem:$0x1F600] =	vst v63  }
0x70: {  	s31 =	simm.s32 $0x15100;
	s5 =	simm.s32 $0x0;
	s30 =	rddreg [dreg:$0xb]  }
0x71: {  	[tilespmem:s31], [sflag:$0x8] =	stream.strided.gather [hbm4b:s30+s21], $0x500, s25, s21, $0x38;
	[tilespmem:$0x1F600] =	vst v63  }
.LBB2_27:
0x72: {  	s5 =	rddreg [dreg:$0x12]  }
0x73: {  	s5 =	sadd.s32 $0x1, s5  }
0x74: {  	p0 =	sne.s32 s5, $0x8  }
.Ltmp3:
0x75: {  	_ = 	snop;
	(pc) =	sbr.rel @!p0 .LBB2_28-.Ltmp3, $1  }
0x76: {  	_ =	sdelay $0x3  }
.LBB2_2:
0x77: {  	s0 =	rddreg [dreg:$0xf]  }
0x78: {  	[dreg:$0x12] =	wrdreg s5  }
0x79: {  	s4 =	sshll.u32 s5, $0x8;
	s29 =	rddreg [dreg:$0x5]  }
0x7a: {  	[dreg:$0x14] =	wrdreg s4;
	s4 =	sor.u32 s0, s4;
	s0 =	sshll.u32 s5, $0x4  }
0x7b: {  	s30 =	rddreg [dreg:$0x4];
	s15 =	simm.s32 $0x0;
	s31 =	sor.u32 $0x7, s0  }
0x7c: {  	s14 =	sadd.s32 s29, s4;
	s20 =	sadd.s32 s30, s4;
	[dreg:$0x15] =	wrdreg s31  }
.LBB2_3:
0x7d: {  	p0 =	sne.s32 s15, $0x1  }
0x7e: {  	s4 =	simm.s32 @!p0 $0x0;
	s5 =	simm.s32 @!p0 $0x14000  }
0x7f: {  	[tilespmem:s5], [sflag:$0x6] =	stream.linear.gather @!p0 [hbm4b:s14+s4], $0x400, $0x38;
	[tilespmem:$0x1F600] =	vst v63  }
0x80: {  	s5 =	simm.s32 @!p0 $0x14800  }
0x81: {  	[tilespmem:s5], [sflag:$0x6] =	stream.linear.gather @!p0 [hbm4b:s20+s4], $0x400, $0x38;
	[tilespmem:$0x1F600] =	vst v63  }
0x82: {  	_ =	swait.ge [sflag:s3], $0x2800  }
0x83: {  	s6 =	sshll.u32 s15, $0x1;
	[sflag:s3] =	ssyncset.done $0x0  }
0x84: {  	s31 =	sor.u32 s0, s6;
	[sflag:s3] =	ssyncadd.s32 $0xFFFFD800  }
0x85: {  	s18 =	sor.u32 s31, s15;
	_ =	swait.ge [sflag:s22], $0x500  }
0x86: {  	p0 =	seq.s32 s18, $0x0;
	[sflag:s22] =	ssyncset.done $0x0  }
0x87: {  	s4 =	simm.s32 @!p0 $0x3;
	[sflag:s22] =	ssyncadd.s32 $0xFFFFFB00  }
0x88: {  	_ =	swait.ge @!p0 [sflag:s4], $0x2800  }
0x89: {  	[sflag:s4] =	ssyncset.done @!p0 $0x0  }
0x8a: {  	s19 =	simm.s32 $0x14C10;
	[sflag:s4] =	ssyncadd.s32 @!p0 $0xFFFFD800  }
0x8b: {  	s29 =	simm.s32 $0x15680;
	v6 =	vld [tilespmem:s19+$0x0]  }
0x8c: {  	v1 =	vld [tilespmem:s29+$0x0];
	_ =	sdelay $0x4  }
0x8d: {  	v1 =	vmul.f32 v1, v6  }
0x8e: {  	s18 =	simm.s32 $0x1A680  }
0x8f: {  	[tilespmem:s18+$0x0] =	vst v1  }
0x90: {  	v1 =	vld [tilespmem:s29+$0x10];
	_ =	sdelay $0x1  }
0x91: {  	v2 =	vld [tilespmem:s29+$0xFFFFFF80]  }
0x92: {  	v8 =	vld [tilespmem:s19+$0xFFFFFFF0];
	_ =	sdelay $0x1  }
0x93: {  	s21 =	simm.s32 $0x14C30;
	v1 =	vmul.f32 v1, v6  }
0x94: {  	s10 =	simm.s32 $0x15780;
	v9 =	vld [tilespmem:s21+$0x0]  }
0x95: {  	v3 =	vld [tilespmem:s10+$0x0];
	[tilespmem:s18+$0x10] =	vst v1  }
0x96: {  	v2 =	vmul.f32 v2, v8;
	v1 =	vld [tilespmem:s29+$0x20];
	_ =	sdelay $0x1  }
0x97: {  	[tilespmem:s18+$0xFFFFFF80] =	vst v2  }
0x98: {  	v2 =	vld [tilespmem:s29+$0xFFFFFF90]  }
0x99: {  	v5 =	vld [tilespmem:s10+$0xFFFFFF80];
	v3 =	vmul.f32 v3, v9  }
0x9a: {  	s13 =	simm.s32 $0x1A780;
	v4 =	vmul.f32 v1, v6;
	v1 =	vld [tilespmem:s21+$0xFFFFFFF0]  }
0x9b: {  	[tilespmem:s13+$0x0] =	vst v3  }
0x9c: {  	v3 =	vld [tilespmem:s10+$0x10];
	[tilespmem:s18+$0x20] =	vst v4  }
0x9d: {  	v2 =	vmul.f32 v2, v8;
	v4 =	vld [tilespmem:s29+$0x30];
	_ =	sdelay $0x1  }
0x9e: {  	[tilespmem:s18+$0xFFFFFF90] =	vst v2;
	v2 =	vmul.f32 v5, v1;
	_ =	sdelay $0x1  }
0x9f: {  	[tilespmem:s13+$0xFFFFFF80] =	vst v2;
	v2 =	vmul.f32 v3, v9  }
0xa0: {  	v4 =	vmul.f32 v4, v6  }
0xa1: {  	v5 =	vld [tilespmem:s29+$0xFFFFFFA0];
	[tilespmem:s13+$0x10] =	vst v2  }
0xa2: {  	[tilespmem:s18+$0x30] =	vst v4;
	v7 =	vld [tilespmem:s10+$0x20]  }
0xa3: {  	s19 =	simm.s32 $0x15880;
	v4 =	vld [tilespmem:s29+$0x40]  }
0xa4: {  	s25 =	simm.s32 $0x14C50;
	v10 =	vld [tilespmem:s19+$0x0]  }
0xa5: {  	v2 =	vld [tilespmem:s25+$0x0]  }
0xa6: {  	v3 =	vld [tilespmem:s10+$0xFFFFFF90];
	v5 =	vmul.f32 v5, v8  }
0xa7: {  	v7 =	vmul.f32 v7, v9  }
0xa8: {  	v11 =	vld [tilespmem:s19+$0xFFFFFF80];
	[tilespmem:s18+$0xFFFFFFA0] =	vst v5;
	v4 =	vmul.f32 v4, v6  }
0xa9: {  	v5 =	vld [tilespmem:s29+$0xFFFFFFB0];
	[tilespmem:s13+$0x20] =	vst v7  }
0xaa: {  	v10 =	vmul.f32 v10, v2;
	[tilespmem:s18+$0x40] =	vst v4;
	v7 =	vld [tilespmem:s10+$0x30]  }
0xab: {  	s4 =	simm.s32 $0x1A880;
	v12 =	vmul.f32 v3, v1;
	v4 =	vld [tilespmem:s29+$0x50]  }
0xac: {  	v3 =	vld [tilespmem:s25+$0xFFFFFFF0];
	[tilespmem:s4+$0x0] =	vst v10  }
0xad: {  	[tilespmem:s13+$0xFFFFFF90] =	vst v12;
	v10 =	vld [tilespmem:s19+$0x10]  }
0xae: {  	v12 =	vld [tilespmem:s10+$0xFFFFFFA0];
	v5 =	vmul.f32 v5, v8  }
0xaf: {  	s5 =	simm.s32 $0x15980;
	v7 =	vmul.f32 v7, v9  }
0xb0: {  	v14 =	vld [tilespmem:s5+$0x0];
	[tilespmem:s18+$0xFFFFFFB0] =	vst v5;
	v4 =	vmul.f32 v4, v6  }
0xb1: {  	v11 =	vmul.f32 v11, v3;
	v5 =	vld [tilespmem:s29+$0xFFFFFFC0];
	[tilespmem:s13+$0x30] =	vst v7  }
0xb2: {  	v16 =	vld [tilespmem:s5+$0xFFFFFF80];
	[tilespmem:s18+$0x50] =	vst v4;
	v4 =	vmul.f32 v10, v2  }
0xb3: {  	[tilespmem:s4+$0xFFFFFF80] =	vst v11;
	v11 =	vmul.f32 v12, v1;
	v7 =	vld [tilespmem:s10+$0x40]  }
0xb4: {  	v12 =	vld [tilespmem:s19+$0xFFFFFF90];
	[tilespmem:s4+$0x10] =	vst v4  }
0xb5: {  	[tilespmem:s13+$0xFFFFFFA0] =	vst v11;
	v11 =	vld [tilespmem:s19+$0x20]  }
0xb6: {  	s12 =	simm.s32 $0x14C70;
	v10 =	vld [tilespmem:s10+$0xFFFFFFB0];
	v5 =	vmul.f32 v5, v8  }
0xb7: {  	v4 =	vld [tilespmem:s12+$0x0]  }
0xb8: {  	v13 =	vld [tilespmem:s29+$0x60];
	[tilespmem:s18+$0xFFFFFFC0] =	vst v5;
	v7 =	vmul.f32 v7, v9  }
0xb9: {  	v12 =	vmul.f32 v12, v3;
	v15 =	vld [tilespmem:s29+$0xFFFFFFD0]  }
0xba: {  	v5 =	vld [tilespmem:s12+$0xFFFFFFF0];
	[tilespmem:s13+$0x40] =	vst v7;
	v11 =	vmul.f32 v11, v2  }
0xbb: {  	[tilespmem:s4+$0xFFFFFF90] =	vst v12;
	v7 =	vmul.f32 v10, v1;
	v10 =	vld [tilespmem:s10+$0x50]  }
0xbc: {  	v12 =	vmul.f32 v14, v4;
	v14 =	vld [tilespmem:s19+$0xFFFFFFA0];
	[tilespmem:s4+$0x20] =	vst v11  }
0xbd: {  	s21 =	simm.s32 $0x1A980;
	[tilespmem:s13+$0xFFFFFFB0] =	vst v7;
	v11 =	vmul.f32 v13, v6;
	v7 =	vld [tilespmem:s19+$0x30]  }
0xbe: {  	[tilespmem:s21+$0x0] =	vst v12;
	v13 =	vmul.f32 v15, v8;
	v12 =	vld [tilespmem:s10+$0xFFFFFFC0]  }
0xbf: {  	v15 =	vld [tilespmem:s5+$0x10];
	[tilespmem:s18+$0x60] =	vst v11;
	v11 =	vmul.f32 v16, v5  }
0xc0: {  	[tilespmem:s18+$0xFFFFFFD0] =	vst v13;
	v60 =	vld [tilespmem:s29+$0x70];
	v10 =	vmul.f32 v10, v9  }
0xc1: {  	v13 =	vld [tilespmem:s29+$0xFFFFFFE0];
	[tilespmem:s21+$0xFFFFFF80] =	vst v11;
	v11 =	vmul.f32 v14, v3  }
0xc2: {  	v14 =	vld [tilespmem:s5+$0xFFFFFF90];
	[tilespmem:s13+$0x50] =	vst v10;
	v7 =	vmul.f32 v7, v2  }
0xc3: {  	v10 =	vmul.f32 v12, v1;
	[tilespmem:s4+$0xFFFFFFA0] =	vst v11;
	v11 =	vld [tilespmem:s10+$0x60]  }
0xc4: {  	v12 =	vmul.f32 v15, v4;
	v15 =	vld [tilespmem:s19+$0xFFFFFFB0];
	[tilespmem:s4+$0x30] =	vst v7  }
0xc5: {  	[tilespmem:s13+$0xFFFFFFC0] =	vst v10;
	v7 =	vld [tilespmem:s19+$0x40]  }
0xc6: {  	[tilespmem:s21+$0x10] =	vst v12;
	v10 =	vld [tilespmem:s10+$0xFFFFFFD0]  }
0xc7: {  	s26 =	simm.s32 $0x14C90;
	v12 =	vmul.f32 v60, v6;
	v61 =	vld [tilespmem:s5+$0x20]  }
0xc8: {  	s28 =	simm.s32 $0x15A80;
	v6 =	vld [tilespmem:s26+$0x0];
	v11 =	vmul.f32 v11, v9  }
0xc9: {  	[tilespmem:s18+$0x70] =	vst v12;
	v12 =	vmul.f32 v13, v8;
	v13 =	vld [tilespmem:s28+$0x0]  }
0xca: {  	[tilespmem:s13+$0x60] =	vst v11;
	v11 =	vld [tilespmem:s28+$0xFFFFFF80];
	v7 =	vmul.f32 v7, v2  }
0xcb: {  	v14 =	vmul.f32 v14, v5;
	[tilespmem:s18+$0xFFFFFFE0] =	vst v12;
	v12 =	vld [tilespmem:s10+$0x70]  }
0xcc: {  	v16 =	vmul.f32 v61, v4;
	[tilespmem:s4+$0x40] =	vst v7;
	v7 =	vld [tilespmem:s26+$0xFFFFFFF0]  }
0xcd: {  	[tilespmem:s21+$0xFFFFFF90] =	vst v14;
	v14 =	vmul.f32 v15, v3;
	v15 =	vld [tilespmem:s19+$0x50]  }
0xce: {  	v62 =	vld [tilespmem:s5+$0xFFFFFFA0];
	v13 =	vmul.f32 v13, v6;
	[tilespmem:s21+$0x20] =	vst v16  }
0xcf: {  	s25 =	simm.s32 $0x1AA80;
	v10 =	vmul.f32 v10, v1;
	[tilespmem:s4+$0xFFFFFFB0] =	vst v14;
	v14 =	vld [tilespmem:s5+$0x30]  }
0xd0: {  	[tilespmem:s25+$0x0] =	vst v13;
	v13 =	vld [tilespmem:s19+$0xFFFFFFC0];
	v9 =	vmul.f32 v12, v9  }
0xd1: {  	[tilespmem:s13+$0xFFFFFFD0] =	vst v10;
	v10 =	vmul.f32 v11, v7;
	v11 =	vld [tilespmem:s28+$0x10]  }
0xd2: {  	[tilespmem:s13+$0x70] =	vst v9;
	v12 =	vmul.f32 v15, v2;
	v15 =	vld [tilespmem:s10+$0xFFFFFFE0]  }
0xd3: {  	v63 =	vld [tilespmem:s29+$0xFFFFFFF0];
	v9 =	vmul.f32 v62, v5;
	[tilespmem:s25+$0xFFFFFF80] =	vst v10  }
0xd4: {  	v10 =	vmul.f32 v14, v4;
	v17 =	vld [tilespmem:s28+$0xFFFFFF90];
	[tilespmem:s4+$0x50] =	vst v12  }
0xd5: {  	v13 =	vmul.f32 v13, v3;
	[tilespmem:s21+$0xFFFFFFA0] =	vst v9;
	v9 =	vld [tilespmem:s19+$0x60]  }
0xd6: {  	v12 =	vld [tilespmem:s5+$0xFFFFFFB0];
	[tilespmem:s21+$0x30] =	vst v10;
	v14 =	vmul.f32 v11, v6  }
0xd7: {  	[tilespmem:s4+$0xFFFFFFC0] =	vst v13;
	v11 =	vld [tilespmem:s5+$0x40];
	v15 =	vmul.f32 v15, v1  }
0xd8: {  	v8 =	vmul.f32 v63, v8;
	v10 =	vld [tilespmem:s19+$0xFFFFFFD0];
	[tilespmem:s25+$0x10] =	vst v14  }
0xd9: {  	s30 =	simm.s32 $0x14CB0;
	s29 =	simm.s32 $0x8;
	s26 =	simm.s32 $0x15A80;
	v14 =	vmul.f32 v17, v7;
	v13 =	vld [tilespmem:s28+$0x20];
	[tilespmem:s13+$0xFFFFFFE0] =	vst v15  }
.LBB2_4:
0xda: {  	v15 =	vld [tilespmem:s30+$0x0];
	s28 =	sadd.s32 $0x100, s28;
	v9 =	vmul.f32 v9, v2;
	[tilespmem:s18+$0xFFFFFFF0] =	vst v8;
	s18 =	smov.u32 s13;
	s13 =	smov.u32 s4  }
0xdb: {  	s29 =	sadd.s32 $0x2, s29;
	s4 =	smov.u32 s21;
	s21 =	smov.u32 s25;
	v8 =	vld [tilespmem:s28+$0x0];
	[tilespmem:s25+$0xFFFFFF90] =	vst v14;
	v12 =	vmul.f32 v12, v5  }
0xdc: {  	p0 =	slt.u32 s29, $0x4E;
	v14 =	vld [tilespmem:s28+$0xFFFFFF80];
	v11 =	vmul.f32 v11, v4;
	[tilespmem:s13+$0x60] =	vst v9  }
0xdd: {  	[tilespmem:s4+$0xFFFFFFB0] =	vst v12;
	v9 =	vmul.f32 v10, v3;
	v10 =	vld [tilespmem:s19+$0x70]  }
0xde: {  	v16 =	vld [tilespmem:s30+$0xFFFFFFF0];
	v12 =	vmul.f32 v13, v6;
	[tilespmem:s4+$0x40] =	vst v11  }
0xdf: {  	v11 =	vld [tilespmem:s5+$0x50];
	[tilespmem:s13+$0xFFFFFFD0] =	vst v9  }
0xe0: {  	v8 =	vmul.f32 v8, v15;
	v9 =	vld [tilespmem:s26+$0xFFFFFFA0];
	[tilespmem:s25+$0x20] =	vst v12  }
0xe1: {  	s25 =	sadd.s32 $0x100, s25;
	v12 =	vld [tilespmem:s26+$0x30]  }
0xe2: {  	[tilespmem:s25+$0x0] =	vst v8;
	v8 =	vld [tilespmem:s5+$0xFFFFFFC0];
	v10 =	vmul.f32 v10, v2;
	v2 =	vmovc v4;
	v4 =	vmov v6;
	v6 =	vmov v15  }
0xe3: {  	v13 =	vmul.f32 v14, v16;
	v14 =	vld [tilespmem:s28+$0x10]  }
0xe4: {  	v11 =	vmul.f32 v11, v2;
	v15 =	vld [tilespmem:s19+$0xFFFFFFE0];
	[tilespmem:s13+$0x70] =	vst v10  }
0xe5: {  	[tilespmem:s25+$0xFFFFFF80] =	vst v13;
	v9 =	vmul.f32 v9, v7;
	v13 =	vld [tilespmem:s10+$0xFFFFFFF0];
	s10 =	smov.u32 s19;
	s19 =	smov.u32 s5;
	s5 =	smov.u32 s26  }
0xe6: {  	s26 =	smov.u32 s28;
	v17 =	vld [tilespmem:s28+$0xFFFFFF90];
	v10 =	vmul.f32 v12, v4;
	[tilespmem:s4+$0x50] =	vst v11  }
.Ltmp4:
0xe7: {  	[tilespmem:s21+$0xFFFFFFA0] =	vst v9;
	v8 =	vmul.f32 v8, v5;
	v9 =	vld [tilespmem:s19+$0x60];
	(pc) =	sbr.rel @p0 .LBB2_4-.Ltmp4, $4  }
0xe8: {  	v14 =	vmul.f32 v14, v6;
	v12 =	vld [tilespmem:s5+$0xFFFFFFB0];
	[tilespmem:s21+$0x30] =	vst v10  }
0xe9: {  	v11 =	vld [tilespmem:s5+$0x40];
	[tilespmem:s4+$0xFFFFFFC0] =	vst v8;
	v15 =	vmul.f32 v15, v3  }
0xea: {  	[tilespmem:s25+$0x10] =	vst v14;
	v10 =	vld [tilespmem:s19+$0xFFFFFFD0];
	v8 =	vmul.f32 v13, v1;
	v1 =	vmovc v3;
	v3 =	vmovc v5;
	v5 =	vmov v7;
	v7 =	vmov v16  }
0xeb: {  	s30 =	sadd.s32 $0x20, s30;
	v14 =	vmul.f32 v17, v7;
	v13 =	vld [tilespmem:s28+$0x20];
	[tilespmem:s13+$0xFFFFFFE0] =	vst v15  }
0xec: {  	_ = 	snop  }
0xed: {  	[tilespmem:s25+$0xFFFFFF90] =	vst v14  }
0xee: {  	v14 =	vld [tilespmem:s26+$0xFFFFFFA0];
	_ =	sdelay $0x2  }
0xef: {  	v13 =	vmul.f32 v13, v6;
	_ =	sdelay $0x1  }
0xf0: {  	[tilespmem:s25+$0x20] =	vst v13;
	v44 =	vmul.f32 v14, v7  }
0xf1: {  	v45 =	vld [tilespmem:s26+$0x30]  }
0xf2: {  	[tilespmem:s25+$0xFFFFFFA0] =	vst v44  }
0xf3: {  	v13 =	vld [tilespmem:s26+$0xFFFFFFB0];
	_ =	sdelay $0x2  }
0xf4: {  	v14 =	vmul.f32 v45, v6  }
0xf5: {  	v12 =	vmul.f32 v12, v5  }
0xf6: {  	[tilespmem:s25+$0x30] =	vst v14;
	v13 =	vmul.f32 v13, v7  }
0xf7: {  	[tilespmem:s21+$0xFFFFFFB0] =	vst v12;
	v46 =	vld [tilespmem:s26+$0x40]  }
0xf8: {  	v47 =	vld [tilespmem:s5+$0xFFFFFFC0];
	[tilespmem:s25+$0xFFFFFFB0] =	vst v13  }
0xf9: {  	v13 =	vld [tilespmem:s26+$0xFFFFFFC0]  }
0xfa: {  	v11 =	vmul.f32 v11, v4;
	_ =	sdelay $0x1  }
0xfb: {  	[tilespmem:s21+$0x40] =	vst v11;
	v48 =	vmul.f32 v46, v6  }
0xfc: {  	v49 =	vld [tilespmem:s5+$0x50];
	v14 =	vmul.f32 v47, v5  }
0xfd: {  	[tilespmem:s25+$0x40] =	vst v48;
	v50 =	vmul.f32 v13, v7  }
0xfe: {  	[tilespmem:s21+$0xFFFFFFC0] =	vst v14;
	v51 =	vld [tilespmem:s26+$0x50]  }
0xff: {  	v14 =	vld [tilespmem:s5+$0xFFFFFFD0];
	[tilespmem:s25+$0xFFFFFFC0] =	vst v50  }
0x100: {  	v11 =	vld [tilespmem:s26+$0xFFFFFFD0]  }
0x101: {  	v12 =	vmul.f32 v49, v4  }
0x102: {  	v10 =	vmul.f32 v10, v3  }
0x103: {  	[tilespmem:s21+$0x50] =	vst v12;
	v52 =	vmul.f32 v51, v6  }
0x104: {  	[tilespmem:s4+$0xFFFFFFD0] =	vst v10;
	v53 =	vld [tilespmem:s5+$0x60];
	v54 =	vmul.f32 v14, v5  }
0x105: {  	v55 =	vld [tilespmem:s19+$0xFFFFFFE0];
	[tilespmem:s25+$0x50] =	vst v52;
	v11 =	vmul.f32 v11, v7  }
0x106: {  	[tilespmem:s21+$0xFFFFFFD0] =	vst v54;
	v12 =	vld [tilespmem:s26+$0x60]  }
0x107: {  	v9 =	vmul.f32 v9, v2;
	v13 =	vld [tilespmem:s5+$0xFFFFFFE0];
	[tilespmem:s25+$0xFFFFFFD0] =	vst v11  }
0x108: {  	v11 =	vld [tilespmem:s26+$0xFFFFFFE0]  }
0x109: {  	[tilespmem:s4+$0x60] =	vst v9;
	v56 =	vmul.f32 v53, v4  }
0x10a: {  	v57 =	vld [tilespmem:s19+$0x70];
	v14 =	vmul.f32 v55, v3  }
0x10b: {  	v58 =	vld [tilespmem:s10+$0xFFFFFFF0];
	[tilespmem:s21+$0x60] =	vst v56;
	v12 =	vmul.f32 v12, v6  }
0x10c: {  	v59 =	vld [tilespmem:s5+$0x70];
	[tilespmem:s4+$0xFFFFFFE0] =	vst v14;
	v13 =	vmul.f32 v13, v5  }
0x10d: {  	v60 =	vld [tilespmem:s19+$0xFFFFFFF0];
	[tilespmem:s25+$0x60] =	vst v12;
	v11 =	vmul.f32 v11, v7  }
0x10e: {  	[tilespmem:s21+$0xFFFFFFE0] =	vst v13;
	v61 =	vld [tilespmem:s26+$0x70]  }
0x10f: {  	v2 =	vmul.f32 v57, v2;
	v62 =	vld [tilespmem:s5+$0xFFFFFFF0];
	[tilespmem:s25+$0xFFFFFFE0] =	vst v11  }
0x110: {  	[tilespmem:s18+$0xFFFFFFF0] =	vst v8;
	v1 =	vmul.f32 v58, v1;
	v63 =	vld [tilespmem:s26+$0xFFFFFFF0]  }
0x111: {  	[tilespmem:s4+$0x70] =	vst v2;
	v2 =	vmul.f32 v59, v4  }
0x112: {  	[tilespmem:s13+$0xFFFFFFF0] =	vst v1;
	v1 =	vmul.f32 v60, v3  }
0x113: {  	p0 =	sne.s32 s15, $0x3;
	[tilespmem:s21+$0x70] =	vst v2;
	v2 =	vmul.f32 v61, v6  }
.Ltmp5:
0x114: {  	[tilespmem:s4+$0xFFFFFFF0] =	vst v1;
	v1 =	vmul.f32 v62, v5;
	(pc) =	sbr.rel @!p0 .LBB2_6-.Ltmp5, $4  }
0x115: {  	s18 =	sshll.u32 s15, $0xA;
	[tilespmem:s25+$0x70] =	vst v2;
	v2 =	vmul.f32 v63, v7  }
0x116: {  	s4 =	sadd.s32 $0x2, s31;
	s5 =	sshrl.u32 s18, $0x2;
	[tilespmem:s21+$0xFFFFFFF0] =	vst v1  }
0x117: {  	s30 =	simm.s32 $0x1A600;
	s10 =	sor.u32 s9, s4;
	s29 =	sadd.s32 $0x14400, s5;
	[tilespmem:s25+$0xFFFFFFF0] =	vst v2  }
0x118: {  	[spmem:s2] =	stream.indirect.scatter.add.f32 [tilespmem:s30], [sflag:$0x3], $0x80, s29, s24, $0xb8;
	[tilespmem:$0x1F600] =	vst v63  }
0x119: {  	s5 =	sadd.s32 $0x13D00, s5;
	s12 =	simm.s32 $0x15600;
	s26 =	sshrl.u32 s10, $0x3  }
0x11a: {  	[tilespmem:s12], [sflag:$0x1] =	stream.indirect.gather [hbm4b:s1+s24], $0x80, s5, s24, $0xb8;
	[tilespmem:$0x1F600] =	vst v63  }
0x11b: {  	s4 =	sshll.u32 s4, $0x7;
	p0 =	sne.s32 s15, $0x2;
	s5 =	smul.u32 $0x2800, s26  }
.Ltmp6:
0x11c: {  	s4 =	sand.u32 $0x300, s4;
	(pc) =	sbr.rel @p0 .LBB2_9-.Ltmp6, $4  }
0x11d: {  	s28 =	simm.s32 $0x80;
	s4 =	sor.u32 s4, s5  }
0x11e: {  	s29 =	simm.s32 $0x400;
	s6 =	sor.u32 $0x1, s6;
	s4 =	sshrl.u32 s4, $0x3  }
0x11f: {  	s30 =	simm.s32 $0x14C00;
	s31 =	sor.u32 s0, s6;
	s4 =	sadd.s32 s7, s4  }
0x120: {  	[tilespmem:s30], [sflag:$0x7] =	stream.strided.gather [hbm4b:s4+s28], $0x500, s29, s28, $0x38;
	[tilespmem:$0x1F600] =	vst v63  }
0x121: {  	s4 =	simm.s32 $0x6  }
0x122: {  	_ =	swait.ge [sflag:s4], $0x400  }
0x123: {  	[sflag:s4] =	ssyncset.done $0x0  }
0x124: {  	[sflag:s4] =	ssyncadd.s32 $0xFFFFFC00  }
0x125: {  	_ =	swait.ge [sflag:s4], $0x400  }
0x126: {  	[sflag:s4] =	ssyncset.done $0x0  }
0x127: {  	[sflag:s4] =	ssyncadd.s32 $0xFFFFFC00  }
0x128: {  	v1 =	vld [tilespmem:$0x14000]  }
0x129: {  	v2 =	vld [tilespmem:$0x14010]  }
0x12a: {  	v3 =	vld [tilespmem:$0x14020]  }
0x12b: {  	v4 =	vld [tilespmem:$0x14030]  }
0x12c: {  	v5 =	vld [tilespmem:$0x14040]  }
0x12d: {  	v6 =	vld [tilespmem:$0x14080];
	v1 =	vadd.s32 v0, v1  }
0x12e: {  	[tilespmem:$0x14000] =	vst v1;
	v1 =	vadd.s32 v0, v2;
	v2 =	vld [tilespmem:$0x14090]  }
0x12f: {  	[tilespmem:$0x14010] =	vst v1;
	v1 =	vadd.s32 v0, v3;
	v3 =	vld [tilespmem:$0x140A0]  }
0x130: {  	v44 =	vld [tilespmem:$0x140B0];
	[tilespmem:$0x14020] =	vst v1;
	v1 =	vadd.s32 v0, v4  }
0x131: {  	v45 =	vld [tilespmem:$0x140C0];
	[tilespmem:$0x14030] =	vst v1;
	v1 =	vadd.s32 v0, v5  }
0x132: {  	v46 =	vld [tilespmem:$0x14100];
	[tilespmem:$0x14040] =	vst v1;
	v1 =	vadd.s32 v0, v6  }
0x133: {  	[tilespmem:$0x14080] =	vst v1;
	v1 =	vadd.s32 v0, v2;
	v2 =	vld [tilespmem:$0x14110]  }
0x134: {  	[tilespmem:$0x14090] =	vst v1;
	v1 =	vadd.s32 v0, v3;
	v3 =	vld [tilespmem:$0x14120]  }
0x135: {  	v47 =	vld [tilespmem:$0x14130];
	[tilespmem:$0x140A0] =	vst v1;
	v1 =	vadd.s32 v0, v44  }
0x136: {  	v48 =	vld [tilespmem:$0x14140];
	[tilespmem:$0x140B0] =	vst v1;
	v1 =	vadd.s32 v0, v45  }
0x137: {  	v49 =	vld [tilespmem:$0x14180];
	[tilespmem:$0x140C0] =	vst v1;
	v1 =	vadd.s32 v0, v46  }
0x138: {  	[tilespmem:$0x14100] =	vst v1;
	v1 =	vadd.s32 v0, v2;
	v2 =	vld [tilespmem:$0x14190]  }
0x139: {  	[tilespmem:$0x14110] =	vst v1;
	v1 =	vadd.s32 v0, v3;
	v3 =	vld [tilespmem:$0x141A0]  }
0x13a: {  	v50 =	vld [tilespmem:$0x141B0];
	[tilespmem:$0x14120] =	vst v1;
	v1 =	vadd.s32 v0, v47  }
0x13b: {  	v51 =	vld [tilespmem:$0x141C0];
	[tilespmem:$0x14130] =	vst v1;
	v1 =	vadd.s32 v0, v48  }
0x13c: {  	v52 =	vld [tilespmem:$0x14200];
	[tilespmem:$0x14140] =	vst v1;
	v1 =	vadd.s32 v0, v49  }
0x13d: {  	[tilespmem:$0x14180] =	vst v1;
	v1 =	vadd.s32 v0, v2;
	v2 =	vld [tilespmem:$0x14210]  }
0x13e: {  	[tilespmem:$0x14190] =	vst v1;
	v1 =	vadd.s32 v0, v3;
	v3 =	vld [tilespmem:$0x14220]  }
0x13f: {  	v53 =	vld [tilespmem:$0x14230];
	[tilespmem:$0x141A0] =	vst v1;
	v1 =	vadd.s32 v0, v50  }
0x140: {  	v54 =	vld [tilespmem:$0x14240];
	[tilespmem:$0x141B0] =	vst v1;
	v1 =	vadd.s32 v0, v51  }
0x141: {  	v55 =	vld [tilespmem:$0x14280];
	[tilespmem:$0x141C0] =	vst v1;
	v1 =	vadd.s32 v0, v52  }
0x142: {  	[tilespmem:$0x14200] =	vst v1;
	v1 =	vadd.s32 v0, v2;
	v2 =	vld [tilespmem:$0x14290]  }
0x143: {  	[tilespmem:$0x14210] =	vst v1;
	v1 =	vadd.s32 v0, v3;
	v3 =	vld [tilespmem:$0x142A0]  }
0x144: {  	v56 =	vld [tilespmem:$0x142B0];
	[tilespmem:$0x14220] =	vst v1;
	v1 =	vadd.s32 v0, v53  }
0x145: {  	v57 =	vld [tilespmem:$0x142C0];
	[tilespmem:$0x14230] =	vst v1;
	v1 =	vadd.s32 v0, v54  }
0x146: {  	v58 =	vld [tilespmem:$0x14300];
	[tilespmem:$0x14240] =	vst v1;
	v1 =	vadd.s32 v0, v55  }
0x147: {  	[tilespmem:$0x14280] =	vst v1;
	v1 =	vadd.s32 v0, v2;
	v2 =	vld [tilespmem:$0x14310]  }
0x148: {  	[tilespmem:$0x14290] =	vst v1;
	v1 =	vadd.s32 v0, v3;
	v3 =	vld [tilespmem:$0x14320]  }
0x149: {  	v59 =	vld [tilespmem:$0x14330];
	[tilespmem:$0x142A0] =	vst v1;
	v1 =	vadd.s32 v0, v56  }
0x14a: {  	v60 =	vld [tilespmem:$0x14340];
	[tilespmem:$0x142B0] =	vst v1;
	v1 =	vadd.s32 v0, v57  }
0x14b: {  	v61 =	vld [tilespmem:$0x14380];
	[tilespmem:$0x142C0] =	vst v1;
	v1 =	vadd.s32 v0, v58  }
0x14c: {  	[tilespmem:$0x14300] =	vst v1;
	v1 =	vadd.s32 v0, v2;
	v2 =	vld [tilespmem:$0x14390]  }
0x14d: {  	[tilespmem:$0x14310] =	vst v1;
	v1 =	vadd.s32 v0, v3;
	v3 =	vld [tilespmem:$0x143A0]  }
0x14e: {  	v62 =	vld [tilespmem:$0x143B0];
	[tilespmem:$0x14320] =	vst v1;
	v1 =	vadd.s32 v0, v59  }
0x14f: {  	v63 =	vld [tilespmem:$0x143C0];
	[tilespmem:$0x14330] =	vst v1;
	v1 =	vadd.s32 v0, v60  }
0x150: {  	[tilespmem:$0x14340] =	vst v1;
	v1 =	vadd.s32 v0, v61  }
.Ltmp7:
0x151: {  	[tilespmem:$0x14380] =	vst v1;
	v1 =	vadd.s32 v0, v2;
	(pc) =	sbr.rel .LBB2_9-.Ltmp7, $4  }
0x152: {  	[tilespmem:$0x14390] =	vst v1;
	v1 =	vadd.s32 v0, v3  }
0x153: {  	[tilespmem:$0x143A0] =	vst v1;
	v1 =	vadd.s32 v0, v62  }
0x154: {  	[tilespmem:$0x143B0] =	vst v1;
	v1 =	vadd.s32 v0, v63  }
0x155: {  	[tilespmem:$0x143C0] =	vst v1  }
.LBB2_6:
0x156: {  	s4 =	sshrl.u32 s10, $0x3  }
0x157: {  	s5 =	simm.s32 $0x15600;
	s6 =	simm.s32 $0x14000;
	s28 =	simm.s32 $0x80  }
0x158: {  	s29 =	simm.s32 $0x400;
	s30 =	simm.s32 $0x14C00;
	s4 =	smul.u32 $0x500, s4  }
0x159: {  	[tilespmem:s5], [sflag:$0x1] =	stream.indirect.gather [hbm4b:s1+s24], $0x80, s6, s24, $0xb8;
	[tilespmem:$0x1F600] =	vst v63  }
0x15a: {  	s31 =	rddreg [dreg:$0x15];
	s6 =	simm.s32 $0x7;
	s4 =	sadd.s32 s7, s4  }
0x15b: {  	[tilespmem:s30], [sflag:$0x7] =	stream.strided.gather [hbm4b:s4+s28], $0x500, s29, s28, $0x38;
	[tilespmem:$0x1F600] =	vst v63  }
.LBB2_9:
0x15c: {  	_ =	swait.ge [sflag:s8], $0x2800  }
0x15d: {  	[sflag:s8] =	ssyncset.done $0x0  }
0x15e: {  	[sflag:s8] =	ssyncadd.s32 $0xFFFFD800  }
0x15f: {  	p0 =	sne.s32 s15, $0x0;
	_ =	swait.ge [sflag:s11], $0x500  }
0x160: {  	p1 =	seq.s32 @!p0 s31, $0x1;
	[sflag:s11] =	ssyncset.done $0x0  }
0x161: {  	p0 =	por p0, !p1;
	[sflag:s11] =	ssyncadd.s32 $0xFFFFFB00  }
0x162: {  	_ =	swait.ge @p0 [sflag:s17], $0x2800  }
0x163: {  	[sflag:s17] =	ssyncset.done @p0 $0x0  }
0x164: {  	s4 =	simm.s32 $0x15110;
	[sflag:s17] =	ssyncadd.s32 @p0 $0xFFFFD800  }
0x165: {  	s26 =	simm.s32 $0x17E80;
	v6 =	vld [tilespmem:s4+$0x0]  }
0x166: {  	v1 =	vld [tilespmem:s26+$0x0];
	_ =	sdelay $0x4  }
0x167: {  	v1 =	vmul.f32 v1, v6  }
0x168: {  	s21 =	simm.s32 $0x1CE80  }
0x169: {  	[tilespmem:s21+$0x0] =	vst v1  }
0x16a: {  	v1 =	vld [tilespmem:s26+$0x10];
	_ =	sdelay $0x1  }
0x16b: {  	v2 =	vld [tilespmem:s26+$0xFFFFFF80]  }
0x16c: {  	v8 =	vld [tilespmem:s4+$0xFFFFFFF0];
	_ =	sdelay $0x1  }
0x16d: {  	s19 =	simm.s32 $0x15130;
	v1 =	vmul.f32 v1, v6  }
0x16e: {  	s10 =	simm.s32 $0x17F80;
	v9 =	vld [tilespmem:s19+$0x0]  }
0x16f: {  	v3 =	vld [tilespmem:s10+$0x0];
	[tilespmem:s21+$0x10] =	vst v1  }
0x170: {  	v2 =	vmul.f32 v2, v8;
	v1 =	vld [tilespmem:s26+$0x20];
	_ =	sdelay $0x1  }
0x171: {  	[tilespmem:s21+$0xFFFFFF80] =	vst v2  }
0x172: {  	v2 =	vld [tilespmem:s26+$0xFFFFFF90]  }
0x173: {  	v5 =	vld [tilespmem:s10+$0xFFFFFF80];
	v3 =	vmul.f32 v3, v9  }
0x174: {  	s13 =	simm.s32 $0x1CF80;
	v4 =	vmul.f32 v1, v6;
	v1 =	vld [tilespmem:s19+$0xFFFFFFF0]  }
0x175: {  	[tilespmem:s13+$0x0] =	vst v3  }
0x176: {  	v3 =	vld [tilespmem:s10+$0x10];
	[tilespmem:s21+$0x20] =	vst v4  }
0x177: {  	v2 =	vmul.f32 v2, v8;
	v4 =	vld [tilespmem:s26+$0x30];
	_ =	sdelay $0x1  }
0x178: {  	[tilespmem:s21+$0xFFFFFF90] =	vst v2;
	v2 =	vmul.f32 v5, v1;
	_ =	sdelay $0x1  }
0x179: {  	[tilespmem:s13+$0xFFFFFF80] =	vst v2;
	v2 =	vmul.f32 v3, v9  }
0x17a: {  	v4 =	vmul.f32 v4, v6  }
0x17b: {  	v5 =	vld [tilespmem:s26+$0xFFFFFFA0];
	[tilespmem:s13+$0x10] =	vst v2  }
0x17c: {  	[tilespmem:s21+$0x30] =	vst v4;
	v7 =	vld [tilespmem:s10+$0x20]  }
0x17d: {  	s19 =	simm.s32 $0x18080;
	v4 =	vld [tilespmem:s26+$0x40]  }
0x17e: {  	s25 =	simm.s32 $0x15150;
	v10 =	vld [tilespmem:s19+$0x0]  }
0x17f: {  	v2 =	vld [tilespmem:s25+$0x0]  }
0x180: {  	v3 =	vld [tilespmem:s10+$0xFFFFFF90];
	v5 =	vmul.f32 v5, v8  }
0x181: {  	v7 =	vmul.f32 v7, v9  }
0x182: {  	v11 =	vld [tilespmem:s19+$0xFFFFFF80];
	[tilespmem:s21+$0xFFFFFFA0] =	vst v5;
	v4 =	vmul.f32 v4, v6  }
0x183: {  	v5 =	vld [tilespmem:s26+$0xFFFFFFB0];
	[tilespmem:s13+$0x20] =	vst v7  }
0x184: {  	v10 =	vmul.f32 v10, v2;
	[tilespmem:s21+$0x40] =	vst v4;
	v7 =	vld [tilespmem:s10+$0x30]  }
0x185: {  	s4 =	simm.s32 $0x1D080;
	v12 =	vmul.f32 v3, v1;
	v4 =	vld [tilespmem:s26+$0x50]  }
0x186: {  	v3 =	vld [tilespmem:s25+$0xFFFFFFF0];
	[tilespmem:s4+$0x0] =	vst v10  }
0x187: {  	[tilespmem:s13+$0xFFFFFF90] =	vst v12;
	v10 =	vld [tilespmem:s19+$0x10]  }
0x188: {  	v12 =	vld [tilespmem:s10+$0xFFFFFFA0];
	v5 =	vmul.f32 v5, v8  }
0x189: {  	s5 =	simm.s32 $0x18180;
	v7 =	vmul.f32 v7, v9  }
0x18a: {  	v14 =	vld [tilespmem:s5+$0x0];
	[tilespmem:s21+$0xFFFFFFB0] =	vst v5;
	v4 =	vmul.f32 v4, v6  }
0x18b: {  	v11 =	vmul.f32 v11, v3;
	v5 =	vld [tilespmem:s26+$0xFFFFFFC0];
	[tilespmem:s13+$0x30] =	vst v7  }
0x18c: {  	v16 =	vld [tilespmem:s5+$0xFFFFFF80];
	[tilespmem:s21+$0x50] =	vst v4;
	v4 =	vmul.f32 v10, v2  }
0x18d: {  	[tilespmem:s4+$0xFFFFFF80] =	vst v11;
	v11 =	vmul.f32 v12, v1;
	v7 =	vld [tilespmem:s10+$0x40]  }
0x18e: {  	v12 =	vld [tilespmem:s19+$0xFFFFFF90];
	[tilespmem:s4+$0x10] =	vst v4  }
0x18f: {  	[tilespmem:s13+$0xFFFFFFA0] =	vst v11;
	v11 =	vld [tilespmem:s19+$0x20]  }
0x190: {  	s12 =	simm.s32 $0x15170;
	v10 =	vld [tilespmem:s10+$0xFFFFFFB0];
	v5 =	vmul.f32 v5, v8  }
0x191: {  	v4 =	vld [tilespmem:s12+$0x0]  }
0x192: {  	v13 =	vld [tilespmem:s26+$0x60];
	[tilespmem:s21+$0xFFFFFFC0] =	vst v5;
	v7 =	vmul.f32 v7, v9  }
0x193: {  	v12 =	vmul.f32 v12, v3;
	v15 =	vld [tilespmem:s26+$0xFFFFFFD0]  }
0x194: {  	v5 =	vld [tilespmem:s12+$0xFFFFFFF0];
	[tilespmem:s13+$0x40] =	vst v7;
	v11 =	vmul.f32 v11, v2  }
0x195: {  	[tilespmem:s4+$0xFFFFFF90] =	vst v12;
	v7 =	vmul.f32 v10, v1;
	v10 =	vld [tilespmem:s10+$0x50]  }
0x196: {  	v12 =	vmul.f32 v14, v4;
	v14 =	vld [tilespmem:s19+$0xFFFFFFA0];
	[tilespmem:s4+$0x20] =	vst v11  }
0x197: {  	s25 =	simm.s32 $0x1D180;
	[tilespmem:s13+$0xFFFFFFB0] =	vst v7;
	v11 =	vmul.f32 v13, v6;
	v7 =	vld [tilespmem:s19+$0x30]  }
0x198: {  	[tilespmem:s25+$0x0] =	vst v12;
	v13 =	vmul.f32 v15, v8;
	v12 =	vld [tilespmem:s10+$0xFFFFFFC0]  }
0x199: {  	v15 =	vld [tilespmem:s5+$0x10];
	[tilespmem:s21+$0x60] =	vst v11;
	v11 =	vmul.f32 v16, v5  }
0x19a: {  	[tilespmem:s21+$0xFFFFFFD0] =	vst v13;
	v60 =	vld [tilespmem:s26+$0x70];
	v10 =	vmul.f32 v10, v9  }
0x19b: {  	v13 =	vld [tilespmem:s26+$0xFFFFFFE0];
	[tilespmem:s25+$0xFFFFFF80] =	vst v11;
	v11 =	vmul.f32 v14, v3  }
0x19c: {  	v14 =	vld [tilespmem:s5+$0xFFFFFF90];
	[tilespmem:s13+$0x50] =	vst v10;
	v7 =	vmul.f32 v7, v2  }
0x19d: {  	v10 =	vmul.f32 v12, v1;
	[tilespmem:s4+$0xFFFFFFA0] =	vst v11;
	v11 =	vld [tilespmem:s10+$0x60]  }
0x19e: {  	v12 =	vmul.f32 v15, v4;
	v15 =	vld [tilespmem:s19+$0xFFFFFFB0];
	[tilespmem:s4+$0x30] =	vst v7  }
0x19f: {  	[tilespmem:s13+$0xFFFFFFC0] =	vst v10;
	v7 =	vld [tilespmem:s19+$0x40]  }
0x1a0: {  	[tilespmem:s25+$0x10] =	vst v12;
	v10 =	vld [tilespmem:s10+$0xFFFFFFD0]  }
0x1a1: {  	s12 =	simm.s32 $0x15190;
	v12 =	vmul.f32 v60, v6;
	v61 =	vld [tilespmem:s5+$0x20]  }
0x1a2: {  	s28 =	simm.s32 $0x18280;
	v6 =	vld [tilespmem:s12+$0x0];
	v11 =	vmul.f32 v11, v9  }
0x1a3: {  	[tilespmem:s21+$0x70] =	vst v12;
	v12 =	vmul.f32 v13, v8;
	v13 =	vld [tilespmem:s28+$0x0]  }
0x1a4: {  	[tilespmem:s13+$0x60] =	vst v11;
	v11 =	vld [tilespmem:s28+$0xFFFFFF80];
	v7 =	vmul.f32 v7, v2  }
0x1a5: {  	v14 =	vmul.f32 v14, v5;
	[tilespmem:s21+$0xFFFFFFE0] =	vst v12;
	v12 =	vld [tilespmem:s10+$0x70]  }
0x1a6: {  	v16 =	vmul.f32 v61, v4;
	[tilespmem:s4+$0x40] =	vst v7;
	v7 =	vld [tilespmem:s12+$0xFFFFFFF0]  }
0x1a7: {  	[tilespmem:s25+$0xFFFFFF90] =	vst v14;
	v14 =	vmul.f32 v15, v3;
	v15 =	vld [tilespmem:s19+$0x50]  }
0x1a8: {  	v62 =	vld [tilespmem:s5+$0xFFFFFFA0];
	v13 =	vmul.f32 v13, v6;
	[tilespmem:s25+$0x20] =	vst v16  }
0x1a9: {  	s29 =	simm.s32 $0x1D280;
	v10 =	vmul.f32 v10, v1;
	[tilespmem:s4+$0xFFFFFFB0] =	vst v14;
	v14 =	vld [tilespmem:s5+$0x30]  }
0x1aa: {  	[tilespmem:s29+$0x0] =	vst v13;
	v13 =	vld [tilespmem:s19+$0xFFFFFFC0];
	v9 =	vmul.f32 v12, v9  }
0x1ab: {  	[tilespmem:s13+$0xFFFFFFD0] =	vst v10;
	v10 =	vmul.f32 v11, v7;
	v11 =	vld [tilespmem:s28+$0x10]  }
0x1ac: {  	[tilespmem:s13+$0x70] =	vst v9;
	v12 =	vmul.f32 v15, v2;
	v15 =	vld [tilespmem:s10+$0xFFFFFFE0]  }
0x1ad: {  	v63 =	vld [tilespmem:s26+$0xFFFFFFF0];
	v9 =	vmul.f32 v62, v5;
	[tilespmem:s29+$0xFFFFFF80] =	vst v10  }
0x1ae: {  	v10 =	vmul.f32 v14, v4;
	v17 =	vld [tilespmem:s28+$0xFFFFFF90];
	[tilespmem:s4+$0x50] =	vst v12  }
0x1af: {  	v13 =	vmul.f32 v13, v3;
	[tilespmem:s25+$0xFFFFFFA0] =	vst v9;
	v9 =	vld [tilespmem:s19+$0x60]  }
0x1b0: {  	v12 =	vld [tilespmem:s5+$0xFFFFFFB0];
	[tilespmem:s25+$0x30] =	vst v10;
	v14 =	vmul.f32 v11, v6  }
0x1b1: {  	[tilespmem:s4+$0xFFFFFFC0] =	vst v13;
	v11 =	vld [tilespmem:s5+$0x40];
	v15 =	vmul.f32 v15, v1  }
0x1b2: {  	s30 =	simm.s32 $0x8;
	v8 =	vmul.f32 v63, v8;
	v10 =	vld [tilespmem:s19+$0xFFFFFFD0];
	[tilespmem:s29+$0x10] =	vst v14  }
0x1b3: {  	p0 =	seq.s32 s15, $0x3;
	s26 =	simm.s32 $0x18280;
	s12 =	simm.s32 $0x151B0;
	v14 =	vmul.f32 v17, v7;
	v13 =	vld [tilespmem:s28+$0x20];
	[tilespmem:s13+$0xFFFFFFE0] =	vst v15  }
.LBB2_10:
0x1b4: {  	v15 =	vld [tilespmem:s12+$0x0];
	s28 =	sadd.s32 $0x100, s28;
	v9 =	vmul.f32 v9, v2;
	[tilespmem:s21+$0xFFFFFFF0] =	vst v8;
	s21 =	smov.u32 s13;
	s13 =	smov.u32 s4  }
0x1b5: {  	s30 =	sadd.s32 $0x2, s30;
	s4 =	smov.u32 s25;
	s25 =	smov.u32 s29;
	v8 =	vld [tilespmem:s28+$0x0];
	[tilespmem:s29+$0xFFFFFF90] =	vst v14;
	v12 =	vmul.f32 v12, v5  }
0x1b6: {  	p1 =	slt.u32 s30, $0x4E;
	v14 =	vld [tilespmem:s28+$0xFFFFFF80];
	v11 =	vmul.f32 v11, v4;
	[tilespmem:s13+$0x60] =	vst v9  }
0x1b7: {  	[tilespmem:s4+$0xFFFFFFB0] =	vst v12;
	v9 =	vmul.f32 v10, v3;
	v10 =	vld [tilespmem:s19+$0x70]  }
0x1b8: {  	v16 =	vld [tilespmem:s12+$0xFFFFFFF0];
	v12 =	vmul.f32 v13, v6;
	[tilespmem:s4+$0x40] =	vst v11  }
0x1b9: {  	v11 =	vld [tilespmem:s5+$0x50];
	[tilespmem:s13+$0xFFFFFFD0] =	vst v9  }
0x1ba: {  	v8 =	vmul.f32 v8, v15;
	v9 =	vld [tilespmem:s26+$0xFFFFFFA0];
	[tilespmem:s29+$0x20] =	vst v12  }
0x1bb: {  	s29 =	sadd.s32 $0x100, s29;
	v12 =	vld [tilespmem:s26+$0x30]  }
0x1bc: {  	[tilespmem:s29+$0x0] =	vst v8;
	v8 =	vld [tilespmem:s5+$0xFFFFFFC0];
	v10 =	vmul.f32 v10, v2;
	v2 =	vmovc v4;
	v4 =	vmov v6;
	v6 =	vmov v15  }
0x1bd: {  	v13 =	vmul.f32 v14, v16;
	v14 =	vld [tilespmem:s28+$0x10]  }
0x1be: {  	v11 =	vmul.f32 v11, v2;
	v15 =	vld [tilespmem:s19+$0xFFFFFFE0];
	[tilespmem:s13+$0x70] =	vst v10  }
0x1bf: {  	[tilespmem:s29+$0xFFFFFF80] =	vst v13;
	v9 =	vmul.f32 v9, v7;
	v13 =	vld [tilespmem:s10+$0xFFFFFFF0];
	s10 =	smov.u32 s19;
	s19 =	smov.u32 s5;
	s5 =	smov.u32 s26  }
0x1c0: {  	s26 =	smov.u32 s28;
	v17 =	vld [tilespmem:s28+$0xFFFFFF90];
	v10 =	vmul.f32 v12, v4;
	[tilespmem:s4+$0x50] =	vst v11  }
.Ltmp8:
0x1c1: {  	[tilespmem:s25+$0xFFFFFFA0] =	vst v9;
	v8 =	vmul.f32 v8, v5;
	v9 =	vld [tilespmem:s19+$0x60];
	(pc) =	sbr.rel @p1 .LBB2_10-.Ltmp8, $4  }
0x1c2: {  	v14 =	vmul.f32 v14, v6;
	v12 =	vld [tilespmem:s5+$0xFFFFFFB0];
	[tilespmem:s25+$0x30] =	vst v10  }
0x1c3: {  	v11 =	vld [tilespmem:s5+$0x40];
	[tilespmem:s4+$0xFFFFFFC0] =	vst v8;
	v15 =	vmul.f32 v15, v3  }
0x1c4: {  	[tilespmem:s29+$0x10] =	vst v14;
	v10 =	vld [tilespmem:s19+$0xFFFFFFD0];
	v8 =	vmul.f32 v13, v1;
	v1 =	vmovc v3;
	v3 =	vmovc v5;
	v5 =	vmov v7;
	v7 =	vmov v16  }
0x1c5: {  	s12 =	sadd.s32 $0x20, s12;
	v14 =	vmul.f32 v17, v7;
	v13 =	vld [tilespmem:s28+$0x20];
	[tilespmem:s13+$0xFFFFFFE0] =	vst v15  }
0x1c6: {  	_ = 	snop  }
0x1c7: {  	[tilespmem:s29+$0xFFFFFF90] =	vst v14  }
0x1c8: {  	v14 =	vld [tilespmem:s26+$0xFFFFFFA0];
	_ =	sdelay $0x2  }
0x1c9: {  	v13 =	vmul.f32 v13, v6;
	_ =	sdelay $0x1  }
0x1ca: {  	[tilespmem:s29+$0x20] =	vst v13;
	v44 =	vmul.f32 v14, v7  }
0x1cb: {  	v45 =	vld [tilespmem:s26+$0x30]  }
0x1cc: {  	[tilespmem:s29+$0xFFFFFFA0] =	vst v44  }
0x1cd: {  	v13 =	vld [tilespmem:s26+$0xFFFFFFB0];
	_ =	sdelay $0x2  }
0x1ce: {  	v14 =	vmul.f32 v45, v6  }
0x1cf: {  	v12 =	vmul.f32 v12, v5  }
0x1d0: {  	[tilespmem:s29+$0x30] =	vst v14;
	v13 =	vmul.f32 v13, v7  }
0x1d1: {  	[tilespmem:s25+$0xFFFFFFB0] =	vst v12;
	v46 =	vld [tilespmem:s26+$0x40]  }
0x1d2: {  	v47 =	vld [tilespmem:s5+$0xFFFFFFC0];
	[tilespmem:s29+$0xFFFFFFB0] =	vst v13  }
0x1d3: {  	v13 =	vld [tilespmem:s26+$0xFFFFFFC0]  }
0x1d4: {  	v11 =	vmul.f32 v11, v4;
	_ =	sdelay $0x1  }
0x1d5: {  	[tilespmem:s25+$0x40] =	vst v11;
	v48 =	vmul.f32 v46, v6  }
0x1d6: {  	v49 =	vld [tilespmem:s5+$0x50];
	v14 =	vmul.f32 v47, v5  }
0x1d7: {  	[tilespmem:s29+$0x40] =	vst v48;
	v50 =	vmul.f32 v13, v7  }
0x1d8: {  	[tilespmem:s25+$0xFFFFFFC0] =	vst v14;
	v51 =	vld [tilespmem:s26+$0x50]  }
0x1d9: {  	v14 =	vld [tilespmem:s5+$0xFFFFFFD0];
	[tilespmem:s29+$0xFFFFFFC0] =	vst v50  }
0x1da: {  	v11 =	vld [tilespmem:s26+$0xFFFFFFD0]  }
0x1db: {  	v12 =	vmul.f32 v49, v4  }
0x1dc: {  	v10 =	vmul.f32 v10, v3  }
0x1dd: {  	[tilespmem:s25+$0x50] =	vst v12;
	v52 =	vmul.f32 v51, v6  }
0x1de: {  	[tilespmem:s4+$0xFFFFFFD0] =	vst v10;
	v53 =	vld [tilespmem:s5+$0x60];
	v54 =	vmul.f32 v14, v5  }
0x1df: {  	v55 =	vld [tilespmem:s19+$0xFFFFFFE0];
	[tilespmem:s29+$0x50] =	vst v52;
	v11 =	vmul.f32 v11, v7  }
0x1e0: {  	[tilespmem:s25+$0xFFFFFFD0] =	vst v54;
	v12 =	vld [tilespmem:s26+$0x60]  }
0x1e1: {  	v9 =	vmul.f32 v9, v2;
	v13 =	vld [tilespmem:s5+$0xFFFFFFE0];
	[tilespmem:s29+$0xFFFFFFD0] =	vst v11  }
0x1e2: {  	v11 =	vld [tilespmem:s26+$0xFFFFFFE0]  }
0x1e3: {  	[tilespmem:s4+$0x60] =	vst v9;
	v56 =	vmul.f32 v53, v4  }
0x1e4: {  	v57 =	vld [tilespmem:s19+$0x70];
	v14 =	vmul.f32 v55, v3  }
0x1e5: {  	v58 =	vld [tilespmem:s10+$0xFFFFFFF0];
	[tilespmem:s25+$0x60] =	vst v56;
	v12 =	vmul.f32 v12, v6  }
0x1e6: {  	v59 =	vld [tilespmem:s5+$0x70];
	[tilespmem:s4+$0xFFFFFFE0] =	vst v14;
	v13 =	vmul.f32 v13, v5  }
0x1e7: {  	v60 =	vld [tilespmem:s19+$0xFFFFFFF0];
	[tilespmem:s29+$0x60] =	vst v12;
	v11 =	vmul.f32 v11, v7  }
0x1e8: {  	[tilespmem:s25+$0xFFFFFFE0] =	vst v13;
	v61 =	vld [tilespmem:s26+$0x70]  }
0x1e9: {  	v2 =	vmul.f32 v57, v2;
	v62 =	vld [tilespmem:s5+$0xFFFFFFF0];
	[tilespmem:s29+$0xFFFFFFE0] =	vst v11  }
0x1ea: {  	[tilespmem:s21+$0xFFFFFFF0] =	vst v8;
	v1 =	vmul.f32 v58, v1;
	v63 =	vld [tilespmem:s26+$0xFFFFFFF0]  }
0x1eb: {  	[tilespmem:s4+$0x70] =	vst v2;
	v2 =	vmul.f32 v59, v4  }
0x1ec: {  	[tilespmem:s13+$0xFFFFFFF0] =	vst v1;
	v1 =	vmul.f32 v60, v3  }
0x1ed: {  	[tilespmem:s25+$0x70] =	vst v2;
	v2 =	vmul.f32 v61, v6  }
0x1ee: {  	[tilespmem:s4+$0xFFFFFFF0] =	vst v1;
	v1 =	vmul.f32 v62, v5  }
0x1ef: {  	s28 =	sshll.u32 s6, $0x7;
	p1 =	sgt.u32 @!p0 s31, $0x7D;
	[tilespmem:s29+$0x70] =	vst v2;
	v2 =	vmul.f32 v63, v7  }
0x1f0: {  	s30 =	simm.s32 $0x1CE00;
	p1 =	por p1, p0;
	s4 =	sand.u32 $0x3FFFFF80, s28;
	[tilespmem:s25+$0xFFFFFFF0] =	vst v1  }
0x1f1: {  	s6 =	simm.s32 @!p1 $0x50;
	s4 =	sadd.s32 $0x14400, s4;
	s5 =	sshrl.u32 @!p1 s18, $0x2;
	[tilespmem:s29+$0xFFFFFFF0] =	vst v2  }
0x1f2: {  	[spmem:s2] =	stream.indirect.scatter.add.f32 [tilespmem:s30], [sflag:$0x4], $0x80, s4, s24, $0xb8;
	[tilespmem:$0x1F600] =	vst v63  }
0x1f3: {  	s10 =	simm.s32 @!p1 $0x17E00;
	s5 =	sadd.s32 @!p1 $0x13D80, s5;
	s4 =	sadd.s32 $0x2, s31  }
0x1f4: {  	[tilespmem:s10], [sflag:$0x2] =	stream.indirect.gather @!p1 [hbm4b:s1+s6], $0x80, s5, s6, $0xb8;
	[tilespmem:$0x1F600] =	vst v63  }
0x1f5: {  	s5 =	sor.u32 @!p1 s9, s4  }
0x1f6: {  	p5 =	sgt.u32 s31, $0x7D;
	p6 =	por !p0, !p0;
	s5 =	sshrl.u32 @!p1 s5, $0x3  }
0x1f7: {  	p0 =	por p5, p6;
	s6 =	sshll.u32 @!p1 s4, $0x7;
	s5 =	smul.u32 @!p1 $0x2800, s5  }
.Ltmp9:
0x1f8: {  	s6 =	sand.u32 @!p1 $0x380, s6;
	(pc) =	sbr.rel @!p0 .LBB2_12-.Ltmp9, $4  }
0x1f9: {  	s5 =	sor.u32 @!p1 s6, s5  }
0x1fa: {  	s12 =	simm.s32 @!p1 $0x15100;
	s5 =	sshrl.u32 @!p1 s5, $0x3  }
0x1fb: {  	s10 =	simm.s32 @!p1 $0x400;
	s6 =	simm.s32 @!p1 $0x80;
	s5 =	sadd.s32 @!p1 s7, s5  }
0x1fc: {  	[tilespmem:s12], [sflag:$0x8] =	stream.strided.gather @!p1 [hbm4b:s5+s6], $0x500, s10, s6, $0x38;
	[tilespmem:$0x1F600] =	vst v63  }
0x1fd: {  	s15 =	sadd.s32 $0x1, s15  }
0x1fe: {  	p0 =	seq.s32 s15, $0x4  }
.Ltmp10:
0x1ff: {  	_ = 	snop;
	(pc) =	sbr.rel @!p0 .LBB2_3-.Ltmp10, $4  }
.Ltmp11:
0x200: {  	_ = 	snop;
	(pc) =	sbr.rel @p0 .LBB2_14-.Ltmp11, $4  }
0x201: {  	_ = 	snop  }
0x202: {  	_ = 	snop  }
0x203: {  	_ = 	snop  }
0x204: {  	_ = 	snop  }
.LBB2_12:
0x205: {  	s5 =	simm.s32 $0x17E00;
	s6 =	simm.s32 $0x14080;
	s28 =	sor.u32 s9, s4  }
0x206: {  	[tilespmem:s5], [sflag:$0x2] =	stream.indirect.gather [hbm4b:s1+s24], $0x80, s6, s24, $0xb8;
	[tilespmem:$0x1F600] =	vst v63  }
0x207: {  	s5 =	sshrl.u32 s28, $0x3  }
0x208: {  	s29 =	sshll.u32 s4, $0x7;
	s5 =	smul.u32 $0x2800, s5  }
0x209: {  	s4 =	sand.u32 $0x380, s29  }
0x20a: {  	s4 =	sor.u32 s4, s5  }
0x20b: {  	s30 =	simm.s32 $0x80;
	s4 =	sshrl.u32 s4, $0x3  }
0x20c: {  	s31 =	simm.s32 $0x400;
	s10 =	simm.s32 $0x15100;
	s4 =	sadd.s32 s7, s4  }
0x20d: {  	[tilespmem:s10], [sflag:$0x8] =	stream.strided.gather [hbm4b:s4+s30], $0x500, s31, s30, $0x38;
	[tilespmem:$0x1F600] =	vst v63  }
.LBB2_14:
0x20e: {  	s4 =	rddreg [dreg:$0xc]  }
0x20f: {  	s5 =	rddreg [dreg:$0x14]  }
0x210: {  	s28 =	rddreg [dreg:$0x5]  }
0x211: {  	s29 =	rddreg [dreg:$0x4]  }
0x212: {  	s20 =	sor.u32 $0x8, s0;
	s30 =	sor.u32 $0xF, s0;
	s31 =	rddreg [dreg:$0x12]  }
0x213: {  	s0 =	simm.s32 $0x0;
	s4 =	sadd.s32 s5, s4;
	[dreg:$0x13] =	wrdreg s30  }
0x214: {  	p0 =	seq.s32 s31, $0x7;
	s10 =	sadd.s32 s28, s4;
	s14 =	sadd.s32 s29, s4  }
.LBB2_15:
0x215: {  	p1 =	sne.s32 @!p0 s0, $0x1  }
0x216: {  	p1 =	por p1, p0  }
0x217: {  	s4 =	simm.s32 @!p1 $0x0;
	s5 =	simm.s32 @!p1 $0x13C00  }
0x218: {  	[tilespmem:s5], [sflag:$0x5] =	stream.linear.gather @!p1 [hbm4b:s10+s4], $0x400, $0x38;
	[tilespmem:$0x1F600] =	vst v63  }
0x219: {  	s5 =	simm.s32 @!p1 $0x14400  }
0x21a: {  	[tilespmem:s5], [sflag:$0x5] =	stream.linear.gather @!p1 [hbm4b:s14+s4], $0x400, $0x38;
	[tilespmem:$0x1F600] =	vst v63  }
0x21b: {  	_ =	swait.ge [sflag:s3], $0x2800  }
0x21c: {  	[sflag:s3] =	ssyncset.done $0x0  }
0x21d: {  	[sflag:s3] =	ssyncadd.s32 $0xFFFFD800  }
0x21e: {  	_ =	swait.ge [sflag:s22], $0x500  }
0x21f: {  	[sflag:s22] =	ssyncset.done $0x0  }
0x220: {  	[sflag:s22] =	ssyncadd.s32 $0xFFFFFB00  }
0x221: {  	_ =	swait.ge [sflag:s16], $0x2800  }
0x222: {  	[sflag:s16] =	ssyncset.done $0x0  }
0x223: {  	s19 =	simm.s32 $0x14C10;
	[sflag:s16] =	ssyncadd.s32 $0xFFFFD800  }
0x224: {  	s21 =	simm.s32 $0x15680;
	v6 =	vld [tilespmem:s19+$0x0]  }
0x225: {  	v1 =	vld [tilespmem:s21+$0x0];
	_ =	sdelay $0x4  }
0x226: {  	v1 =	vmul.f32 v1, v6  }
0x227: {  	s5 =	simm.s32 $0x1A680  }
0x228: {  	[tilespmem:s5+$0x0] =	vst v1  }
0x229: {  	v1 =	vld [tilespmem:s21+$0x10];
	_ =	sdelay $0x1  }
0x22a: {  	v2 =	vld [tilespmem:s21+$0xFFFFFF80]  }
0x22b: {  	v8 =	vld [tilespmem:s19+$0xFFFFFFF0];
	_ =	sdelay $0x1  }
0x22c: {  	s25 =	simm.s32 $0x14C30;
	v1 =	vmul.f32 v1, v6  }
0x22d: {  	s13 =	simm.s32 $0x15780;
	v9 =	vld [tilespmem:s25+$0x0]  }
0x22e: {  	v3 =	vld [tilespmem:s13+$0x0];
	[tilespmem:s5+$0x10] =	vst v1  }
0x22f: {  	v2 =	vmul.f32 v2, v8;
	v1 =	vld [tilespmem:s21+$0x20];
	_ =	sdelay $0x1  }
0x230: {  	[tilespmem:s5+$0xFFFFFF80] =	vst v2  }
0x231: {  	v2 =	vld [tilespmem:s21+$0xFFFFFF90]  }
0x232: {  	v5 =	vld [tilespmem:s13+$0xFFFFFF80];
	v3 =	vmul.f32 v3, v9  }
0x233: {  	s6 =	simm.s32 $0x1A780;
	v4 =	vmul.f32 v1, v6;
	v1 =	vld [tilespmem:s25+$0xFFFFFFF0]  }
0x234: {  	[tilespmem:s6+$0x0] =	vst v3  }
0x235: {  	v3 =	vld [tilespmem:s13+$0x10];
	[tilespmem:s5+$0x20] =	vst v4  }
0x236: {  	v2 =	vmul.f32 v2, v8;
	v4 =	vld [tilespmem:s21+$0x30];
	_ =	sdelay $0x1  }
0x237: {  	[tilespmem:s5+$0xFFFFFF90] =	vst v2;
	v2 =	vmul.f32 v5, v1;
	_ =	sdelay $0x1  }
0x238: {  	[tilespmem:s6+$0xFFFFFF80] =	vst v2;
	v2 =	vmul.f32 v3, v9  }
0x239: {  	v4 =	vmul.f32 v4, v6  }
0x23a: {  	v5 =	vld [tilespmem:s21+$0xFFFFFFA0];
	[tilespmem:s6+$0x10] =	vst v2  }
0x23b: {  	[tilespmem:s5+$0x30] =	vst v4;
	v7 =	vld [tilespmem:s13+$0x20]  }
0x23c: {  	s15 =	simm.s32 $0x15880;
	v4 =	vld [tilespmem:s21+$0x40]  }
0x23d: {  	s26 =	simm.s32 $0x14C50;
	v10 =	vld [tilespmem:s15+$0x0]  }
0x23e: {  	v2 =	vld [tilespmem:s26+$0x0]  }
0x23f: {  	v3 =	vld [tilespmem:s13+$0xFFFFFF90];
	v5 =	vmul.f32 v5, v8  }
0x240: {  	v7 =	vmul.f32 v7, v9  }
0x241: {  	v11 =	vld [tilespmem:s15+$0xFFFFFF80];
	[tilespmem:s5+$0xFFFFFFA0] =	vst v5;
	v4 =	vmul.f32 v4, v6  }
0x242: {  	v5 =	vld [tilespmem:s21+$0xFFFFFFB0];
	[tilespmem:s6+$0x20] =	vst v7  }
0x243: {  	v10 =	vmul.f32 v10, v2;
	[tilespmem:s5+$0x40] =	vst v4;
	v7 =	vld [tilespmem:s13+$0x30]  }
0x244: {  	s18 =	simm.s32 $0x1A880;
	v12 =	vmul.f32 v3, v1;
	v4 =	vld [tilespmem:s21+$0x50]  }
0x245: {  	v3 =	vld [tilespmem:s26+$0xFFFFFFF0];
	[tilespmem:s18+$0x0] =	vst v10  }
0x246: {  	[tilespmem:s6+$0xFFFFFF90] =	vst v12;
	v10 =	vld [tilespmem:s15+$0x10]  }
0x247: {  	v12 =	vld [tilespmem:s13+$0xFFFFFFA0];
	v5 =	vmul.f32 v5, v8  }
0x248: {  	s4 =	simm.s32 $0x15980;
	v7 =	vmul.f32 v7, v9  }
0x249: {  	v14 =	vld [tilespmem:s4+$0x0];
	[tilespmem:s5+$0xFFFFFFB0] =	vst v5;
	v4 =	vmul.f32 v4, v6  }
0x24a: {  	v11 =	vmul.f32 v11, v3;
	v5 =	vld [tilespmem:s21+$0xFFFFFFC0];
	[tilespmem:s6+$0x30] =	vst v7  }
0x24b: {  	v16 =	vld [tilespmem:s4+$0xFFFFFF80];
	[tilespmem:s5+$0x50] =	vst v4;
	v4 =	vmul.f32 v10, v2  }
0x24c: {  	[tilespmem:s18+$0xFFFFFF80] =	vst v11;
	v11 =	vmul.f32 v12, v1;
	v7 =	vld [tilespmem:s13+$0x40]  }
0x24d: {  	v12 =	vld [tilespmem:s15+$0xFFFFFF90];
	[tilespmem:s18+$0x10] =	vst v4  }
0x24e: {  	[tilespmem:s6+$0xFFFFFFA0] =	vst v11;
	v11 =	vld [tilespmem:s15+$0x20]  }
0x24f: {  	s12 =	simm.s32 $0x14C70;
	v10 =	vld [tilespmem:s13+$0xFFFFFFB0];
	v5 =	vmul.f32 v5, v8  }
0x250: {  	v4 =	vld [tilespmem:s12+$0x0]  }
0x251: {  	v13 =	vld [tilespmem:s21+$0x60];
	[tilespmem:s5+$0xFFFFFFC0] =	vst v5;
	v7 =	vmul.f32 v7, v9  }
0x252: {  	v12 =	vmul.f32 v12, v3;
	v15 =	vld [tilespmem:s21+$0xFFFFFFD0]  }
0x253: {  	v5 =	vld [tilespmem:s12+$0xFFFFFFF0];
	[tilespmem:s6+$0x40] =	vst v7;
	v11 =	vmul.f32 v11, v2  }
0x254: {  	[tilespmem:s18+$0xFFFFFF90] =	vst v12;
	v7 =	vmul.f32 v10, v1;
	v10 =	vld [tilespmem:s13+$0x50]  }
0x255: {  	v12 =	vmul.f32 v14, v4;
	v14 =	vld [tilespmem:s15+$0xFFFFFFA0];
	[tilespmem:s18+$0x20] =	vst v11  }
0x256: {  	s19 =	simm.s32 $0x1A980;
	[tilespmem:s6+$0xFFFFFFB0] =	vst v7;
	v11 =	vmul.f32 v13, v6;
	v7 =	vld [tilespmem:s15+$0x30]  }
0x257: {  	[tilespmem:s19+$0x0] =	vst v12;
	v13 =	vmul.f32 v15, v8;
	v12 =	vld [tilespmem:s13+$0xFFFFFFC0]  }
0x258: {  	v15 =	vld [tilespmem:s4+$0x10];
	[tilespmem:s5+$0x60] =	vst v11;
	v11 =	vmul.f32 v16, v5  }
0x259: {  	[tilespmem:s5+$0xFFFFFFD0] =	vst v13;
	v60 =	vld [tilespmem:s21+$0x70];
	v10 =	vmul.f32 v10, v9  }
0x25a: {  	v13 =	vld [tilespmem:s21+$0xFFFFFFE0];
	[tilespmem:s19+$0xFFFFFF80] =	vst v11;
	v11 =	vmul.f32 v14, v3  }
0x25b: {  	v14 =	vld [tilespmem:s4+$0xFFFFFF90];
	[tilespmem:s6+$0x50] =	vst v10;
	v7 =	vmul.f32 v7, v2  }
0x25c: {  	v10 =	vmul.f32 v12, v1;
	[tilespmem:s18+$0xFFFFFFA0] =	vst v11;
	v11 =	vld [tilespmem:s13+$0x60]  }
0x25d: {  	v12 =	vmul.f32 v15, v4;
	v15 =	vld [tilespmem:s15+$0xFFFFFFB0];
	[tilespmem:s18+$0x30] =	vst v7  }
0x25e: {  	[tilespmem:s6+$0xFFFFFFC0] =	vst v10;
	v7 =	vld [tilespmem:s15+$0x40]  }
0x25f: {  	[tilespmem:s19+$0x10] =	vst v12;
	v10 =	vld [tilespmem:s13+$0xFFFFFFD0]  }
0x260: {  	s30 =	simm.s32 $0x14C90;
	v12 =	vmul.f32 v60, v6;
	v61 =	vld [tilespmem:s4+$0x20]  }
0x261: {  	s31 =	simm.s32 $0x15A80;
	v6 =	vld [tilespmem:s30+$0x0];
	v11 =	vmul.f32 v11, v9  }
0x262: {  	[tilespmem:s5+$0x70] =	vst v12;
	v12 =	vmul.f32 v13, v8;
	v13 =	vld [tilespmem:s31+$0x0]  }
0x263: {  	[tilespmem:s6+$0x60] =	vst v11;
	v11 =	vld [tilespmem:s31+$0xFFFFFF80];
	v7 =	vmul.f32 v7, v2  }
0x264: {  	v14 =	vmul.f32 v14, v5;
	[tilespmem:s5+$0xFFFFFFE0] =	vst v12;
	v12 =	vld [tilespmem:s13+$0x70]  }
0x265: {  	v16 =	vmul.f32 v61, v4;
	[tilespmem:s18+$0x40] =	vst v7;
	v7 =	vld [tilespmem:s30+$0xFFFFFFF0]  }
0x266: {  	[tilespmem:s19+$0xFFFFFF90] =	vst v14;
	v14 =	vmul.f32 v15, v3;
	v15 =	vld [tilespmem:s15+$0x50]  }
0x267: {  	v62 =	vld [tilespmem:s4+$0xFFFFFFA0];
	v13 =	vmul.f32 v13, v6;
	[tilespmem:s19+$0x20] =	vst v16  }
0x268: {  	s25 =	simm.s32 $0x1AA80;
	v10 =	vmul.f32 v10, v1;
	[tilespmem:s18+$0xFFFFFFB0] =	vst v14;
	v14 =	vld [tilespmem:s4+$0x30]  }
0x269: {  	[tilespmem:s25+$0x0] =	vst v13;
	v13 =	vld [tilespmem:s15+$0xFFFFFFC0];
	v9 =	vmul.f32 v12, v9  }
0x26a: {  	[tilespmem:s6+$0xFFFFFFD0] =	vst v10;
	v10 =	vmul.f32 v11, v7;
	v11 =	vld [tilespmem:s31+$0x10]  }
0x26b: {  	[tilespmem:s6+$0x70] =	vst v9;
	v12 =	vmul.f32 v15, v2;
	v15 =	vld [tilespmem:s13+$0xFFFFFFE0]  }
0x26c: {  	v63 =	vld [tilespmem:s21+$0xFFFFFFF0];
	v9 =	vmul.f32 v62, v5;
	[tilespmem:s25+$0xFFFFFF80] =	vst v10  }
0x26d: {  	v10 =	vmul.f32 v14, v4;
	v17 =	vld [tilespmem:s31+$0xFFFFFF90];
	[tilespmem:s18+$0x50] =	vst v12  }
0x26e: {  	v13 =	vmul.f32 v13, v3;
	[tilespmem:s19+$0xFFFFFFA0] =	vst v9;
	v9 =	vld [tilespmem:s15+$0x60]  }
0x26f: {  	v12 =	vld [tilespmem:s4+$0xFFFFFFB0];
	[tilespmem:s19+$0x30] =	vst v10;
	v14 =	vmul.f32 v11, v6  }
0x270: {  	[tilespmem:s18+$0xFFFFFFC0] =	vst v13;
	v11 =	vld [tilespmem:s4+$0x40];
	v15 =	vmul.f32 v15, v1  }
0x271: {  	s28 =	simm.s32 $0x8;
	s21 =	sshll.u32 s0, $0x1;
	v8 =	vmul.f32 v63, v8;
	v10 =	vld [tilespmem:s15+$0xFFFFFFD0];
	[tilespmem:s25+$0x10] =	vst v14  }
0x272: {  	s26 =	simm.s32 $0x15A80;
	s12 =	simm.s32 $0x14CB0;
	s29 =	sor.u32 s20, s21;
	v14 =	vmul.f32 v17, v7;
	v13 =	vld [tilespmem:s31+$0x20];
	[tilespmem:s6+$0xFFFFFFE0] =	vst v15  }
.LBB2_16:
0x273: {  	v15 =	vld [tilespmem:s12+$0x0];
	s31 =	sadd.s32 $0x100, s31;
	v9 =	vmul.f32 v9, v2;
	[tilespmem:s5+$0xFFFFFFF0] =	vst v8;
	s5 =	smov.u32 s6;
	s6 =	smov.u32 s18  }
0x274: {  	s28 =	sadd.s32 $0x2, s28;
	s18 =	smov.u32 s19;
	s19 =	smov.u32 s25;
	v8 =	vld [tilespmem:s31+$0x0];
	[tilespmem:s25+$0xFFFFFF90] =	vst v14;
	v12 =	vmul.f32 v12, v5  }
0x275: {  	p1 =	slt.u32 s28, $0x4E;
	v14 =	vld [tilespmem:s31+$0xFFFFFF80];
	v11 =	vmul.f32 v11, v4;
	[tilespmem:s6+$0x60] =	vst v9  }
0x276: {  	[tilespmem:s18+$0xFFFFFFB0] =	vst v12;
	v9 =	vmul.f32 v10, v3;
	v10 =	vld [tilespmem:s15+$0x70]  }
0x277: {  	v16 =	vld [tilespmem:s12+$0xFFFFFFF0];
	v12 =	vmul.f32 v13, v6;
	[tilespmem:s18+$0x40] =	vst v11  }
0x278: {  	v11 =	vld [tilespmem:s4+$0x50];
	[tilespmem:s6+$0xFFFFFFD0] =	vst v9  }
0x279: {  	v8 =	vmul.f32 v8, v15;
	v9 =	vld [tilespmem:s26+$0xFFFFFFA0];
	[tilespmem:s25+$0x20] =	vst v12  }
0x27a: {  	s25 =	sadd.s32 $0x100, s25;
	v12 =	vld [tilespmem:s26+$0x30]  }
0x27b: {  	[tilespmem:s25+$0x0] =	vst v8;
	v8 =	vld [tilespmem:s4+$0xFFFFFFC0];
	v10 =	vmul.f32 v10, v2;
	v2 =	vmovc v4;
	v4 =	vmov v6;
	v6 =	vmov v15  }
0x27c: {  	v13 =	vmul.f32 v14, v16;
	v14 =	vld [tilespmem:s31+$0x10]  }
0x27d: {  	v11 =	vmul.f32 v11, v2;
	v15 =	vld [tilespmem:s15+$0xFFFFFFE0];
	[tilespmem:s6+$0x70] =	vst v10  }
0x27e: {  	[tilespmem:s25+$0xFFFFFF80] =	vst v13;
	v9 =	vmul.f32 v9, v7;
	v13 =	vld [tilespmem:s13+$0xFFFFFFF0];
	s13 =	smov.u32 s15;
	s15 =	smov.u32 s4;
	s4 =	smov.u32 s26  }
0x27f: {  	s26 =	smov.u32 s31;
	v17 =	vld [tilespmem:s31+$0xFFFFFF90];
	v10 =	vmul.f32 v12, v4;
	[tilespmem:s18+$0x50] =	vst v11  }
.Ltmp12:
0x280: {  	[tilespmem:s19+$0xFFFFFFA0] =	vst v9;
	v8 =	vmul.f32 v8, v5;
	v9 =	vld [tilespmem:s15+$0x60];
	(pc) =	sbr.rel @p1 .LBB2_16-.Ltmp12, $4  }
0x281: {  	v14 =	vmul.f32 v14, v6;
	v12 =	vld [tilespmem:s4+$0xFFFFFFB0];
	[tilespmem:s19+$0x30] =	vst v10  }
0x282: {  	v11 =	vld [tilespmem:s4+$0x40];
	[tilespmem:s18+$0xFFFFFFC0] =	vst v8;
	v15 =	vmul.f32 v15, v3  }
0x283: {  	[tilespmem:s25+$0x10] =	vst v14;
	v10 =	vld [tilespmem:s15+$0xFFFFFFD0];
	v8 =	vmul.f32 v13, v1;
	v1 =	vmovc v3;
	v3 =	vmovc v5;
	v5 =	vmov v7;
	v7 =	vmov v16  }
0x284: {  	s12 =	sadd.s32 $0x20, s12;
	v14 =	vmul.f32 v17, v7;
	v13 =	vld [tilespmem:s31+$0x20];
	[tilespmem:s6+$0xFFFFFFE0] =	vst v15  }
0x285: {  	_ = 	snop  }
0x286: {  	[tilespmem:s25+$0xFFFFFF90] =	vst v14  }
0x287: {  	v14 =	vld [tilespmem:s26+$0xFFFFFFA0];
	_ =	sdelay $0x2  }
0x288: {  	v13 =	vmul.f32 v13, v6;
	_ =	sdelay $0x1  }
0x289: {  	[tilespmem:s25+$0x20] =	vst v13;
	v44 =	vmul.f32 v14, v7  }
0x28a: {  	v45 =	vld [tilespmem:s26+$0x30]  }
0x28b: {  	[tilespmem:s25+$0xFFFFFFA0] =	vst v44  }
0x28c: {  	v13 =	vld [tilespmem:s26+$0xFFFFFFB0];
	_ =	sdelay $0x2  }
0x28d: {  	v14 =	vmul.f32 v45, v6  }
0x28e: {  	v12 =	vmul.f32 v12, v5  }
0x28f: {  	[tilespmem:s25+$0x30] =	vst v14;
	v13 =	vmul.f32 v13, v7  }
0x290: {  	[tilespmem:s19+$0xFFFFFFB0] =	vst v12;
	v46 =	vld [tilespmem:s26+$0x40]  }
0x291: {  	v47 =	vld [tilespmem:s4+$0xFFFFFFC0];
	[tilespmem:s25+$0xFFFFFFB0] =	vst v13  }
0x292: {  	v13 =	vld [tilespmem:s26+$0xFFFFFFC0]  }
0x293: {  	v11 =	vmul.f32 v11, v4;
	_ =	sdelay $0x1  }
0x294: {  	[tilespmem:s19+$0x40] =	vst v11;
	v48 =	vmul.f32 v46, v6  }
0x295: {  	v49 =	vld [tilespmem:s4+$0x50];
	v14 =	vmul.f32 v47, v5  }
0x296: {  	[tilespmem:s25+$0x40] =	vst v48;
	v50 =	vmul.f32 v13, v7  }
0x297: {  	[tilespmem:s19+$0xFFFFFFC0] =	vst v14;
	v51 =	vld [tilespmem:s26+$0x50]  }
0x298: {  	v14 =	vld [tilespmem:s4+$0xFFFFFFD0];
	[tilespmem:s25+$0xFFFFFFC0] =	vst v50  }
0x299: {  	v11 =	vld [tilespmem:s26+$0xFFFFFFD0]  }
0x29a: {  	v12 =	vmul.f32 v49, v4  }
0x29b: {  	v10 =	vmul.f32 v10, v3  }
0x29c: {  	[tilespmem:s19+$0x50] =	vst v12;
	v52 =	vmul.f32 v51, v6  }
0x29d: {  	[tilespmem:s18+$0xFFFFFFD0] =	vst v10;
	v53 =	vld [tilespmem:s4+$0x60];
	v54 =	vmul.f32 v14, v5  }
0x29e: {  	v55 =	vld [tilespmem:s15+$0xFFFFFFE0];
	[tilespmem:s25+$0x50] =	vst v52;
	v11 =	vmul.f32 v11, v7  }
0x29f: {  	[tilespmem:s19+$0xFFFFFFD0] =	vst v54;
	v12 =	vld [tilespmem:s26+$0x60]  }
0x2a0: {  	v9 =	vmul.f32 v9, v2;
	v13 =	vld [tilespmem:s4+$0xFFFFFFE0];
	[tilespmem:s25+$0xFFFFFFD0] =	vst v11  }
0x2a1: {  	v11 =	vld [tilespmem:s26+$0xFFFFFFE0]  }
0x2a2: {  	[tilespmem:s18+$0x60] =	vst v9;
	v56 =	vmul.f32 v53, v4  }
0x2a3: {  	v57 =	vld [tilespmem:s15+$0x70];
	v14 =	vmul.f32 v55, v3  }
0x2a4: {  	v58 =	vld [tilespmem:s13+$0xFFFFFFF0];
	[tilespmem:s19+$0x60] =	vst v56;
	v12 =	vmul.f32 v12, v6  }
0x2a5: {  	v59 =	vld [tilespmem:s4+$0x70];
	[tilespmem:s18+$0xFFFFFFE0] =	vst v14;
	v13 =	vmul.f32 v13, v5  }
0x2a6: {  	v60 =	vld [tilespmem:s15+$0xFFFFFFF0];
	[tilespmem:s25+$0x60] =	vst v12;
	v11 =	vmul.f32 v11, v7  }
0x2a7: {  	[tilespmem:s19+$0xFFFFFFE0] =	vst v13;
	v61 =	vld [tilespmem:s26+$0x70]  }
0x2a8: {  	v2 =	vmul.f32 v57, v2;
	v62 =	vld [tilespmem:s4+$0xFFFFFFF0];
	[tilespmem:s25+$0xFFFFFFE0] =	vst v11  }
0x2a9: {  	[tilespmem:s5+$0xFFFFFFF0] =	vst v8;
	v1 =	vmul.f32 v58, v1;
	v63 =	vld [tilespmem:s26+$0xFFFFFFF0]  }
0x2aa: {  	p1 =	seq.s32 s0, $0x3;
	[tilespmem:s18+$0x70] =	vst v2;
	v2 =	vmul.f32 v59, v4  }
0x2ab: {  	p2 =	sgt.u32 @!p1 s29, $0x7D;
	[tilespmem:s6+$0xFFFFFFF0] =	vst v1;
	v1 =	vmul.f32 v60, v3  }
0x2ac: {  	p2 =	por p1, p2;
	[tilespmem:s19+$0x70] =	vst v2;
	v2 =	vmul.f32 v61, v6  }
.Ltmp13:
0x2ad: {  	[tilespmem:s18+$0xFFFFFFF0] =	vst v1;
	v1 =	vmul.f32 v62, v5;
	(pc) =	sbr.rel @p2 .LBB2_19-.Ltmp13, $4  }
0x2ae: {  	s15 =	sshll.u32 s0, $0xA;
	[tilespmem:s25+$0x70] =	vst v2;
	v2 =	vmul.f32 v63, v7  }
0x2af: {  	s5 =	sshrl.u32 s15, $0x2;
	[tilespmem:s19+$0xFFFFFFF0] =	vst v1  }
0x2b0: {  	s31 =	simm.s32 $0x1A600;
	s30 =	sadd.s32 $0x14800, s5;
	s4 =	sadd.s32 $0x2, s29;
	[tilespmem:s25+$0xFFFFFFF0] =	vst v2  }
0x2b1: {  	[spmem:s2] =	stream.indirect.scatter.add.f32 [tilespmem:s31], [sflag:$0x3], $0x80, s30, s24, $0xb8;
	[tilespmem:$0x1F600] =	vst v63  }
0x2b2: {  	s5 =	sadd.s32 $0x14100, s5;
	s6 =	simm.s32 $0x15600;
	s28 =	sadd.s32 s9, s4  }
0x2b3: {  	[tilespmem:s6], [sflag:$0x1] =	stream.indirect.gather [hbm4b:s1+s24], $0x80, s5, s24, $0xb8;
	[tilespmem:$0x1F600] =	vst v63  }
0x2b4: {  	s5 =	sshrl.u32 s28, $0x3  }
0x2b5: {  	s29 =	sshll.u32 s4, $0x7;
	s5 =	smul.u32 $0x2800, s5  }
0x2b6: {  	s4 =	sand.u32 $0x300, s29  }
0x2b7: {  	s4 =	sor.u32 s4, s5  }
0x2b8: {  	s30 =	simm.s32 $0x80;
	s31 =	simm.s32 $0x400;
	s4 =	sshrl.u32 s4, $0x3  }
0x2b9: {  	s12 =	simm.s32 $0x14C00;
	p2 =	por $0x0, $0x0;
	s4 =	sadd.s32 s7, s4  }
0x2ba: {  	[tilespmem:s12], [sflag:$0x7] =	stream.strided.gather [hbm4b:s4+s30], $0x500, s31, s30, $0x38;
	[tilespmem:$0x1F600] =	vst v63  }
.LBB2_21:
0x2bb: {  	p3 =	sne.s32 @!p0 s0, $0x2  }
0x2bc: {  	p3 =	por p0, p3  }
.Ltmp14:
0x2bd: {  	_ = 	snop;
	(pc) =	sbr.rel @p3 .LBB2_22-.Ltmp14, $3  }
0x2be: {  	_ =	sdelay $0x1  }
0x2bf: {  	s6 =	sor.u32 $0x1, s21  }
0x2c0: {  	s5 =	sor.u32 s20, s6  }
0x2c1: {  	_ =	swait.ge [sflag:s23], $0x400  }
0x2c2: {  	[sflag:s23] =	ssyncset.done $0x0  }
0x2c3: {  	[sflag:s23] =	ssyncadd.s32 $0xFFFFFC00  }
0x2c4: {  	_ =	swait.ge [sflag:s23], $0x400  }
0x2c5: {  	[sflag:s23] =	ssyncset.done $0x0  }
0x2c6: {  	[sflag:s23] =	ssyncadd.s32 $0xFFFFFC00  }
0x2c7: {  	v1 =	vld [tilespmem:$0x13C00]  }
0x2c8: {  	v2 =	vld [tilespmem:$0x13C10]  }
0x2c9: {  	v3 =	vld [tilespmem:$0x13C20]  }
0x2ca: {  	v4 =	vld [tilespmem:$0x13C30]  }
0x2cb: {  	v5 =	vld [tilespmem:$0x13C40]  }
0x2cc: {  	v6 =	vld [tilespmem:$0x13C80];
	v1 =	vadd.s32 v0, v1  }
0x2cd: {  	[tilespmem:$0x13C00] =	vst v1;
	v1 =	vadd.s32 v0, v2;
	v2 =	vld [tilespmem:$0x13C90]  }
0x2ce: {  	[tilespmem:$0x13C10] =	vst v1;
	v1 =	vadd.s32 v0, v3;
	v3 =	vld [tilespmem:$0x13CA0]  }
0x2cf: {  	v44 =	vld [tilespmem:$0x13CB0];
	[tilespmem:$0x13C20] =	vst v1;
	v1 =	vadd.s32 v0, v4  }
0x2d0: {  	v45 =	vld [tilespmem:$0x13CC0];
	[tilespmem:$0x13C30] =	vst v1;
	v1 =	vadd.s32 v0, v5  }
0x2d1: {  	v46 =	vld [tilespmem:$0x13D00];
	[tilespmem:$0x13C40] =	vst v1;
	v1 =	vadd.s32 v0, v6  }
0x2d2: {  	[tilespmem:$0x13C80] =	vst v1;
	v1 =	vadd.s32 v0, v2;
	v2 =	vld [tilespmem:$0x13D10]  }
0x2d3: {  	[tilespmem:$0x13C90] =	vst v1;
	v1 =	vadd.s32 v0, v3;
	v3 =	vld [tilespmem:$0x13D20]  }
0x2d4: {  	v47 =	vld [tilespmem:$0x13D30];
	[tilespmem:$0x13CA0] =	vst v1;
	v1 =	vadd.s32 v0, v44  }
0x2d5: {  	v48 =	vld [tilespmem:$0x13D40];
	[tilespmem:$0x13CB0] =	vst v1;
	v1 =	vadd.s32 v0, v45  }
0x2d6: {  	v49 =	vld [tilespmem:$0x13D80];
	[tilespmem:$0x13CC0] =	vst v1;
	v1 =	vadd.s32 v0, v46  }
0x2d7: {  	[tilespmem:$0x13D00] =	vst v1;
	v1 =	vadd.s32 v0, v2;
	v2 =	vld [tilespmem:$0x13D90]  }
0x2d8: {  	[tilespmem:$0x13D10] =	vst v1;
	v1 =	vadd.s32 v0, v3;
	v3 =	vld [tilespmem:$0x13DA0]  }
0x2d9: {  	v50 =	vld [tilespmem:$0x13DB0];
	[tilespmem:$0x13D20] =	vst v1;
	v1 =	vadd.s32 v0, v47  }
0x2da: {  	v51 =	vld [tilespmem:$0x13DC0];
	[tilespmem:$0x13D30] =	vst v1;
	v1 =	vadd.s32 v0, v48  }
0x2db: {  	v52 =	vld [tilespmem:$0x13E00];
	[tilespmem:$0x13D40] =	vst v1;
	v1 =	vadd.s32 v0, v49  }
0x2dc: {  	[tilespmem:$0x13D80] =	vst v1;
	v1 =	vadd.s32 v0, v2;
	v2 =	vld [tilespmem:$0x13E10]  }
0x2dd: {  	[tilespmem:$0x13D90] =	vst v1;
	v1 =	vadd.s32 v0, v3;
	v3 =	vld [tilespmem:$0x13E20]  }
0x2de: {  	v53 =	vld [tilespmem:$0x13E30];
	[tilespmem:$0x13DA0] =	vst v1;
	v1 =	vadd.s32 v0, v50  }
0x2df: {  	v54 =	vld [tilespmem:$0x13E40];
	[tilespmem:$0x13DB0] =	vst v1;
	v1 =	vadd.s32 v0, v51  }
0x2e0: {  	v55 =	vld [tilespmem:$0x13E80];
	[tilespmem:$0x13DC0] =	vst v1;
	v1 =	vadd.s32 v0, v52  }
0x2e1: {  	[tilespmem:$0x13E00] =	vst v1;
	v1 =	vadd.s32 v0, v2;
	v2 =	vld [tilespmem:$0x13E90]  }
0x2e2: {  	[tilespmem:$0x13E10] =	vst v1;
	v1 =	vadd.s32 v0, v3;
	v3 =	vld [tilespmem:$0x13EA0]  }
0x2e3: {  	v56 =	vld [tilespmem:$0x13EB0];
	[tilespmem:$0x13E20] =	vst v1;
	v1 =	vadd.s32 v0, v53  }
0x2e4: {  	v57 =	vld [tilespmem:$0x13EC0];
	[tilespmem:$0x13E30] =	vst v1;
	v1 =	vadd.s32 v0, v54  }
0x2e5: {  	v58 =	vld [tilespmem:$0x13F00];
	[tilespmem:$0x13E40] =	vst v1;
	v1 =	vadd.s32 v0, v55  }
0x2e6: {  	[tilespmem:$0x13E80] =	vst v1;
	v1 =	vadd.s32 v0, v2;
	v2 =	vld [tilespmem:$0x13F10]  }
0x2e7: {  	[tilespmem:$0x13E90] =	vst v1;
	v1 =	vadd.s32 v0, v3;
	v3 =	vld [tilespmem:$0x13F20]  }
0x2e8: {  	v59 =	vld [tilespmem:$0x13F30];
	[tilespmem:$0x13EA0] =	vst v1;
	v1 =	vadd.s32 v0, v56  }
0x2e9: {  	v60 =	vld [tilespmem:$0x13F40];
	[tilespmem:$0x13EB0] =	vst v1;
	v1 =	vadd.s32 v0, v57  }
0x2ea: {  	v61 =	vld [tilespmem:$0x13F80];
	[tilespmem:$0x13EC0] =	vst v1;
	v1 =	vadd.s32 v0, v58  }
0x2eb: {  	[tilespmem:$0x13F00] =	vst v1;
	v1 =	vadd.s32 v0, v2;
	v2 =	vld [tilespmem:$0x13F90]  }
0x2ec: {  	[tilespmem:$0x13F10] =	vst v1;
	v1 =	vadd.s32 v0, v3;
	v3 =	vld [tilespmem:$0x13FA0]  }
0x2ed: {  	v62 =	vld [tilespmem:$0x13FB0];
	[tilespmem:$0x13F20] =	vst v1;
	v1 =	vadd.s32 v0, v59  }
0x2ee: {  	v63 =	vld [tilespmem:$0x13FC0];
	[tilespmem:$0x13F30] =	vst v1;
	v1 =	vadd.s32 v0, v60  }
0x2ef: {  	[tilespmem:$0x13F40] =	vst v1;
	v1 =	vadd.s32 v0, v61  }
.Ltmp15:
0x2f0: {  	[tilespmem:$0x13F80] =	vst v1;
	v1 =	vadd.s32 v0, v2;
	(pc) =	sbr.rel .LBB2_24-.Ltmp15, $4  }
0x2f1: {  	[tilespmem:$0x13F90] =	vst v1;
	v1 =	vadd.s32 v0, v3  }
0x2f2: {  	[tilespmem:$0x13FA0] =	vst v1;
	v1 =	vadd.s32 v0, v62  }
0x2f3: {  	[tilespmem:$0x13FB0] =	vst v1;
	v1 =	vadd.s32 v0, v63  }
0x2f4: {  	[tilespmem:$0x13FC0] =	vst v1  }
.LBB2_19:
0x2f5: {  	p3 =	sne.s32 s0, $0x3  }
0x2f6: {  	p2 =	sgt.u32 @!p3 s29, $0x7D  }
0x2f7: {  	p2 =	por p3, p2  }
.Ltmp16:
0x2f8: {  	_ = 	snop;
	(pc) =	sbr.rel @p2 .LBB2_20-.Ltmp16, $1  }
0x2f9: {  	_ =	sdelay $0x3  }
0x2fa: {  	s4 =	sadd.s32 s9, s4  }
0x2fb: {  	s5 =	simm.s32 $0x13C00;
	s6 =	simm.s32 $0x15600;
	s30 =	simm.s32 $0x80  }
.Ltmp17:
0x2fc: {  	s31 =	simm.s32 $0x400;
	s4 =	sshrl.u32 s4, $0x3;
	(pc) =	sbr.rel .LBB2_24-.Ltmp17, $4  }
0x2fd: {  	s12 =	simm.s32 $0x14C00;
	p2 =	por $0x1, $0x1;
	s4 =	smul.u32 $0x500, s4  }
0x2fe: {  	[tilespmem:s6], [sflag:$0x1] =	stream.indirect.gather [hbm4b:s1+s24], $0x80, s5, s24, $0xb8;
	[tilespmem:$0x1F600] =	vst v63  }
0x2ff: {  	s6 =	simm.s32 $0x7;
	s5 =	rddreg [dreg:$0x13];
	s4 =	sadd.s32 s7, s4  }
0x300: {  	[tilespmem:s12], [sflag:$0x7] =	stream.strided.gather [hbm4b:s4+s30], $0x500, s31, s30, $0x38;
	[tilespmem:$0x1F600] =	vst v63  }
.LBB2_22:
0x301: {  	s5 =	smov.u32 @p0 s5;
	s6 =	smov.u32 @p0 s6;
	p2 =	por @!p0 p2, p2  }
.LBB2_24:
0x302: {  	_ =	swait.ge [sflag:s8], $0x2800  }
0x303: {  	[sflag:s8] =	ssyncset.done $0x0  }
0x304: {  	[sflag:s8] =	ssyncadd.s32 $0xFFFFD800  }
0x305: {  	_ =	swait.ge [sflag:s11], $0x500  }
0x306: {  	[sflag:s11] =	ssyncset.done $0x0  }
0x307: {  	[sflag:s11] =	ssyncadd.s32 $0xFFFFFB00  }
0x308: {  	_ =	swait.ge [sflag:s17], $0x2800  }
0x309: {  	[sflag:s17] =	ssyncset.done $0x0  }
0x30a: {  	s4 =	simm.s32 $0x15110;
	[sflag:s17] =	ssyncadd.s32 $0xFFFFD800  }
0x30b: {  	s26 =	simm.s32 $0x17E80;
	v6 =	vld [tilespmem:s4+$0x0]  }
0x30c: {  	v1 =	vld [tilespmem:s26+$0x0];
	_ =	sdelay $0x4  }
0x30d: {  	v1 =	vmul.f32 v1, v6  }
0x30e: {  	s18 =	simm.s32 $0x1CE80  }
0x30f: {  	[tilespmem:s18+$0x0] =	vst v1  }
0x310: {  	v1 =	vld [tilespmem:s26+$0x10];
	_ =	sdelay $0x1  }
0x311: {  	v2 =	vld [tilespmem:s26+$0xFFFFFF80]  }
0x312: {  	v8 =	vld [tilespmem:s4+$0xFFFFFFF0];
	_ =	sdelay $0x1  }
0x313: {  	s19 =	simm.s32 $0x15130;
	v1 =	vmul.f32 v1, v6  }
0x314: {  	s21 =	simm.s32 $0x17F80;
	v9 =	vld [tilespmem:s19+$0x0]  }
0x315: {  	v3 =	vld [tilespmem:s21+$0x0];
	[tilespmem:s18+$0x10] =	vst v1  }
0x316: {  	v2 =	vmul.f32 v2, v8;
	v1 =	vld [tilespmem:s26+$0x20];
	_ =	sdelay $0x1  }
0x317: {  	[tilespmem:s18+$0xFFFFFF80] =	vst v2  }
0x318: {  	v2 =	vld [tilespmem:s26+$0xFFFFFF90]  }
0x319: {  	v5 =	vld [tilespmem:s21+$0xFFFFFF80];
	v3 =	vmul.f32 v3, v9  }
0x31a: {  	s13 =	simm.s32 $0x1CF80;
	v4 =	vmul.f32 v1, v6;
	v1 =	vld [tilespmem:s19+$0xFFFFFFF0]  }
0x31b: {  	[tilespmem:s13+$0x0] =	vst v3  }
0x31c: {  	v3 =	vld [tilespmem:s21+$0x10];
	[tilespmem:s18+$0x20] =	vst v4  }
0x31d: {  	v2 =	vmul.f32 v2, v8;
	v4 =	vld [tilespmem:s26+$0x30];
	_ =	sdelay $0x1  }
0x31e: {  	[tilespmem:s18+$0xFFFFFF90] =	vst v2;
	v2 =	vmul.f32 v5, v1;
	_ =	sdelay $0x1  }
0x31f: {  	[tilespmem:s13+$0xFFFFFF80] =	vst v2;
	v2 =	vmul.f32 v3, v9  }
0x320: {  	v4 =	vmul.f32 v4, v6  }
0x321: {  	v5 =	vld [tilespmem:s26+$0xFFFFFFA0];
	[tilespmem:s13+$0x10] =	vst v2  }
0x322: {  	[tilespmem:s18+$0x30] =	vst v4;
	v7 =	vld [tilespmem:s21+$0x20]  }
0x323: {  	s19 =	simm.s32 $0x18080;
	v4 =	vld [tilespmem:s26+$0x40]  }
0x324: {  	s25 =	simm.s32 $0x15150;
	v10 =	vld [tilespmem:s19+$0x0]  }
0x325: {  	v2 =	vld [tilespmem:s25+$0x0]  }
0x326: {  	v3 =	vld [tilespmem:s21+$0xFFFFFF90];
	v5 =	vmul.f32 v5, v8  }
0x327: {  	v7 =	vmul.f32 v7, v9  }
0x328: {  	v11 =	vld [tilespmem:s19+$0xFFFFFF80];
	[tilespmem:s18+$0xFFFFFFA0] =	vst v5;
	v4 =	vmul.f32 v4, v6  }
0x329: {  	v5 =	vld [tilespmem:s26+$0xFFFFFFB0];
	[tilespmem:s13+$0x20] =	vst v7  }
0x32a: {  	v10 =	vmul.f32 v10, v2;
	[tilespmem:s18+$0x40] =	vst v4;
	v7 =	vld [tilespmem:s21+$0x30]  }
0x32b: {  	s4 =	simm.s32 $0x1D080;
	v12 =	vmul.f32 v3, v1;
	v4 =	vld [tilespmem:s26+$0x50]  }
0x32c: {  	v3 =	vld [tilespmem:s25+$0xFFFFFFF0];
	[tilespmem:s4+$0x0] =	vst v10  }
0x32d: {  	[tilespmem:s13+$0xFFFFFF90] =	vst v12;
	v10 =	vld [tilespmem:s19+$0x10]  }
0x32e: {  	v12 =	vld [tilespmem:s21+$0xFFFFFFA0];
	v5 =	vmul.f32 v5, v8  }
0x32f: {  	s31 =	simm.s32 $0x18180;
	v7 =	vmul.f32 v7, v9  }
0x330: {  	v14 =	vld [tilespmem:s31+$0x0];
	[tilespmem:s18+$0xFFFFFFB0] =	vst v5;
	v4 =	vmul.f32 v4, v6  }
0x331: {  	v11 =	vmul.f32 v11, v3;
	v5 =	vld [tilespmem:s26+$0xFFFFFFC0];
	[tilespmem:s13+$0x30] =	vst v7  }
0x332: {  	v16 =	vld [tilespmem:s31+$0xFFFFFF80];
	[tilespmem:s18+$0x50] =	vst v4;
	v4 =	vmul.f32 v10, v2  }
0x333: {  	[tilespmem:s4+$0xFFFFFF80] =	vst v11;
	v11 =	vmul.f32 v12, v1;
	v7 =	vld [tilespmem:s21+$0x40]  }
0x334: {  	v12 =	vld [tilespmem:s19+$0xFFFFFF90];
	[tilespmem:s4+$0x10] =	vst v4  }
0x335: {  	[tilespmem:s13+$0xFFFFFFA0] =	vst v11;
	v11 =	vld [tilespmem:s19+$0x20]  }
0x336: {  	s12 =	simm.s32 $0x15170;
	v10 =	vld [tilespmem:s21+$0xFFFFFFB0];
	v5 =	vmul.f32 v5, v8  }
0x337: {  	v4 =	vld [tilespmem:s12+$0x0]  }
0x338: {  	v13 =	vld [tilespmem:s26+$0x60];
	[tilespmem:s18+$0xFFFFFFC0] =	vst v5;
	v7 =	vmul.f32 v7, v9  }
0x339: {  	v12 =	vmul.f32 v12, v3;
	v15 =	vld [tilespmem:s26+$0xFFFFFFD0]  }
0x33a: {  	v5 =	vld [tilespmem:s12+$0xFFFFFFF0];
	[tilespmem:s13+$0x40] =	vst v7;
	v11 =	vmul.f32 v11, v2  }
0x33b: {  	[tilespmem:s4+$0xFFFFFF90] =	vst v12;
	v7 =	vmul.f32 v10, v1;
	v10 =	vld [tilespmem:s21+$0x50]  }
0x33c: {  	v12 =	vmul.f32 v14, v4;
	v14 =	vld [tilespmem:s19+$0xFFFFFFA0];
	[tilespmem:s4+$0x20] =	vst v11  }
0x33d: {  	s25 =	simm.s32 $0x1D180;
	[tilespmem:s13+$0xFFFFFFB0] =	vst v7;
	v11 =	vmul.f32 v13, v6;
	v7 =	vld [tilespmem:s19+$0x30]  }
0x33e: {  	[tilespmem:s25+$0x0] =	vst v12;
	v13 =	vmul.f32 v15, v8;
	v12 =	vld [tilespmem:s21+$0xFFFFFFC0]  }
0x33f: {  	v15 =	vld [tilespmem:s31+$0x10];
	[tilespmem:s18+$0x60] =	vst v11;
	v11 =	vmul.f32 v16, v5  }
0x340: {  	[tilespmem:s18+$0xFFFFFFD0] =	vst v13;
	v60 =	vld [tilespmem:s26+$0x70];
	v10 =	vmul.f32 v10, v9  }
0x341: {  	v13 =	vld [tilespmem:s26+$0xFFFFFFE0];
	[tilespmem:s25+$0xFFFFFF80] =	vst v11;
	v11 =	vmul.f32 v14, v3  }
0x342: {  	v14 =	vld [tilespmem:s31+$0xFFFFFF90];
	[tilespmem:s13+$0x50] =	vst v10;
	v7 =	vmul.f32 v7, v2  }
0x343: {  	v10 =	vmul.f32 v12, v1;
	[tilespmem:s4+$0xFFFFFFA0] =	vst v11;
	v11 =	vld [tilespmem:s21+$0x60]  }
0x344: {  	v12 =	vmul.f32 v15, v4;
	v15 =	vld [tilespmem:s19+$0xFFFFFFB0];
	[tilespmem:s4+$0x30] =	vst v7  }
0x345: {  	[tilespmem:s13+$0xFFFFFFC0] =	vst v10;
	v7 =	vld [tilespmem:s19+$0x40]  }
0x346: {  	[tilespmem:s25+$0x10] =	vst v12;
	v10 =	vld [tilespmem:s21+$0xFFFFFFD0]  }
0x347: {  	s12 =	simm.s32 $0x15190;
	v12 =	vmul.f32 v60, v6;
	v61 =	vld [tilespmem:s31+$0x20]  }
0x348: {  	s28 =	simm.s32 $0x18280;
	v6 =	vld [tilespmem:s12+$0x0];
	v11 =	vmul.f32 v11, v9  }
0x349: {  	[tilespmem:s18+$0x70] =	vst v12;
	v12 =	vmul.f32 v13, v8;
	v13 =	vld [tilespmem:s28+$0x0]  }
0x34a: {  	[tilespmem:s13+$0x60] =	vst v11;
	v11 =	vld [tilespmem:s28+$0xFFFFFF80];
	v7 =	vmul.f32 v7, v2  }
0x34b: {  	v14 =	vmul.f32 v14, v5;
	[tilespmem:s18+$0xFFFFFFE0] =	vst v12;
	v12 =	vld [tilespmem:s21+$0x70]  }
0x34c: {  	v16 =	vmul.f32 v61, v4;
	[tilespmem:s4+$0x40] =	vst v7;
	v7 =	vld [tilespmem:s12+$0xFFFFFFF0]  }
0x34d: {  	[tilespmem:s25+$0xFFFFFF90] =	vst v14;
	v14 =	vmul.f32 v15, v3;
	v15 =	vld [tilespmem:s19+$0x50]  }
0x34e: {  	v62 =	vld [tilespmem:s31+$0xFFFFFFA0];
	v13 =	vmul.f32 v13, v6;
	[tilespmem:s25+$0x20] =	vst v16  }
0x34f: {  	s29 =	simm.s32 $0x1D280;
	v10 =	vmul.f32 v10, v1;
	[tilespmem:s4+$0xFFFFFFB0] =	vst v14;
	v14 =	vld [tilespmem:s31+$0x30]  }
0x350: {  	[tilespmem:s29+$0x0] =	vst v13;
	v13 =	vld [tilespmem:s19+$0xFFFFFFC0];
	v9 =	vmul.f32 v12, v9  }
0x351: {  	[tilespmem:s13+$0xFFFFFFD0] =	vst v10;
	v10 =	vmul.f32 v11, v7;
	v11 =	vld [tilespmem:s28+$0x10]  }
0x352: {  	[tilespmem:s13+$0x70] =	vst v9;
	v12 =	vmul.f32 v15, v2;
	v15 =	vld [tilespmem:s21+$0xFFFFFFE0]  }
0x353: {  	v63 =	vld [tilespmem:s26+$0xFFFFFFF0];
	v9 =	vmul.f32 v62, v5;
	[tilespmem:s29+$0xFFFFFF80] =	vst v10  }
0x354: {  	v10 =	vmul.f32 v14, v4;
	v17 =	vld [tilespmem:s28+$0xFFFFFF90];
	[tilespmem:s4+$0x50] =	vst v12  }
0x355: {  	v13 =	vmul.f32 v13, v3;
	[tilespmem:s25+$0xFFFFFFA0] =	vst v9;
	v9 =	vld [tilespmem:s19+$0x60]  }
0x356: {  	v12 =	vld [tilespmem:s31+$0xFFFFFFB0];
	[tilespmem:s25+$0x30] =	vst v10;
	v14 =	vmul.f32 v11, v6  }
0x357: {  	[tilespmem:s4+$0xFFFFFFC0] =	vst v13;
	v11 =	vld [tilespmem:s31+$0x40];
	v15 =	vmul.f32 v15, v1  }
0x358: {  	v8 =	vmul.f32 v63, v8;
	v10 =	vld [tilespmem:s19+$0xFFFFFFD0];
	[tilespmem:s29+$0x10] =	vst v14  }
0x359: {  	s30 =	simm.s32 $0x8;
	s26 =	simm.s32 $0x18280;
	s12 =	simm.s32 $0x151B0;
	v14 =	vmul.f32 v17, v7;
	v13 =	vld [tilespmem:s28+$0x20];
	[tilespmem:s13+$0xFFFFFFE0] =	vst v15  }
.LBB2_25:
0x35a: {  	v15 =	vld [tilespmem:s12+$0x0];
	s28 =	sadd.s32 $0x100, s28;
	v9 =	vmul.f32 v9, v2;
	[tilespmem:s18+$0xFFFFFFF0] =	vst v8;
	s18 =	smov.u32 s13;
	s13 =	smov.u32 s4  }
0x35b: {  	s30 =	sadd.s32 $0x2, s30;
	s4 =	smov.u32 s25;
	s25 =	smov.u32 s29;
	v8 =	vld [tilespmem:s28+$0x0];
	[tilespmem:s29+$0xFFFFFF90] =	vst v14;
	v12 =	vmul.f32 v12, v5  }
0x35c: {  	p3 =	slt.u32 s30, $0x4E;
	v14 =	vld [tilespmem:s28+$0xFFFFFF80];
	v11 =	vmul.f32 v11, v4;
	[tilespmem:s13+$0x60] =	vst v9  }
0x35d: {  	[tilespmem:s4+$0xFFFFFFB0] =	vst v12;
	v9 =	vmul.f32 v10, v3;
	v10 =	vld [tilespmem:s19+$0x70]  }
0x35e: {  	v16 =	vld [tilespmem:s12+$0xFFFFFFF0];
	v12 =	vmul.f32 v13, v6;
	[tilespmem:s4+$0x40] =	vst v11  }
0x35f: {  	v11 =	vld [tilespmem:s31+$0x50];
	[tilespmem:s13+$0xFFFFFFD0] =	vst v9  }
0x360: {  	v8 =	vmul.f32 v8, v15;
	v9 =	vld [tilespmem:s26+$0xFFFFFFA0];
	[tilespmem:s29+$0x20] =	vst v12  }
0x361: {  	s29 =	sadd.s32 $0x100, s29;
	v12 =	vld [tilespmem:s26+$0x30]  }
0x362: {  	[tilespmem:s29+$0x0] =	vst v8;
	v8 =	vld [tilespmem:s31+$0xFFFFFFC0];
	v10 =	vmul.f32 v10, v2;
	v2 =	vmovc v4;
	v4 =	vmov v6;
	v6 =	vmov v15  }
0x363: {  	v13 =	vmul.f32 v14, v16;
	v14 =	vld [tilespmem:s28+$0x10]  }
0x364: {  	v11 =	vmul.f32 v11, v2;
	v15 =	vld [tilespmem:s19+$0xFFFFFFE0];
	[tilespmem:s13+$0x70] =	vst v10  }
0x365: {  	[tilespmem:s29+$0xFFFFFF80] =	vst v13;
	v9 =	vmul.f32 v9, v7;
	v13 =	vld [tilespmem:s21+$0xFFFFFFF0];
	s21 =	smov.u32 s19;
	s19 =	smov.u32 s31;
	s31 =	smov.u32 s26  }
0x366: {  	s26 =	smov.u32 s28;
	v17 =	vld [tilespmem:s28+$0xFFFFFF90];
	v10 =	vmul.f32 v12, v4;
	[tilespmem:s4+$0x50] =	vst v11  }
.Ltmp18:
0x367: {  	[tilespmem:s25+$0xFFFFFFA0] =	vst v9;
	v8 =	vmul.f32 v8, v5;
	v9 =	vld [tilespmem:s19+$0x60];
	(pc) =	sbr.rel @p3 .LBB2_25-.Ltmp18, $4  }
0x368: {  	v14 =	vmul.f32 v14, v6;
	v12 =	vld [tilespmem:s31+$0xFFFFFFB0];
	[tilespmem:s25+$0x30] =	vst v10  }
0x369: {  	v11 =	vld [tilespmem:s31+$0x40];
	[tilespmem:s4+$0xFFFFFFC0] =	vst v8;
	v15 =	vmul.f32 v15, v3  }
0x36a: {  	[tilespmem:s29+$0x10] =	vst v14;
	v10 =	vld [tilespmem:s19+$0xFFFFFFD0];
	v8 =	vmul.f32 v13, v1;
	v1 =	vmovc v3;
	v3 =	vmovc v5;
	v5 =	vmov v7;
	v7 =	vmov v16  }
0x36b: {  	s12 =	sadd.s32 $0x20, s12;
	v14 =	vmul.f32 v17, v7;
	v13 =	vld [tilespmem:s28+$0x20];
	[tilespmem:s13+$0xFFFFFFE0] =	vst v15  }
0x36c: {  	_ = 	snop  }
0x36d: {  	[tilespmem:s29+$0xFFFFFF90] =	vst v14  }
0x36e: {  	v14 =	vld [tilespmem:s26+$0xFFFFFFA0];
	_ =	sdelay $0x2  }
0x36f: {  	v13 =	vmul.f32 v13, v6;
	_ =	sdelay $0x1  }
0x370: {  	[tilespmem:s29+$0x20] =	vst v13;
	v44 =	vmul.f32 v14, v7  }
0x371: {  	v45 =	vld [tilespmem:s26+$0x30]  }
0x372: {  	[tilespmem:s29+$0xFFFFFFA0] =	vst v44  }
0x373: {  	v13 =	vld [tilespmem:s26+$0xFFFFFFB0];
	_ =	sdelay $0x2  }
0x374: {  	v14 =	vmul.f32 v45, v6  }
0x375: {  	v12 =	vmul.f32 v12, v5  }
0x376: {  	[tilespmem:s29+$0x30] =	vst v14;
	v13 =	vmul.f32 v13, v7  }
0x377: {  	[tilespmem:s25+$0xFFFFFFB0] =	vst v12;
	v46 =	vld [tilespmem:s26+$0x40]  }
0x378: {  	v47 =	vld [tilespmem:s31+$0xFFFFFFC0];
	[tilespmem:s29+$0xFFFFFFB0] =	vst v13  }
0x379: {  	v13 =	vld [tilespmem:s26+$0xFFFFFFC0]  }
0x37a: {  	v11 =	vmul.f32 v11, v4;
	_ =	sdelay $0x1  }
0x37b: {  	[tilespmem:s25+$0x40] =	vst v11;
	v48 =	vmul.f32 v46, v6  }
0x37c: {  	v49 =	vld [tilespmem:s31+$0x50];
	v14 =	vmul.f32 v47, v5  }
0x37d: {  	[tilespmem:s29+$0x40] =	vst v48;
	v50 =	vmul.f32 v13, v7  }
0x37e: {  	[tilespmem:s25+$0xFFFFFFC0] =	vst v14;
	v51 =	vld [tilespmem:s26+$0x50]  }
0x37f: {  	v14 =	vld [tilespmem:s31+$0xFFFFFFD0];
	[tilespmem:s29+$0xFFFFFFC0] =	vst v50  }
0x380: {  	v11 =	vld [tilespmem:s26+$0xFFFFFFD0]  }
0x381: {  	v12 =	vmul.f32 v49, v4  }
0x382: {  	v10 =	vmul.f32 v10, v3  }
0x383: {  	[tilespmem:s25+$0x50] =	vst v12;
	v52 =	vmul.f32 v51, v6  }
0x384: {  	[tilespmem:s4+$0xFFFFFFD0] =	vst v10;
	v53 =	vld [tilespmem:s31+$0x60];
	v54 =	vmul.f32 v14, v5  }
0x385: {  	v55 =	vld [tilespmem:s19+$0xFFFFFFE0];
	[tilespmem:s29+$0x50] =	vst v52;
	v11 =	vmul.f32 v11, v7  }
0x386: {  	[tilespmem:s25+$0xFFFFFFD0] =	vst v54;
	v12 =	vld [tilespmem:s26+$0x60]  }
0x387: {  	v9 =	vmul.f32 v9, v2;
	v13 =	vld [tilespmem:s31+$0xFFFFFFE0];
	[tilespmem:s29+$0xFFFFFFD0] =	vst v11  }
0x388: {  	v11 =	vld [tilespmem:s26+$0xFFFFFFE0]  }
0x389: {  	[tilespmem:s4+$0x60] =	vst v9;
	v56 =	vmul.f32 v53, v4  }
0x38a: {  	v57 =	vld [tilespmem:s19+$0x70];
	v14 =	vmul.f32 v55, v3  }
0x38b: {  	v58 =	vld [tilespmem:s21+$0xFFFFFFF0];
	[tilespmem:s25+$0x60] =	vst v56;
	v12 =	vmul.f32 v12, v6  }
0x38c: {  	v59 =	vld [tilespmem:s31+$0x70];
	[tilespmem:s4+$0xFFFFFFE0] =	vst v14;
	v13 =	vmul.f32 v13, v5  }
0x38d: {  	v60 =	vld [tilespmem:s19+$0xFFFFFFF0];
	[tilespmem:s29+$0x60] =	vst v12;
	v11 =	vmul.f32 v11, v7  }
0x38e: {  	[tilespmem:s25+$0xFFFFFFE0] =	vst v13;
	v61 =	vld [tilespmem:s26+$0x70]  }
0x38f: {  	v2 =	vmul.f32 v57, v2;
	v62 =	vld [tilespmem:s31+$0xFFFFFFF0];
	[tilespmem:s29+$0xFFFFFFE0] =	vst v11  }
0x390: {  	[tilespmem:s18+$0xFFFFFFF0] =	vst v8;
	v1 =	vmul.f32 v58, v1;
	v63 =	vld [tilespmem:s26+$0xFFFFFFF0]  }
0x391: {  	[tilespmem:s4+$0x70] =	vst v2;
	v2 =	vmul.f32 v59, v4  }
0x392: {  	[tilespmem:s13+$0xFFFFFFF0] =	vst v1;
	v1 =	vmul.f32 v60, v3  }
0x393: {  	[tilespmem:s25+$0x70] =	vst v2;
	v2 =	vmul.f32 v61, v6  }
0x394: {  	p3 =	sgt.u32 @!p1 s5, $0x7D;
	[tilespmem:s4+$0xFFFFFFF0] =	vst v1;
	v1 =	vmul.f32 v62, v5  }
0x395: {  	s30 =	sshll.u32 s6, $0x7;
	p1 =	por p3, p1;
	[tilespmem:s29+$0x70] =	vst v2;
	v2 =	vmul.f32 v63, v7  }
0x396: {  	s6 =	sshrl.u32 @!p1 s15, $0x2;
	s4 =	sand.u32 $0x3FFFFF80, s30;
	[tilespmem:s25+$0xFFFFFFF0] =	vst v1  }
0x397: {  	s12 =	simm.s32 @!p1 $0x50;
	s4 =	sadd.s32 $0x14800, s4;
	s31 =	simm.s32 $0x1CE00;
	[tilespmem:s29+$0xFFFFFFF0] =	vst v2  }
0x398: {  	[spmem:s2] =	stream.indirect.scatter.add.f32 [tilespmem:s31], [sflag:$0x4], $0x80, s4, s24, $0xb8;
	[tilespmem:$0x1F600] =	vst v63  }
0x399: {  	s6 =	sadd.s32 @!p1 $0x14180, s6;
	s13 =	simm.s32 @!p1 $0x17E00;
	s4 =	sadd.s32 $0x2, s5  }
0x39a: {  	[tilespmem:s13], [sflag:$0x2] =	stream.indirect.gather @!p1 [hbm4b:s1+s12], $0x80, s6, s12, $0xb8;
	[tilespmem:$0x1F600] =	vst v63  }
0x39b: {  	s6 =	sadd.s32 @!p1 s9, s4  }
0x39c: {  	s6 =	sshrl.u32 @!p1 s6, $0x3  }
0x39d: {  	s12 =	sshll.u32 @!p1 s4, $0x7;
	s6 =	smul.u32 @!p1 $0x2800, s6  }
0x39e: {  	s12 =	sand.u32 @!p1 $0x380, s12  }
0x39f: {  	p6 =	sgt.u32 s5, $0x7D;
	s6 =	sor.u32 @!p1 s12, s6  }
0x3a0: {  	p2 =	por !p2, !p2;
	s15 =	simm.s32 @!p1 $0x15100;
	s6 =	sshrl.u32 @!p1 s6, $0x3  }
0x3a1: {  	s13 =	simm.s32 @!p1 $0x400;
	s12 =	simm.s32 @!p1 $0x80;
	s6 =	sadd.s32 @!p1 s7, s6  }
0x3a2: {  	[tilespmem:s15], [sflag:$0x8] =	stream.strided.gather @!p1 [hbm4b:s6+s12], $0x500, s13, s12, $0x38;
	[tilespmem:$0x1F600] =	vst v63  }
0x3a3: {  	p1 =	por p6, p2  }
0x3a4: {  	s5 =	simm.s32 @!p1 $0x50;
	s6 =	simm.s32 @!p1 $0x13C80;
	s12 =	simm.s32 @!p1 $0x17E00  }
0x3a5: {  	[tilespmem:s12], [sflag:$0x2] =	stream.indirect.gather @!p1 [hbm4b:s1+s5], $0x80, s6, s5, $0xb8;
	[tilespmem:$0x1F600] =	vst v63  }
0x3a6: {  	s5 =	sadd.s32 @!p1 s9, s4  }
0x3a7: {  	s5 =	sshrl.u32 @!p1 s5, $0x3  }
0x3a8: {  	s4 =	sshll.u32 @!p1 s4, $0x7;
	s5 =	smul.u32 @!p1 $0x2800, s5  }
0x3a9: {  	s4 =	sand.u32 @!p1 $0x380, s4  }
0x3aa: {  	s4 =	sor.u32 @!p1 s4, s5  }
0x3ab: {  	s0 =	sadd.s32 $0x1, s0;
	s6 =	simm.s32 @!p1 $0x400;
	s4 =	sshrl.u32 @!p1 s4, $0x3  }
0x3ac: {  	s12 =	simm.s32 @!p1 $0x15100;
	s5 =	simm.s32 @!p1 $0x80;
	s4 =	sadd.s32 @!p1 s7, s4  }
0x3ad: {  	[tilespmem:s12], [sflag:$0x8] =	stream.strided.gather @!p1 [hbm4b:s4+s5], $0x500, s6, s5, $0x38;
	[tilespmem:$0x1F600] =	vst v63  }
0x3ae: {  	p1 =	sne.s32 s0, $0x4  }
.Ltmp19:
0x3af: {  	_ = 	snop;
	(pc) =	sbr.rel @p1 .LBB2_15-.Ltmp19, $4  }
.Ltmp20:
0x3b0: {  	_ = 	snop;
	(pc) =	sbr.rel @!p1 .LBB2_27-.Ltmp20, $4  }
0x3b1: {  	_ = 	snop  }
0x3b2: {  	_ = 	snop  }
0x3b3: {  	_ = 	snop  }
0x3b4: {  	_ = 	snop  }
.LBB2_20:
.Ltmp21:
0x3b5: {  	(pc) =	sbr.rel .LBB2_21-.Ltmp21, $3  }
0x3b6: {  	_ =	sdelay $0x1  }
0x3b7: {  	p2 =	por p1, p1  }
0x3b8: {  	p2 =	por @!p3 p1, p1  }
.LBB2_29:
0x3b9: {  	_ =	sfence.sel $0x180000  }
0x3ba: {  	[bflag:$0x0] =	sbarrier.arrive $0xFFFF  }
0x3bb: {  	_ =	strace $0x90000047  }
0x3bc: {  	s0 =	stileid.u32;
	[bflag:$0x2] =	sbarrier.arrive $0xFFFF  }
0x3bd: {  	p0 =	sne.s32 s0, $0x0;
	s0 =	rddreg [dreg:$0x3]  }
0x3be: {  	s0 =	sadd.s32 @!p0 $0x100000, s0  }
0x3bf: {  	[sflag:s0] =	ssyncadd.tile.s32 @!p0 $0x1;
	_ =	shalt  }
.Lfunc_end2:
_tile_overlayer_lowered:
.L_overlay_start_2:
0x3c0: {  	(tag) =	ssettag $0x2  }
0x3c1: {  	s0 =	rddreg [dreg:$0x0];
	s2 =	stileid.u32  }
0x3c2: {  	s1 =	rddreg [dreg:$0x1];
	p0 =	sne.s32 s2, $0x0  }
0x3c3: {  	s3 =	rddreg [dreg:$0x2];
	[bflag:$0x3] =	sbarrier.arrive $0xFFFF;
	s2 =	simm.s32 @!p0 $0x1C09  }
0x3c4: {  	[timem:s3], [sflag:s2] =	dma.local @!p0 [hbm:s0], s1  }
0x3c5: {  	s0 =	simm.s32 @!p0 $0x9  }
0x3c6: {  	_ =	swait.ge @!p0 [sflag:s0], s1  }
0x3c7: {  	s1 =	ssub.s32 @!p0 $0x0, s1;
	[sflag:s0] =	ssyncset.done @!p0 $0x0  }
0x3c8: {  	[sflag:s0] =	ssyncadd.s32 @!p0 s1  }
0x3c9: {  	[bflag:$0x3] =	sbarrier.arrive $0xFFFF  }
0x3ca: {  	_ =	shalt  }

</sc_bundles>
